<compile_context>
chip_gen: v7x
topology: tpu7x:2x2x1
jax: 0.10.2.dev20260603
libtpu: 0.0.44.dev20260713+nightly
codegen_flags: <defaults>
</compile_context>

<pallas_src>
import functools

import jax
import jax.numpy as jnp
from jax import lax
from jax.experimental import pallas as pl
from jax.experimental.pallas import tpu as pltpu
from jax.experimental.pallas import tpu_sc as plsc

ROWS, COLS = 8192, 4096
N = ROWS * COLS
NC, NS = 2, 16
NW = NC * NS
CH = 65536
NCHUNK = N // CH
CPW = NCHUNK // NW
S = 8192
SSH = 13
U = 8
NBND = 520

_mesh = plsc.VectorSubcoreMesh(core_axis_name="c", subcore_axis_name="s")


@functools.partial(
    pl.kernel,
    out_type=jax.ShapeDtypeStruct((N,), jnp.float32),
    mesh=_mesh,
    compiler_params=pltpu.CompilerParams(
        use_tc_tiling_on_sc=False, needs_layout_passes=False),
    scratch_types=[
        pltpu.VMEM((CH,), jnp.float32),
        pltpu.VMEM((2, S), jnp.int32),
        pltpu.VMEM((2, S), jnp.float32),
        pltpu.VMEM((NBND,), jnp.int32),
        pltpu.SemaphoreType.DMA,
        pltpu.SemaphoreType.DMA,
        pltpu.SemaphoreType.DMA,
        pltpu.SemaphoreType.DMA,
        pltpu.SemaphoreType.DMA,
    ],
)
def _apply_sc(x_hbm, sk_hbm, sv_hbm, bnd_hbm, out_hbm,
              acc, kbuf, vbuf, bndb, semx, semk0, semv0, semk1, semv1):
    w = lax.axis_index("s") * NC + lax.axis_index("c")
    pltpu.sync_copy(bnd_hbm, bndb)
    lanes = lax.iota(jnp.int32, 16)
    nextlane = jnp.minimum(lanes + 1, 15)
    is_last_lane = lanes == 15

    def chunk_body(cc, carry):
        c = w * CPW + cc
        base = c * CH
        cx = pltpu.async_copy(x_hbm.at[pl.ds(base, CH)], acc, semx)
        bv = bndb[pl.ds(c, 16)]
        lo = jnp.bitwise_and(bv[0], -8)
        hi = bv[1]
        nb = (hi - lo + (S - 1)) >> SSH

        def off_of(b):
            return pl.multiple_of(jnp.minimum(lo + b * S, N - S), 8)

        def start(b, p, semk, semv):
            off = off_of(b)
            pltpu.async_copy(sk_hbm.at[pl.ds(off, S)], kbuf.at[p], semk)
            pltpu.async_copy(sv_hbm.at[pl.ds(off, S)], vbuf.at[p], semv)

        def wait(b, p, semk, semv):
            off = off_of(b)
            pltpu.make_async_copy(
                sk_hbm.at[pl.ds(off, S)], kbuf.at[p], semk).wait()
            pltpu.make_async_copy(
                sv_hbm.at[pl.ds(off, S)], vbuf.at[p], semv).wait()

        def compute(b, p):
            off = off_of(b)
            vt = (jnp.minimum(hi - off, S) + (16 * U - 1)) >> 7

            def vec_body(v, carry):
                for u in range(U):
                    t = (v * U + u) * 16
                    kv = kbuf[p, pl.ds(t, 16)]
                    vv = vbuf[p, pl.ds(t, 16)]
                    local = kv - base
                    inrange = (kv >= base) & (kv < base + CH)
                    knext = lax.gather(
                        kv, nextlane[:, None],
                        dimension_numbers=lax.GatherDimensionNumbers(
                            offset_dims=(), collapsed_slice_dims=(0,),
                            start_index_map=(0,)),
                        slice_sizes=(1,),
                        mode=lax.GatherScatterMode.PROMISE_IN_BOUNDS)
                    runend = (kv != knext) | is_last_lane
                    plsc.store_scatter(acc, [local], vv,
                                       mask=inrange & runend)
                return carry

            lax.fori_loop(0, vt, vec_body, 0)

        @pl.when(nb > 0)
        def _():
            start(0, 0, semk0, semv0)
        cx.wait()

        def pair_body(t, carry):
            b0 = 2 * t
            wait(b0, 0, semk0, semv0)

            @pl.when(b0 + 1 < nb)
            def _():
                start(b0 + 1, 1, semk1, semv1)
            compute(b0, 0)

            @pl.when(b0 + 1 < nb)
            def _():
                wait(b0 + 1, 1, semk1, semv1)

                @pl.when(b0 + 2 < nb)
                def _():
                    start(b0 + 2, 0, semk0, semv0)
                compute(b0 + 1, 1)
            return carry

        carry = lax.fori_loop(0, (nb + 1) >> 1, pair_body, carry)
        pltpu.sync_copy(acc, out_hbm.at[pl.ds(base, CH)])
        return carry

    lax.fori_loop(0, CPW, chunk_body, 0)


def kernel(x, index, src):
    rows, cols = x.shape
    n = rows * cols
    col = jnp.broadcast_to(jnp.arange(cols, dtype=jnp.int32)[None, :],
                           index.shape)
    lin = index.astype(jnp.int32) * cols + col
    sk, sv = lax.sort((lin.reshape(n), src.reshape(n)), dimension=0,
                      is_stable=False, num_keys=1)
    queries = jnp.minimum(jnp.arange(NBND, dtype=jnp.int32) * CH, n)
    bnd = jnp.searchsorted(sk, queries, side="left").astype(jnp.int32)
    out = _apply_sc(x.reshape(n), sk, sv, bnd)
    return out.reshape(rows, cols)

# --- scband reference (transcript-rebuilt; emitter-appended) ---
"""Pipeline reference for scband-bench-torch-scatter-9517647528311 (READ-ONLY COPY).

The authoritative reference and input builder live on the scoring server;
editing this copy changes nothing except your own understanding.
"""

import jax, jax.numpy as jnp
import numpy as np

DIMS = (8192, 4096)
AXIS = 0

def setup_inputs(seed: int = 0) -> dict:
    key = jax.random.key(seed)
    k1, k2, k3 = jax.random.split(key, 3)
    x = jax.random.normal(k1, DIMS, dtype=jnp.float32)
    # index/src are constructed inside __init__ in the torch module; materialize here as params
    index = jax.random.randint(k2, DIMS, 0, DIMS[AXIS]).astype(jnp.int64)
    src = jax.random.uniform(k3, DIMS, dtype=jnp.float32)
    return {"x": x, "index": index, "src": src}

def reference(x, index, src):
    # torch.scatter(x, 0, index, src): out[index[i, j], j] = src[i, j]
    rows, cols = x.shape
    col_idx = jnp.broadcast_to(jnp.arange(cols)[None, :], index.shape)
    out = x.at[index, col_idx].set(src)
    return out

if __name__ == "__main__":
    import jax
    _d = setup_inputs()
    print(jax.jit(kernel)(*tuple(_d.values())))

</pallas_src>

<mosaic_0001>
#map = affine_map<(d0, d1) -> (0)>
module attributes {stable_mosaic.version = 14 : i64} {
  func.func @_apply_sc(%arg0: i32, %arg1: i32, %arg2: memref<33554432xf32, #tpu.memory_space<hbm>>, %arg3: memref<33554432xi32, #tpu.memory_space<hbm>>, %arg4: memref<33554432xf32, #tpu.memory_space<hbm>>, %arg5: memref<520xi32, #tpu.memory_space<hbm>>, %arg6: memref<33554432xf32, #tpu.memory_space<hbm>>, %arg7: memref<65536xf32, #tpu.memory_space<vmem>>, %arg8: memref<2x8192xi32, #tpu.memory_space<vmem>>, %arg9: memref<2x8192xf32, #tpu.memory_space<vmem>>, %arg10: memref<520xi32, #tpu.memory_space<vmem>>, %arg11: memref<!tpu.dma_semaphore, #tpu.memory_space<semaphore_mem>>, %arg12: memref<!tpu.dma_semaphore, #tpu.memory_space<semaphore_mem>>, %arg13: memref<!tpu.dma_semaphore, #tpu.memory_space<semaphore_mem>>, %arg14: memref<!tpu.dma_semaphore, #tpu.memory_space<semaphore_mem>>, %arg15: memref<!tpu.dma_semaphore, #tpu.memory_space<semaphore_mem>>) attributes {dimension_semantics = [#tpu.dimension_semantics<core_parallel>, #tpu.dimension_semantics<subcore_parallel>], iteration_bounds = array<i64: 2, 16>, scalar_prefetch = 0 : i64, scratch_operands = 9 : i64, tpu.core_type = #tpu.core_type<sc_vector_subcore>, window_params = [{transform_indices = #map}, {transform_indices = #map}, {transform_indices = #map}, {transform_indices = #map}, {transform_indices = #map}]} {
    %mul3A = arith.constant 2 : i32
    %mul3A_0 = arith.muli %arg1, %mul3A : i32
    %add3A = arith.addi %mul3A_0, %arg0 : i32
    "tpu.region"() ({
      %run_scoped3A = tpu.sem_alloc : memref<!tpu.dma_semaphore, #tpu.memory_space<semaphore_mem>>
      tpu.enqueue_dma source(%arg5 : memref<520xi32, #tpu.memory_space<hbm>>) target(%arg10 : memref<520xi32, #tpu.memory_space<vmem>>) target_semaphore(%run_scoped3A : memref<!tpu.dma_semaphore, #tpu.memory_space<semaphore_mem>>)
      tpu.wait_dma2 semaphore(%run_scoped3A : memref<!tpu.dma_semaphore, #tpu.memory_space<semaphore_mem>>) src(%arg5 : memref<520xi32, #tpu.memory_space<hbm>>) dst(%arg10 : memref<520xi32, #tpu.memory_space<vmem>>)
      tpu.yield
    }) : () -> ()
    %iota3A = tpu.iota {dimensions = array<i32: 0>} : vector<16xi32>
    %add3A_1 = arith.constant 1 : i32
    %add3A_2 = vector.broadcast %add3A_1 : i32 to vector<16xi32>
    %add3A_3 = arith.addi %iota3A, %add3A_2 : vector<16xi32>
    %min3A = arith.constant 15 : i32
    %min3A_4 = vector.broadcast %min3A : i32 to vector<16xi32>
    %min3A_5 = arith.minsi %add3A_3, %min3A_4 : vector<16xi32>
    %eq3A = arith.constant 15 : i32
    %eq3A_6 = vector.broadcast %eq3A : i32 to vector<16xi32>
    %eq3A_7 = arith.cmpi eq, %iota3A, %eq3A_6 : vector<16xi32>
    %scan3A = arith.constant 0 : i32
    %scan3A_8 = arith.constant 0 : i32
    %scan3A_9 = arith.constant 16 : i32
    %scan3A_10 = arith.addi %scan3A_8, %scan3A_9 : i32
    %scan3A_11 = arith.constant 1 : i32
    scf.for %scan3A_13 = %scan3A_8 to %scan3A_10 step %scan3A_11  : i32 {
      %mul3A_14 = arith.constant 16 : i32
      %mul3A_15 = arith.muli %add3A, %mul3A_14 : i32
      %add3A_16 = arith.addi %mul3A_15, %scan3A_13 : i32
      %mul3A_17 = arith.constant 65536 : i32
      %mul3A_18 = arith.muli %add3A_16, %mul3A_17 : i32
      %dma_start3A = tpu.memref_slice %arg2[%mul3A_18] : memref<33554432xf32, #tpu.memory_space<hbm>> -> memref<65536xf32, #tpu.memory_space<hbm>>
      %dma_start3A_19 = tpu.memref_slice %arg2[%mul3A_18] : memref<33554432xf32, #tpu.memory_space<hbm>> -> memref<65536xf32, #tpu.memory_space<hbm>>
      tpu.enqueue_dma source(%dma_start3A_19 : memref<65536xf32, #tpu.memory_space<hbm>>) target(%arg7 : memref<65536xf32, #tpu.memory_space<vmem>>) target_semaphore(%arg11 : memref<!tpu.dma_semaphore, #tpu.memory_space<semaphore_mem>>)
      %get3A = arith.index_cast %add3A_16 : i32 to index
      %get3A_20 = tpu.vector_load %arg10[%get3A] {strides = array<i32>} : memref<520xi32, #tpu.memory_space<vmem>>, vector<16xi32>,
      %slice3A = vector.extract_strided_slice %get3A_20 {offsets = [0], sizes = [1], strides = [1]} : vector<16xi32> to vector<1xi32>
      %squeeze3A = vector.extract %slice3A[0] : i32 from vector<1xi32>
      %and3A = arith.constant -8 : i32
      %and3A_21 = arith.andi %squeeze3A, %and3A : i32
      %slice3A_22 = vector.extract_strided_slice %get3A_20 {offsets = [1], sizes = [1], strides = [1]} : vector<16xi32> to vector<1xi32>
      %squeeze3A_23 = vector.extract %slice3A_22[0] : i32 from vector<1xi32>
      %sub3A = arith.subi %squeeze3A_23, %and3A_21 : i32
      %add3A_24 = arith.constant 8191 : i32
      %add3A_25 = arith.addi %sub3A, %add3A_24 : i32
      %shift_right_arithmetic3A = arith.constant 13 : i32
      %shift_right_arithmetic3A_26 = arith.shrsi %add3A_25, %shift_right_arithmetic3A : i32
      %gt3A = arith.constant 0 : i32
      %gt3A_27 = arith.cmpi sgt, %shift_right_arithmetic3A_26, %gt3A : i32
      %convert_element_type3A = arith.extui %gt3A_27 : i1 to i32
      %cond3A = arith.constant 0 : i32
      %cond3A_28 = arith.cmpi ne, %convert_element_type3A, %cond3A : i32
      scf.if %cond3A_28 {
        %add3A_42 = arith.constant 0 : i32
        %add3A_43 = arith.addi %and3A_21, %add3A_42 : i32
        %min3A_44 = arith.constant 33546240 : i32
        %min3A_45 = arith.minsi %add3A_43, %min3A_44 : i32
        %multiple_of3A = tpu.assume_multiple %min3A_45, 8 : i32
        %dma_start3A_46 = arith.constant 0 : i32
        %dma_start3A_47 = arith.constant 0 : i32
        %dma_start3A_48 = tpu.memref_slice %arg8[%dma_start3A_46, %dma_start3A_47] : memref<2x8192xi32, #tpu.memory_space<vmem>> -> memref<1x8192xi32, #tpu.memory_space<vmem>>
        %dma_start3A_49 = tpu.memref_squeeze %dma_start3A_48 : memref<1x8192xi32, #tpu.memory_space<vmem>> -> memref<8192xi32, #tpu.memory_space<vmem>>
        %dma_start3A_50 = tpu.memref_slice %arg3[%multiple_of3A] : memref<33554432xi32, #tpu.memory_space<hbm>> -> memref<8192xi32, #tpu.memory_space<hbm>>
        %dma_start3A_51 = arith.constant 0 : i32
        %dma_start3A_52 = tpu.memref_slice %arg8[%dma_start3A_46, %dma_start3A_51] : memref<2x8192xi32, #tpu.memory_space<vmem>> -> memref<1x8192xi32, #tpu.memory_space<vmem>>
        %dma_start3A_53 = tpu.memref_squeeze %dma_start3A_52 : memref<1x8192xi32, #tpu.memory_space<vmem>> -> memref<8192xi32, #tpu.memory_space<vmem>>
        %dma_start3A_54 = tpu.memref_slice %arg3[%multiple_of3A] : memref<33554432xi32, #tpu.memory_space<hbm>> -> memref<8192xi32, #tpu.memory_space<hbm>>
        tpu.enqueue_dma source(%dma_start3A_54 : memref<8192xi32, #tpu.memory_space<hbm>>) target(%dma_start3A_53 : memref<8192xi32, #tpu.memory_space<vmem>>) target_semaphore(%arg12 : memref<!tpu.dma_semaphore, #tpu.memory_space<semaphore_mem>>)
        %dma_start3A_55 = arith.constant 0 : i32
        %dma_start3A_56 = arith.constant 0 : i32
        %dma_start3A_57 = tpu.memref_slice %arg9[%dma_start3A_55, %dma_start3A_56] : memref<2x8192xf32, #tpu.memory_space<vmem>> -> memref<1x8192xf32, #tpu.memory_space<vmem>>
        %dma_start3A_58 = tpu.memref_squeeze %dma_start3A_57 : memref<1x8192xf32, #tpu.memory_space<vmem>> -> memref<8192xf32, #tpu.memory_space<vmem>>
        %dma_start3A_59 = tpu.memref_slice %arg4[%multiple_of3A] : memref<33554432xf32, #tpu.memory_space<hbm>> -> memref<8192xf32, #tpu.memory_space<hbm>>
        %dma_start3A_60 = arith.constant 0 : i32
        %dma_start3A_61 = tpu.memref_slice %arg9[%dma_start3A_55, %dma_start3A_60] : memref<2x8192xf32, #tpu.memory_space<vmem>> -> memref<1x8192xf32, #tpu.memory_space<vmem>>
        %dma_start3A_62 = tpu.memref_squeeze %dma_start3A_61 : memref<1x8192xf32, #tpu.memory_space<vmem>> -> memref<8192xf32, #tpu.memory_space<vmem>>
        %dma_start3A_63 = tpu.memref_slice %arg4[%multiple_of3A] : memref<33554432xf32, #tpu.memory_space<hbm>> -> memref<8192xf32, #tpu.memory_space<hbm>>
        tpu.enqueue_dma source(%dma_start3A_63 : memref<8192xf32, #tpu.memory_space<hbm>>) target(%dma_start3A_62 : memref<8192xf32, #tpu.memory_space<vmem>>) target_semaphore(%arg13 : memref<!tpu.dma_semaphore, #tpu.memory_space<semaphore_mem>>)
      } else {
      }
      %dma_wait3A = tpu.memref_slice %arg2[%mul3A_18] : memref<33554432xf32, #tpu.memory_space<hbm>> -> memref<65536xf32, #tpu.memory_space<hbm>>
      %dma_wait3A_29 = tpu.memref_slice %arg2[%mul3A_18] : memref<33554432xf32, #tpu.memory_space<hbm>> -> memref<65536xf32, #tpu.memory_space<hbm>>
      tpu.wait_dma2 semaphore(%arg11 : memref<!tpu.dma_semaphore, #tpu.memory_space<semaphore_mem>>) src(%dma_wait3A_29 : memref<65536xf32, #tpu.memory_space<hbm>>) dst(%arg7 : memref<65536xf32, #tpu.memory_space<vmem>>)
      %add3A_30 = arith.constant 1 : i32
      %add3A_31 = arith.addi %shift_right_arithmetic3A_26, %add3A_30 : i32
      %shift_right_arithmetic3A_32 = arith.constant 1 : i32
      %shift_right_arithmetic3A_33 = arith.shrsi %add3A_31, %shift_right_arithmetic3A_32 : i32
      %while3A = arith.constant 0 : i32
      %while3A_34 = arith.subi %shift_right_arithmetic3A_33, %while3A : i32
      %while3A_35 = arith.addi %while3A, %while3A_34 : i32
      %while3A_36 = arith.constant 1 : i32
      %while3A_37 = arith.divsi %while3A_34, %while3A_36 : i32
      %while3A_38 = arith.muli %while3A_37, %while3A_36 : i32
      %while3A_39 = arith.addi %while3A, %while3A_38 : i32
      %while3A_40 = arith.constant 1 : i32
      scf.for %while3A_42 = %while3A to %while3A_39 step %while3A_40  : i32 {
        %mul3A_43 = arith.constant 2 : i32
        %mul3A_44 = arith.muli %mul3A_43, %while3A_42 : i32
        %mul3A_45 = arith.constant 8192 : i32
        %mul3A_46 = arith.muli %mul3A_44, %mul3A_45 : i32
        %add3A_47 = arith.addi %and3A_21, %mul3A_46 : i32
        %min3A_48 = arith.constant 33546240 : i32
        %min3A_49 = arith.minsi %add3A_47, %min3A_48 : i32
        %multiple_of3A = tpu.assume_multiple %min3A_49, 8 : i32
        %dma_wait3A_50 = arith.constant 0 : i32
        %dma_wait3A_51 = arith.constant 0 : i32
        %dma_wait3A_52 = tpu.memref_slice %arg8[%dma_wait3A_50, %dma_wait3A_51] : memref<2x8192xi32, #tpu.memory_space<vmem>> -> memref<1x8192xi32, #tpu.memory_space<vmem>>
        %dma_wait3A_53 = tpu.memref_squeeze %dma_wait3A_52 : memref<1x8192xi32, #tpu.memory_space<vmem>> -> memref<8192xi32, #tpu.memory_space<vmem>>
        %dma_wait3A_54 = tpu.memref_slice %arg3[%multiple_of3A] : memref<33554432xi32, #tpu.memory_space<hbm>> -> memref<8192xi32, #tpu.memory_space<hbm>>
        %dma_wait3A_55 = arith.constant 0 : i32
        %dma_wait3A_56 = tpu.memref_slice %arg8[%dma_wait3A_50, %dma_wait3A_55] : memref<2x8192xi32, #tpu.memory_space<vmem>> -> memref<1x8192xi32, #tpu.memory_space<vmem>>
        %dma_wait3A_57 = tpu.memref_squeeze %dma_wait3A_56 : memref<1x8192xi32, #tpu.memory_space<vmem>> -> memref<8192xi32, #tpu.memory_space<vmem>>
        %dma_wait3A_58 = tpu.memref_slice %arg3[%multiple_of3A] : memref<33554432xi32, #tpu.memory_space<hbm>> -> memref<8192xi32, #tpu.memory_space<hbm>>
        tpu.wait_dma2 semaphore(%arg12 : memref<!tpu.dma_semaphore, #tpu.memory_space<semaphore_mem>>) src(%dma_wait3A_58 : memref<8192xi32, #tpu.memory_space<hbm>>) dst(%dma_wait3A_57 : memref<8192xi32, #tpu.memory_space<vmem>>)
        %dma_wait3A_59 = arith.constant 0 : i32
        %dma_wait3A_60 = arith.constant 0 : i32
        %dma_wait3A_61 = tpu.memref_slice %arg9[%dma_wait3A_59, %dma_wait3A_60] : memref<2x8192xf32, #tpu.memory_space<vmem>> -> memref<1x8192xf32, #tpu.memory_space<vmem>>
        %dma_wait3A_62 = tpu.memref_squeeze %dma_wait3A_61 : memref<1x8192xf32, #tpu.memory_space<vmem>> -> memref<8192xf32, #tpu.memory_space<vmem>>
        %dma_wait3A_63 = tpu.memref_slice %arg4[%multiple_of3A] : memref<33554432xf32, #tpu.memory_space<hbm>> -> memref<8192xf32, #tpu.memory_space<hbm>>
        %dma_wait3A_64 = arith.constant 0 : i32
        %dma_wait3A_65 = tpu.memref_slice %arg9[%dma_wait3A_59, %dma_wait3A_64] : memref<2x8192xf32, #tpu.memory_space<vmem>> -> memref<1x8192xf32, #tpu.memory_space<vmem>>
        %dma_wait3A_66 = tpu.memref_squeeze %dma_wait3A_65 : memref<1x8192xf32, #tpu.memory_space<vmem>> -> memref<8192xf32, #tpu.memory_space<vmem>>
        %dma_wait3A_67 = tpu.memref_slice %arg4[%multiple_of3A] : memref<33554432xf32, #tpu.memory_space<hbm>> -> memref<8192xf32, #tpu.memory_space<hbm>>
        tpu.wait_dma2 semaphore(%arg13 : memref<!tpu.dma_semaphore, #tpu.memory_space<semaphore_mem>>) src(%dma_wait3A_67 : memref<8192xf32, #tpu.memory_space<hbm>>) dst(%dma_wait3A_66 : memref<8192xf32, #tpu.memory_space<vmem>>)
        %add3A_68 = arith.constant 1 : i32
        %add3A_69 = arith.addi %mul3A_44, %add3A_68 : i32
        %lt3A = arith.cmpi slt, %add3A_69, %shift_right_arithmetic3A_26 : i32
        %convert_element_type3A_70 = arith.extui %lt3A : i1 to i32
        %cond3A_71 = arith.constant 0 : i32
        %cond3A_72 = arith.cmpi ne, %convert_element_type3A_70, %cond3A_71 : i32
        scf.if %cond3A_72 {
          %add3A_102 = arith.constant 1 : i32
          %add3A_103 = arith.addi %mul3A_44, %add3A_102 : i32
          %mul3A_104 = arith.constant 8192 : i32
          %mul3A_105 = arith.muli %add3A_103, %mul3A_104 : i32
          %add3A_106 = arith.addi %and3A_21, %mul3A_105 : i32
          %min3A_107 = arith.constant 33546240 : i32
          %min3A_108 = arith.minsi %add3A_106, %min3A_107 : i32
          %multiple_of3A_109 = tpu.assume_multiple %min3A_108, 8 : i32
          %dma_start3A_110 = arith.constant 1 : i32
          %dma_start3A_111 = arith.constant 0 : i32
          %dma_start3A_112 = tpu.memref_slice %arg8[%dma_start3A_110, %dma_start3A_111] : memref<2x8192xi32, #tpu.memory_space<vmem>> -> memref<1x8192xi32, #tpu.memory_space<vmem>>
          %dma_start3A_113 = tpu.memref_squeeze %dma_start3A_112 : memref<1x8192xi32, #tpu.memory_space<vmem>> -> memref<8192xi32, #tpu.memory_space<vmem>>
          %dma_start3A_114 = tpu.memref_slice %arg3[%multiple_of3A_109] : memref<33554432xi32, #tpu.memory_space<hbm>> -> memref<8192xi32, #tpu.memory_space<hbm>>
          %dma_start3A_115 = arith.constant 0 : i32
          %dma_start3A_116 = tpu.memref_slice %arg8[%dma_start3A_110, %dma_start3A_115] : memref<2x8192xi32, #tpu.memory_space<vmem>> -> memref<1x8192xi32, #tpu.memory_space<vmem>>
          %dma_start3A_117 = tpu.memref_squeeze %dma_start3A_116 : memref<1x8192xi32, #tpu.memory_space<vmem>> -> memref<8192xi32, #tpu.memory_space<vmem>>
          %dma_start3A_118 = tpu.memref_slice %arg3[%multiple_of3A_109] : memref<33554432xi32, #tpu.memory_space<hbm>> -> memref<8192xi32, #tpu.memory_space<hbm>>
          tpu.enqueue_dma source(%dma_start3A_118 : memref<8192xi32, #tpu.memory_space<hbm>>) target(%dma_start3A_117 : memref<8192xi32, #tpu.memory_space<vmem>>) target_semaphore(%arg14 : memref<!tpu.dma_semaphore, #tpu.memory_space<semaphore_mem>>)
          %dma_start3A_119 = arith.constant 1 : i32
          %dma_start3A_120 = arith.constant 0 : i32
          %dma_start3A_121 = tpu.memref_slice %arg9[%dma_start3A_119, %dma_start3A_120] : memref<2x8192xf32, #tpu.memory_space<vmem>> -> memref<1x8192xf32, #tpu.memory_space<vmem>>
          %dma_start3A_122 = tpu.memref_squeeze %dma_start3A_121 : memref<1x8192xf32, #tpu.memory_space<vmem>> -> memref<8192xf32, #tpu.memory_space<vmem>>
          %dma_start3A_123 = tpu.memref_slice %arg4[%multiple_of3A_109] : memref<33554432xf32, #tpu.memory_space<hbm>> -> memref<8192xf32, #tpu.memory_space<hbm>>
          %dma_start3A_124 = arith.constant 0 : i32
          %dma_start3A_125 = tpu.memref_slice %arg9[%dma_start3A_119, %dma_start3A_124] : memref<2x8192xf32, #tpu.memory_space<vmem>> -> memref<1x8192xf32, #tpu.memory_space<vmem>>
          %dma_start3A_126 = tpu.memref_squeeze %dma_start3A_125 : memref<1x8192xf32, #tpu.memory_space<vmem>> -> memref<8192xf32, #tpu.memory_space<vmem>>
          %dma_start3A_127 = tpu.memref_slice %arg4[%multiple_of3A_109] : memref<33554432xf32, #tpu.memory_space<hbm>> -> memref<8192xf32, #tpu.memory_space<hbm>>
          tpu.enqueue_dma source(%dma_start3A_127 : memref<8192xf32, #tpu.memory_space<hbm>>) target(%dma_start3A_126 : memref<8192xf32, #tpu.memory_space<vmem>>) target_semaphore(%arg15 : memref<!tpu.dma_semaphore, #tpu.memory_space<semaphore_mem>>)
        } else {
        }
        %mul3A_73 = arith.constant 8192 : i32
        %mul3A_74 = arith.muli %mul3A_44, %mul3A_73 : i32
        %add3A_75 = arith.addi %and3A_21, %mul3A_74 : i32
        %min3A_76 = arith.constant 33546240 : i32
        %min3A_77 = arith.minsi %add3A_75, %min3A_76 : i32
        %multiple_of3A_78 = tpu.assume_multiple %min3A_77, 8 : i32
        %sub3A_79 = arith.subi %squeeze3A_23, %multiple_of3A_78 : i32
        %min3A_80 = arith.constant 8192 : i32
        %min3A_81 = arith.minsi %sub3A_79, %min3A_80 : i32
        %add3A_82 = arith.constant 127 : i32
        %add3A_83 = arith.addi %min3A_81, %add3A_82 : i32
        %shift_right_arithmetic3A_84 = arith.constant 7 : i32
        %shift_right_arithmetic3A_85 = arith.shrsi %add3A_83, %shift_right_arithmetic3A_84 : i32
        %while3A_86 = arith.constant 0 : i32
        %while3A_87 = arith.constant 0 : i32
        %while3A_88 = arith.subi %shift_right_arithmetic3A_85, %while3A_87 : i32
        %while3A_89 = arith.addi %while3A_87, %while3A_88 : i32
        %while3A_90 = arith.constant 1 : i32
        %while3A_91 = arith.divsi %while3A_88, %while3A_90 : i32
        %while3A_92 = arith.muli %while3A_91, %while3A_90 : i32
        %while3A_93 = arith.addi %while3A_87, %while3A_92 : i32
        %while3A_94 = arith.constant 1 : i32
        scf.for %while3A_102 = %while3A_87 to %while3A_93 step %while3A_94  : i32 {
          %mul3A_103 = arith.constant 8 : i32
          %mul3A_104 = arith.muli %while3A_102, %mul3A_103 : i32
          %add3A_105 = arith.constant 0 : i32
          %add3A_106 = arith.addi %mul3A_104, %add3A_105 : i32
          %mul3A_107 = arith.constant 16 : i32
          %mul3A_108 = arith.muli %add3A_106, %mul3A_107 : i32
          %get3A_109 = arith.constant 0 : i32
          %get3A_110 = arith.index_cast %get3A_109 : i32 to index
          %get3A_111 = arith.index_cast %mul3A_108 : i32 to index
          %get3A_112 = tpu.vector_load %arg8[%get3A_110, %get3A_111] {strides = array<i32>} : memref<2x8192xi32, #tpu.memory_space<vmem>>, vector<16xi32>,
          %get3A_113 = arith.constant 0 : i32
          %get3A_114 = arith.index_cast %get3A_113 : i32 to index
          %get3A_115 = arith.index_cast %mul3A_108 : i32 to index
          %get3A_116 = tpu.vector_load %arg9[%get3A_114, %get3A_115] {strides = array<i32>} : memref<2x8192xf32, #tpu.memory_space<vmem>>, vector<16xf32>,
          %sub3A_117 = vector.broadcast %mul3A_18 : i32 to vector<16xi32>
          %sub3A_118 = arith.subi %get3A_112, %sub3A_117 : vector<16xi32>
          %ge3A = vector.broadcast %mul3A_18 : i32 to vector<16xi32>
          %ge3A_119 = arith.cmpi sge, %get3A_112, %ge3A : vector<16xi32>
          %add3A_120 = arith.constant 65536 : i32
          %add3A_121 = arith.addi %mul3A_18, %add3A_120 : i32
          %lt3A_122 = vector.broadcast %add3A_121 : i32 to vector<16xi32>
          %lt3A_123 = arith.cmpi slt, %get3A_112, %lt3A_122 : vector<16xi32>
          %and3A_124 = arith.andi %ge3A_119, %lt3A_123 : vector<16xi1>
          %broadcast_in_dim3A = vector.shape_cast %min3A_5 : vector<16xi32> to vector<16x1xi32>
          %gather3A = vector.shape_cast %broadcast_in_dim3A : vector<16x1xi32> to vector<16xi32>
          %gather3A_125 = tpu.dynamic_gather %get3A_112[%gather3A] in [0] : vector<16xi32>, vector<16xi32> -> vector<16xi32>
          %ne3A = arith.cmpi ne, %get3A_112, %gather3A_125 : vector<16xi32>
          %or3A = arith.ori %ne3A, %eq3A_7 : vector<16xi1>
          %and3A_126 = arith.andi %and3A_124, %or3A : vector<16xi1>
          tpu.vector_store_idx %arg7[%sub3A_118], %get3A_116 masked %and3A_126 : memref<65536xf32, #tpu.memory_space<vmem>>[vector<16xi32>], vector<16xf32>, vector<16xi1>
          %mul3A_127 = arith.constant 8 : i32
          %mul3A_128 = arith.muli %while3A_102, %mul3A_127 : i32
          %add3A_129 = arith.constant 1 : i32
          %add3A_130 = arith.addi %mul3A_128, %add3A_129 : i32
          %mul3A_131 = arith.constant 16 : i32
          %mul3A_132 = arith.muli %add3A_130, %mul3A_131 : i32
          %get3A_133 = arith.constant 0 : i32
          %get3A_134 = arith.index_cast %get3A_133 : i32 to index
          %get3A_135 = arith.index_cast %mul3A_132 : i32 to index
          %get3A_136 = tpu.vector_load %arg8[%get3A_134, %get3A_135] {strides = array<i32>} : memref<2x8192xi32, #tpu.memory_space<vmem>>, vector<16xi32>,
          %get3A_137 = arith.constant 0 : i32
          %get3A_138 = arith.index_cast %get3A_137 : i32 to index
          %get3A_139 = arith.index_cast %mul3A_132 : i32 to index
          %get3A_140 = tpu.vector_load %arg9[%get3A_138, %get3A_139] {strides = array<i32>} : memref<2x8192xf32, #tpu.memory_space<vmem>>, vector<16xf32>,
          %sub3A_141 = vector.broadcast %mul3A_18 : i32 to vector<16xi32>
          %sub3A_142 = arith.subi %get3A_136, %sub3A_141 : vector<16xi32>
          %ge3A_143 = vector.broadcast %mul3A_18 : i32 to vector<16xi32>
          %ge3A_144 = arith.cmpi sge, %get3A_136, %ge3A_143 : vector<16xi32>
          %add3A_145 = arith.constant 65536 : i32
          %add3A_146 = arith.addi %mul3A_18, %add3A_145 : i32
          %lt3A_147 = vector.broadcast %add3A_146 : i32 to vector<16xi32>
          %lt3A_148 = arith.cmpi slt, %get3A_136, %lt3A_147 : vector<16xi32>
          %and3A_149 = arith.andi %ge3A_144, %lt3A_148 : vector<16xi1>
          %broadcast_in_dim3A_150 = vector.shape_cast %min3A_5 : vector<16xi32> to vector<16x1xi32>
          %gather3A_151 = vector.shape_cast %broadcast_in_dim3A_150 : vector<16x1xi32> to vector<16xi32>
          %gather3A_152 = tpu.dynamic_gather %get3A_136[%gather3A_151] in [0] : vector<16xi32>, vector<16xi32> -> vector<16xi32>
          %ne3A_153 = arith.cmpi ne, %get3A_136, %gather3A_152 : vector<16xi32>
          %or3A_154 = arith.ori %ne3A_153, %eq3A_7 : vector<16xi1>
          %and3A_155 = arith.andi %and3A_149, %or3A_154 : vector<16xi1>
          tpu.vector_store_idx %arg7[%sub3A_142], %get3A_140 masked %and3A_155 : memref<65536xf32, #tpu.memory_space<vmem>>[vector<16xi32>], vector<16xf32>, vector<16xi1>
          %mul3A_156 = arith.constant 8 : i32
          %mul3A_157 = arith.muli %while3A_102, %mul3A_156 : i32
          %add3A_158 = arith.constant 2 : i32
          %add3A_159 = arith.addi %mul3A_157, %add3A_158 : i32
          %mul3A_160 = arith.constant 16 : i32
          %mul3A_161 = arith.muli %add3A_159, %mul3A_160 : i32
          %get3A_162 = arith.constant 0 : i32
          %get3A_163 = arith.index_cast %get3A_162 : i32 to index
          %get3A_164 = arith.index_cast %mul3A_161 : i32 to index
          %get3A_165 = tpu.vector_load %arg8[%get3A_163, %get3A_164] {strides = array<i32>} : memref<2x8192xi32, #tpu.memory_space<vmem>>, vector<16xi32>,
          %get3A_166 = arith.constant 0 : i32
          %get3A_167 = arith.index_cast %get3A_166 : i32 to index
          %get3A_168 = arith.index_cast %mul3A_161 : i32 to index
          %get3A_169 = tpu.vector_load %arg9[%get3A_167, %get3A_168] {strides = array<i32>} : memref<2x8192xf32, #tpu.memory_space<vmem>>, vector<16xf32>,
          %sub3A_170 = vector.broadcast %mul3A_18 : i32 to vector<16xi32>
          %sub3A_171 = arith.subi %get3A_165, %sub3A_170 : vector<16xi32>
          %ge3A_172 = vector.broadcast %mul3A_18 : i32 to vector<16xi32>
          %ge3A_173 = arith.cmpi sge, %get3A_165, %ge3A_172 : vector<16xi32>
          %add3A_174 = arith.constant 65536 : i32
          %add3A_175 = arith.addi %mul3A_18, %add3A_174 : i32
          %lt3A_176 = vector.broadcast %add3A_175 : i32 to vector<16xi32>
          %lt3A_177 = arith.cmpi slt, %get3A_165, %lt3A_176 : vector<16xi32>
          %and3A_178 = arith.andi %ge3A_173, %lt3A_177 : vector<16xi1>
          %broadcast_in_dim3A_179 = vector.shape_cast %min3A_5 : vector<16xi32> to vector<16x1xi32>
          %gather3A_180 = vector.shape_cast %broadcast_in_dim3A_179 : vector<16x1xi32> to vector<16xi32>
          %gather3A_181 = tpu.dynamic_gather %get3A_165[%gather3A_180] in [0] : vector<16xi32>, vector<16xi32> -> vector<16xi32>
          %ne3A_182 = arith.cmpi ne, %get3A_165, %gather3A_181 : vector<16xi32>
          %or3A_183 = arith.ori %ne3A_182, %eq3A_7 : vector<16xi1>
          %and3A_184 = arith.andi %and3A_178, %or3A_183 : vector<16xi1>
          tpu.vector_store_idx %arg7[%sub3A_171], %get3A_169 masked %and3A_184 : memref<65536xf32, #tpu.memory_space<vmem>>[vector<16xi32>], vector<16xf32>, vector<16xi1>
          %mul3A_185 = arith.constant 8 : i32
          %mul3A_186 = arith.muli %while3A_102, %mul3A_185 : i32
          %add3A_187 = arith.constant 3 : i32
          %add3A_188 = arith.addi %mul3A_186, %add3A_187 : i32
          %mul3A_189 = arith.constant 16 : i32
          %mul3A_190 = arith.muli %add3A_188, %mul3A_189 : i32
          %get3A_191 = arith.constant 0 : i32
          %get3A_192 = arith.index_cast %get3A_191 : i32 to index
          %get3A_193 = arith.index_cast %mul3A_190 : i32 to index
          %get3A_194 = tpu.vector_load %arg8[%get3A_192, %get3A_193] {strides = array<i32>} : memref<2x8192xi32, #tpu.memory_space<vmem>>, vector<16xi32>,
          %get3A_195 = arith.constant 0 : i32
          %get3A_196 = arith.index_cast %get3A_195 : i32 to index
          %get3A_197 = arith.index_cast %mul3A_190 : i32 to index
          %get3A_198 = tpu.vector_load %arg9[%get3A_196, %get3A_197] {strides = array<i32>} : memref<2x8192xf32, #tpu.memory_space<vmem>>, vector<16xf32>,
          %sub3A_199 = vector.broadcast %mul3A_18 : i32 to vector<16xi32>
          %sub3A_200 = arith.subi %get3A_194, %sub3A_199 : vector<16xi32>
          %ge3A_201 = vector.broadcast %mul3A_18 : i32 to vector<16xi32>
          %ge3A_202 = arith.cmpi sge, %get3A_194, %ge3A_201 : vector<16xi32>
          %add3A_203 = arith.constant 65536 : i32
          %add3A_204 = arith.addi %mul3A_18, %add3A_203 : i32
          %lt3A_205 = vector.broadcast %add3A_204 : i32 to vector<16xi32>
          %lt3A_206 = arith.cmpi slt, %get3A_194, %lt3A_205 : vector<16xi32>
          %and3A_207 = arith.andi %ge3A_202, %lt3A_206 : vector<16xi1>
          %broadcast_in_dim3A_208 = vector.shape_cast %min3A_5 : vector<16xi32> to vector<16x1xi32>
          %gather3A_209 = vector.shape_cast %broadcast_in_dim3A_208 : vector<16x1xi32> to vector<16xi32>
          %gather3A_210 = tpu.dynamic_gather %get3A_194[%gather3A_209] in [0] : vector<16xi32>, vector<16xi32> -> vector<16xi32>
          %ne3A_211 = arith.cmpi ne, %get3A_194, %gather3A_210 : vector<16xi32>
          %or3A_212 = arith.ori %ne3A_211, %eq3A_7 : vector<16xi1>
          %and3A_213 = arith.andi %and3A_207, %or3A_212 : vector<16xi1>
          tpu.vector_store_idx %arg7[%sub3A_200], %get3A_198 masked %and3A_213 : memref<65536xf32, #tpu.memory_space<vmem>>[vector<16xi32>], vector<16xf32>, vector<16xi1>
          %mul3A_214 = arith.constant 8 : i32
          %mul3A_215 = arith.muli %while3A_102, %mul3A_214 : i32
          %add3A_216 = arith.constant 4 : i32
          %add3A_217 = arith.addi %mul3A_215, %add3A_216 : i32
          %mul3A_218 = arith.constant 16 : i32
          %mul3A_219 = arith.muli %add3A_217, %mul3A_218 : i32
          %get3A_220 = arith.constant 0 : i32
          %get3A_221 = arith.index_cast %get3A_220 : i32 to index
          %get3A_222 = arith.index_cast %mul3A_219 : i32 to index
          %get3A_223 = tpu.vector_load %arg8[%get3A_221, %get3A_222] {strides = array<i32>} : memref<2x8192xi32, #tpu.memory_space<vmem>>, vector<16xi32>,
          %get3A_224 = arith.constant 0 : i32
          %get3A_225 = arith.index_cast %get3A_224 : i32 to index
          %get3A_226 = arith.index_cast %mul3A_219 : i32 to index
          %get3A_227 = tpu.vector_load %arg9[%get3A_225, %get3A_226] {strides = array<i32>} : memref<2x8192xf32, #tpu.memory_space<vmem>>, vector<16xf32>,
          %sub3A_228 = vector.broadcast %mul3A_18 : i32 to vector<16xi32>
          %sub3A_229 = arith.subi %get3A_223, %sub3A_228 : vector<16xi32>
          %ge3A_230 = vector.broadcast %mul3A_18 : i32 to vector<16xi32>
          %ge3A_231 = arith.cmpi sge, %get3A_223, %ge3A_230 : vector<16xi32>
          %add3A_232 = arith.constant 65536 : i32
          %add3A_233 = arith.addi %mul3A_18, %add3A_232 : i32
          %lt3A_234 = vector.broadcast %add3A_233 : i32 to vector<16xi32>
          %lt3A_235 = arith.cmpi slt, %get3A_223, %lt3A_234 : vector<16xi32>
          %and3A_236 = arith.andi %ge3A_231, %lt3A_235 : vector<16xi1>
          %broadcast_in_dim3A_237 = vector.shape_cast %min3A_5 : vector<16xi32> to vector<16x1xi32>
          %gather3A_238 = vector.shape_cast %broadcast_in_dim3A_237 : vector<16x1xi32> to vector<16xi32>
          %gather3A_239 = tpu.dynamic_gather %get3A_223[%gather3A_238] in [0] : vector<16xi32>, vector<16xi32> -> vector<16xi32>
          %ne3A_240 = arith.cmpi ne, %get3A_223, %gather3A_239 : vector<16xi32>
          %or3A_241 = arith.ori %ne3A_240, %eq3A_7 : vector<16xi1>
          %and3A_242 = arith.andi %and3A_236, %or3A_241 : vector<16xi1>
          tpu.vector_store_idx %arg7[%sub3A_229], %get3A_227 masked %and3A_242 : memref<65536xf32, #tpu.memory_space<vmem>>[vector<16xi32>], vector<16xf32>, vector<16xi1>
          %mul3A_243 = arith.constant 8 : i32
          %mul3A_244 = arith.muli %while3A_102, %mul3A_243 : i32
          %add3A_245 = arith.constant 5 : i32
          %add3A_246 = arith.addi %mul3A_244, %add3A_245 : i32
          %mul3A_247 = arith.constant 16 : i32
          %mul3A_248 = arith.muli %add3A_246, %mul3A_247 : i32
          %get3A_249 = arith.constant 0 : i32
          %get3A_250 = arith.index_cast %get3A_249 : i32 to index
          %get3A_251 = arith.index_cast %mul3A_248 : i32 to index
          %get3A_252 = tpu.vector_load %arg8[%get3A_250, %get3A_251] {strides = array<i32>} : memref<2x8192xi32, #tpu.memory_space<vmem>>, vector<16xi32>,
          %get3A_253 = arith.constant 0 : i32
          %get3A_254 = arith.index_cast %get3A_253 : i32 to index
          %get3A_255 = arith.index_cast %mul3A_248 : i32 to index
          %get3A_256 = tpu.vector_load %arg9[%get3A_254, %get3A_255] {strides = array<i32>} : memref<2x8192xf32, #tpu.memory_space<vmem>>, vector<16xf32>,
          %sub3A_257 = vector.broadcast %mul3A_18 : i32 to vector<16xi32>
          %sub3A_258 = arith.subi %get3A_252, %sub3A_257 : vector<16xi32>
          %ge3A_259 = vector.broadcast %mul3A_18 : i32 to vector<16xi32>
          %ge3A_260 = arith.cmpi sge, %get3A_252, %ge3A_259 : vector<16xi32>
          %add3A_261 = arith.constant 65536 : i32
          %add3A_262 = arith.addi %mul3A_18, %add3A_261 : i32
          %lt3A_263 = vector.broadcast %add3A_262 : i32 to vector<16xi32>
          %lt3A_264 = arith.cmpi slt, %get3A_252, %lt3A_263 : vector<16xi32>
          %and3A_265 = arith.andi %ge3A_260, %lt3A_264 : vector<16xi1>
          %broadcast_in_dim3A_266 = vector.shape_cast %min3A_5 : vector<16xi32> to vector<16x1xi32>
          %gather3A_267 = vector.shape_cast %broadcast_in_dim3A_266 : vector<16x1xi32> to vector<16xi32>
          %gather3A_268 = tpu.dynamic_gather %get3A_252[%gather3A_267] in [0] : vector<16xi32>, vector<16xi32> -> vector<16xi32>
          %ne3A_269 = arith.cmpi ne, %get3A_252, %gather3A_268 : vector<16xi32>
          %or3A_270 = arith.ori %ne3A_269, %eq3A_7 : vector<16xi1>
          %and3A_271 = arith.andi %and3A_265, %or3A_270 : vector<16xi1>
          tpu.vector_store_idx %arg7[%sub3A_258], %get3A_256 masked %and3A_271 : memref<65536xf32, #tpu.memory_space<vmem>>[vector<16xi32>], vector<16xf32>, vector<16xi1>
          %mul3A_272 = arith.constant 8 : i32
          %mul3A_273 = arith.muli %while3A_102, %mul3A_272 : i32
          %add3A_274 = arith.constant 6 : i32
          %add3A_275 = arith.addi %mul3A_273, %add3A_274 : i32
          %mul3A_276 = arith.constant 16 : i32
          %mul3A_277 = arith.muli %add3A_275, %mul3A_276 : i32
          %get3A_278 = arith.constant 0 : i32
          %get3A_279 = arith.index_cast %get3A_278 : i32 to index
          %get3A_280 = arith.index_cast %mul3A_277 : i32 to index
          %get3A_281 = tpu.vector_load %arg8[%get3A_279, %get3A_280] {strides = array<i32>} : memref<2x8192xi32, #tpu.memory_space<vmem>>, vector<16xi32>,
          %get3A_282 = arith.constant 0 : i32
          %get3A_283 = arith.index_cast %get3A_282 : i32 to index
          %get3A_284 = arith.index_cast %mul3A_277 : i32 to index
          %get3A_285 = tpu.vector_load %arg9[%get3A_283, %get3A_284] {strides = array<i32>} : memref<2x8192xf32, #tpu.memory_space<vmem>>, vector<16xf32>,
          %sub3A_286 = vector.broadcast %mul3A_18 : i32 to vector<16xi32>
          %sub3A_287 = arith.subi %get3A_281, %sub3A_286 : vector<16xi32>
          %ge3A_288 = vector.broadcast %mul3A_18 : i32 to vector<16xi32>
          %ge3A_289 = arith.cmpi sge, %get3A_281, %ge3A_288 : vector<16xi32>
          %add3A_290 = arith.constant 65536 : i32
          %add3A_291 = arith.addi %mul3A_18, %add3A_290 : i32
          %lt3A_292 = vector.broadcast %add3A_291 : i32 to vector<16xi32>
          %lt3A_293 = arith.cmpi slt, %get3A_281, %lt3A_292 : vector<16xi32>
          %and3A_294 = arith.andi %ge3A_289, %lt3A_293 : vector<16xi1>
          %broadcast_in_dim3A_295 = vector.shape_cast %min3A_5 : vector<16xi32> to vector<16x1xi32>
          %gather3A_296 = vector.shape_cast %broadcast_in_dim3A_295 : vector<16x1xi32> to vector<16xi32>
          %gather3A_297 = tpu.dynamic_gather %get3A_281[%gather3A_296] in [0] : vector<16xi32>, vector<16xi32> -> vector<16xi32>
          %ne3A_298 = arith.cmpi ne, %get3A_281, %gather3A_297 : vector<16xi32>
          %or3A_299 = arith.ori %ne3A_298, %eq3A_7 : vector<16xi1>
          %and3A_300 = arith.andi %and3A_294, %or3A_299 : vector<16xi1>
          tpu.vector_store_idx %arg7[%sub3A_287], %get3A_285 masked %and3A_300 : memref<65536xf32, #tpu.memory_space<vmem>>[vector<16xi32>], vector<16xf32>, vector<16xi1>
          %mul3A_301 = arith.constant 8 : i32
          %mul3A_302 = arith.muli %while3A_102, %mul3A_301 : i32
          %add3A_303 = arith.constant 7 : i32
          %add3A_304 = arith.addi %mul3A_302, %add3A_303 : i32
          %mul3A_305 = arith.constant 16 : i32
          %mul3A_306 = arith.muli %add3A_304, %mul3A_305 : i32
          %get3A_307 = arith.constant 0 : i32
          %get3A_308 = arith.index_cast %get3A_307 : i32 to index
          %get3A_309 = arith.index_cast %mul3A_306 : i32 to index
          %get3A_310 = tpu.vector_load %arg8[%get3A_308, %get3A_309] {strides = array<i32>} : memref<2x8192xi32, #tpu.memory_space<vmem>>, vector<16xi32>,
          %get3A_311 = arith.constant 0 : i32
          %get3A_312 = arith.index_cast %get3A_311 : i32 to index
          %get3A_313 = arith.index_cast %mul3A_306 : i32 to index
          %get3A_314 = tpu.vector_load %arg9[%get3A_312, %get3A_313] {strides = array<i32>} : memref<2x8192xf32, #tpu.memory_space<vmem>>, vector<16xf32>,
          %sub3A_315 = vector.broadcast %mul3A_18 : i32 to vector<16xi32>
          %sub3A_316 = arith.subi %get3A_310, %sub3A_315 : vector<16xi32>
          %ge3A_317 = vector.broadcast %mul3A_18 : i32 to vector<16xi32>
          %ge3A_318 = arith.cmpi sge, %get3A_310, %ge3A_317 : vector<16xi32>
          %add3A_319 = arith.constant 65536 : i32
          %add3A_320 = arith.addi %mul3A_18, %add3A_319 : i32
          %lt3A_321 = vector.broadcast %add3A_320 : i32 to vector<16xi32>
          %lt3A_322 = arith.cmpi slt, %get3A_310, %lt3A_321 : vector<16xi32>
          %and3A_323 = arith.andi %ge3A_318, %lt3A_322 : vector<16xi1>
          %broadcast_in_dim3A_324 = vector.shape_cast %min3A_5 : vector<16xi32> to vector<16x1xi32>
          %gather3A_325 = vector.shape_cast %broadcast_in_dim3A_324 : vector<16x1xi32> to vector<16xi32>
          %gather3A_326 = tpu.dynamic_gather %get3A_310[%gather3A_325] in [0] : vector<16xi32>, vector<16xi32> -> vector<16xi32>
          %ne3A_327 = arith.cmpi ne, %get3A_310, %gather3A_326 : vector<16xi32>
          %or3A_328 = arith.ori %ne3A_327, %eq3A_7 : vector<16xi1>
          %and3A_329 = arith.andi %and3A_323, %or3A_328 : vector<16xi1>
          tpu.vector_store_idx %arg7[%sub3A_316], %get3A_314 masked %and3A_329 : memref<65536xf32, #tpu.memory_space<vmem>>[vector<16xi32>], vector<16xf32>, vector<16xi1>
        }
        %while3A_95 = arith.constant 1 : i32
        scf.for %while3A_102 = %while3A_93 to %while3A_89 step %while3A_95  : i32 {
          %mul3A_103 = arith.constant 8 : i32
          %mul3A_104 = arith.muli %while3A_102, %mul3A_103 : i32
          %add3A_105 = arith.constant 0 : i32
          %add3A_106 = arith.addi %mul3A_104, %add3A_105 : i32
          %mul3A_107 = arith.constant 16 : i32
          %mul3A_108 = arith.muli %add3A_106, %mul3A_107 : i32
          %get3A_109 = arith.constant 0 : i32
          %get3A_110 = arith.index_cast %get3A_109 : i32 to index
          %get3A_111 = arith.index_cast %mul3A_108 : i32 to index
          %get3A_112 = tpu.vector_load %arg8[%get3A_110, %get3A_111] {strides = array<i32>} : memref<2x8192xi32, #tpu.memory_space<vmem>>, vector<16xi32>,
          %get3A_113 = arith.constant 0 : i32
          %get3A_114 = arith.index_cast %get3A_113 : i32 to index
          %get3A_115 = arith.index_cast %mul3A_108 : i32 to index
          %get3A_116 = tpu.vector_load %arg9[%get3A_114, %get3A_115] {strides = array<i32>} : memref<2x8192xf32, #tpu.memory_space<vmem>>, vector<16xf32>,
          %sub3A_117 = vector.broadcast %mul3A_18 : i32 to vector<16xi32>
          %sub3A_118 = arith.subi %get3A_112, %sub3A_117 : vector<16xi32>
          %ge3A = vector.broadcast %mul3A_18 : i32 to vector<16xi32>
          %ge3A_119 = arith.cmpi sge, %get3A_112, %ge3A : vector<16xi32>
          %add3A_120 = arith.constant 65536 : i32
          %add3A_121 = arith.addi %mul3A_18, %add3A_120 : i32
          %lt3A_122 = vector.broadcast %add3A_121 : i32 to vector<16xi32>
          %lt3A_123 = arith.cmpi slt, %get3A_112, %lt3A_122 : vector<16xi32>
          %and3A_124 = arith.andi %ge3A_119, %lt3A_123 : vector<16xi1>
          %broadcast_in_dim3A = vector.shape_cast %min3A_5 : vector<16xi32> to vector<16x1xi32>
          %gather3A = vector.shape_cast %broadcast_in_dim3A : vector<16x1xi32> to vector<16xi32>
          %gather3A_125 = tpu.dynamic_gather %get3A_112[%gather3A] in [0] : vector<16xi32>, vector<16xi32> -> vector<16xi32>
          %ne3A = arith.cmpi ne, %get3A_112, %gather3A_125 : vector<16xi32>
          %or3A = arith.ori %ne3A, %eq3A_7 : vector<16xi1>
          %and3A_126 = arith.andi %and3A_124, %or3A : vector<16xi1>
          tpu.vector_store_idx %arg7[%sub3A_118], %get3A_116 masked %and3A_126 : memref<65536xf32, #tpu.memory_space<vmem>>[vector<16xi32>], vector<16xf32>, vector<16xi1>
          %mul3A_127 = arith.constant 8 : i32
          %mul3A_128 = arith.muli %while3A_102, %mul3A_127 : i32
          %add3A_129 = arith.constant 1 : i32
          %add3A_130 = arith.addi %mul3A_128, %add3A_129 : i32
          %mul3A_131 = arith.constant 16 : i32
          %mul3A_132 = arith.muli %add3A_130, %mul3A_131 : i32
          %get3A_133 = arith.constant 0 : i32
          %get3A_134 = arith.index_cast %get3A_133 : i32 to index
          %get3A_135 = arith.index_cast %mul3A_132 : i32 to index
          %get3A_136 = tpu.vector_load %arg8[%get3A_134, %get3A_135] {strides = array<i32>} : memref<2x8192xi32, #tpu.memory_space<vmem>>, vector<16xi32>,
          %get3A_137 = arith.constant 0 : i32
          %get3A_138 = arith.index_cast %get3A_137 : i32 to index
          %get3A_139 = arith.index_cast %mul3A_132 : i32 to index
          %get3A_140 = tpu.vector_load %arg9[%get3A_138, %get3A_139] {strides = array<i32>} : memref<2x8192xf32, #tpu.memory_space<vmem>>, vector<16xf32>,
          %sub3A_141 = vector.broadcast %mul3A_18 : i32 to vector<16xi32>
          %sub3A_142 = arith.subi %get3A_136, %sub3A_141 : vector<16xi32>
          %ge3A_143 = vector.broadcast %mul3A_18 : i32 to vector<16xi32>
          %ge3A_144 = arith.cmpi sge, %get3A_136, %ge3A_143 : vector<16xi32>
          %add3A_145 = arith.constant 65536 : i32
          %add3A_146 = arith.addi %mul3A_18, %add3A_145 : i32
          %lt3A_147 = vector.broadcast %add3A_146 : i32 to vector<16xi32>
          %lt3A_148 = arith.cmpi slt, %get3A_136, %lt3A_147 : vector<16xi32>
          %and3A_149 = arith.andi %ge3A_144, %lt3A_148 : vector<16xi1>
          %broadcast_in_dim3A_150 = vector.shape_cast %min3A_5 : vector<16xi32> to vector<16x1xi32>
          %gather3A_151 = vector.shape_cast %broadcast_in_dim3A_150 : vector<16x1xi32> to vector<16xi32>
          %gather3A_152 = tpu.dynamic_gather %get3A_136[%gather3A_151] in [0] : vector<16xi32>, vector<16xi32> -> vector<16xi32>
          %ne3A_153 = arith.cmpi ne, %get3A_136, %gather3A_152 : vector<16xi32>
          %or3A_154 = arith.ori %ne3A_153, %eq3A_7 : vector<16xi1>
          %and3A_155 = arith.andi %and3A_149, %or3A_154 : vector<16xi1>
          tpu.vector_store_idx %arg7[%sub3A_142], %get3A_140 masked %and3A_155 : memref<65536xf32, #tpu.memory_space<vmem>>[vector<16xi32>], vector<16xf32>, vector<16xi1>
          %mul3A_156 = arith.constant 8 : i32
          %mul3A_157 = arith.muli %while3A_102, %mul3A_156 : i32
          %add3A_158 = arith.constant 2 : i32
          %add3A_159 = arith.addi %mul3A_157, %add3A_158 : i32
          %mul3A_160 = arith.constant 16 : i32
          %mul3A_161 = arith.muli %add3A_159, %mul3A_160 : i32
          %get3A_162 = arith.constant 0 : i32
          %get3A_163 = arith.index_cast %get3A_162 : i32 to index
          %get3A_164 = arith.index_cast %mul3A_161 : i32 to index
          %get3A_165 = tpu.vector_load %arg8[%get3A_163, %get3A_164] {strides = array<i32>} : memref<2x8192xi32, #tpu.memory_space<vmem>>, vector<16xi32>,
          %get3A_166 = arith.constant 0 : i32
          %get3A_167 = arith.index_cast %get3A_166 : i32 to index
          %get3A_168 = arith.index_cast %mul3A_161 : i32 to index
          %get3A_169 = tpu.vector_load %arg9[%get3A_167, %get3A_168] {strides = array<i32>} : memref<2x8192xf32, #tpu.memory_space<vmem>>, vector<16xf32>,
          %sub3A_170 = vector.broadcast %mul3A_18 : i32 to vector<16xi32>
          %sub3A_171 = arith.subi %get3A_165, %sub3A_170 : vector<16xi32>
          %ge3A_172 = vector.broadcast %mul3A_18 : i32 to vector<16xi32>
          %ge3A_173 = arith.cmpi sge, %get3A_165, %ge3A_172 : vector<16xi32>
          %add3A_174 = arith.constant 65536 : i32
          %add3A_175 = arith.addi %mul3A_18, %add3A_174 : i32
          %lt3A_176 = vector.broadcast %add3A_175 : i32 to vector<16xi32>
          %lt3A_177 = arith.cmpi slt, %get3A_165, %lt3A_176 : vector<16xi32>
          %and3A_178 = arith.andi %ge3A_173, %lt3A_177 : vector<16xi1>
          %broadcast_in_dim3A_179 = vector.shape_cast %min3A_5 : vector<16xi32> to vector<16x1xi32>
          %gather3A_180 = vector.shape_cast %broadcast_in_dim3A_179 : vector<16x1xi32> to vector<16xi32>
          %gather3A_181 = tpu.dynamic_gather %get3A_165[%gather3A_180] in [0] : vector<16xi32>, vector<16xi32> -> vector<16xi32>
          %ne3A_182 = arith.cmpi ne, %get3A_165, %gather3A_181 : vector<16xi32>
          %or3A_183 = arith.ori %ne3A_182, %eq3A_7 : vector<16xi1>
          %and3A_184 = arith.andi %and3A_178, %or3A_183 : vector<16xi1>
          tpu.vector_store_idx %arg7[%sub3A_171], %get3A_169 masked %and3A_184 : memref<65536xf32, #tpu.memory_space<vmem>>[vector<16xi32>], vector<16xf32>, vector<16xi1>
          %mul3A_185 = arith.constant 8 : i32
          %mul3A_186 = arith.muli %while3A_102, %mul3A_185 : i32
          %add3A_187 = arith.constant 3 : i32
          %add3A_188 = arith.addi %mul3A_186, %add3A_187 : i32
          %mul3A_189 = arith.constant 16 : i32
          %mul3A_190 = arith.muli %add3A_188, %mul3A_189 : i32
          %get3A_191 = arith.constant 0 : i32
          %get3A_192 = arith.index_cast %get3A_191 : i32 to index
          %get3A_193 = arith.index_cast %mul3A_190 : i32 to index
          %get3A_194 = tpu.vector_load %arg8[%get3A_192, %get3A_193] {strides = array<i32>} : memref<2x8192xi32, #tpu.memory_space<vmem>>, vector<16xi32>,
          %get3A_195 = arith.constant 0 : i32
          %get3A_196 = arith.index_cast %get3A_195 : i32 to index
          %get3A_197 = arith.index_cast %mul3A_190 : i32 to index
          %get3A_198 = tpu.vector_load %arg9[%get3A_196, %get3A_197] {strides = array<i32>} : memref<2x8192xf32, #tpu.memory_space<vmem>>, vector<16xf32>,
          %sub3A_199 = vector.broadcast %mul3A_18 : i32 to vector<16xi32>
          %sub3A_200 = arith.subi %get3A_194, %sub3A_199 : vector<16xi32>
          %ge3A_201 = vector.broadcast %mul3A_18 : i32 to vector<16xi32>
          %ge3A_202 = arith.cmpi sge, %get3A_194, %ge3A_201 : vector<16xi32>
          %add3A_203 = arith.constant 65536 : i32
          %add3A_204 = arith.addi %mul3A_18, %add3A_203 : i32
          %lt3A_205 = vector.broadcast %add3A_204 : i32 to vector<16xi32>
          %lt3A_206 = arith.cmpi slt, %get3A_194, %lt3A_205 : vector<16xi32>
          %and3A_207 = arith.andi %ge3A_202, %lt3A_206 : vector<16xi1>
          %broadcast_in_dim3A_208 = vector.shape_cast %min3A_5 : vector<16xi32> to vector<16x1xi32>
          %gather3A_209 = vector.shape_cast %broadcast_in_dim3A_208 : vector<16x1xi32> to vector<16xi32>
          %gather3A_210 = tpu.dynamic_gather %get3A_194[%gather3A_209] in [0] : vector<16xi32>, vector<16xi32> -> vector<16xi32>
          %ne3A_211 = arith.cmpi ne, %get3A_194, %gather3A_210 : vector<16xi32>
          %or3A_212 = arith.ori %ne3A_211, %eq3A_7 : vector<16xi1>
          %and3A_213 = arith.andi %and3A_207, %or3A_212 : vector<16xi1>
          tpu.vector_store_idx %arg7[%sub3A_200], %get3A_198 masked %and3A_213 : memref<65536xf32, #tpu.memory_space<vmem>>[vector<16xi32>], vector<16xf32>, vector<16xi1>
          %mul3A_214 = arith.constant 8 : i32
          %mul3A_215 = arith.muli %while3A_102, %mul3A_214 : i32
          %add3A_216 = arith.constant 4 : i32
          %add3A_217 = arith.addi %mul3A_215, %add3A_216 : i32
          %mul3A_218 = arith.constant 16 : i32
          %mul3A_219 = arith.muli %add3A_217, %mul3A_218 : i32
          %get3A_220 = arith.constant 0 : i32
          %get3A_221 = arith.index_cast %get3A_220 : i32 to index
          %get3A_222 = arith.index_cast %mul3A_219 : i32 to index
          %get3A_223 = tpu.vector_load %arg8[%get3A_221, %get3A_222] {strides = array<i32>} : memref<2x8192xi32, #tpu.memory_space<vmem>>, vector<16xi32>,
          %get3A_224 = arith.constant 0 : i32
          %get3A_225 = arith.index_cast %get3A_224 : i32 to index
          %get3A_226 = arith.index_cast %mul3A_219 : i32 to index
          %get3A_227 = tpu.vector_load %arg9[%get3A_225, %get3A_226] {strides = array<i32>} : memref<2x8192xf32, #tpu.memory_space<vmem>>, vector<16xf32>,
          %sub3A_228 = vector.broadcast %mul3A_18 : i32 to vector<16xi32>
          %sub3A_229 = arith.subi %get3A_223, %sub3A_228 : vector<16xi32>
          %ge3A_230 = vector.broadcast %mul3A_18 : i32 to vector<16xi32>
          %ge3A_231 = arith.cmpi sge, %get3A_223, %ge3A_230 : vector<16xi32>
          %add3A_232 = arith.constant 65536 : i32
          %add3A_233 = arith.addi %mul3A_18, %add3A_232 : i32
          %lt3A_234 = vector.broadcast %add3A_233 : i32 to vector<16xi32>
          %lt3A_235 = arith.cmpi slt, %get3A_223, %lt3A_234 : vector<16xi32>
          %and3A_236 = arith.andi %ge3A_231, %lt3A_235 : vector<16xi1>
          %broadcast_in_dim3A_237 = vector.shape_cast %min3A_5 : vector<16xi32> to vector<16x1xi32>
          %gather3A_238 = vector.shape_cast %broadcast_in_dim3A_237 : vector<16x1xi32> to vector<16xi32>
          %gather3A_239 = tpu.dynamic_gather %get3A_223[%gather3A_238] in [0] : vector<16xi32>, vector<16xi32> -> vector<16xi32>
          %ne3A_240 = arith.cmpi ne, %get3A_223, %gather3A_239 : vector<16xi32>
          %or3A_241 = arith.ori %ne3A_240, %eq3A_7 : vector<16xi1>
          %and3A_242 = arith.andi %and3A_236, %or3A_241 : vector<16xi1>
          tpu.vector_store_idx %arg7[%sub3A_229], %get3A_227 masked %and3A_242 : memref<65536xf32, #tpu.memory_space<vmem>>[vector<16xi32>], vector<16xf32>, vector<16xi1>
          %mul3A_243 = arith.constant 8 : i32
          %mul3A_244 = arith.muli %while3A_102, %mul3A_243 : i32
          %add3A_245 = arith.constant 5 : i32
          %add3A_246 = arith.addi %mul3A_244, %add3A_245 : i32
          %mul3A_247 = arith.constant 16 : i32
          %mul3A_248 = arith.muli %add3A_246, %mul3A_247 : i32
          %get3A_249 = arith.constant 0 : i32
          %get3A_250 = arith.index_cast %get3A_249 : i32 to index
          %get3A_251 = arith.index_cast %mul3A_248 : i32 to index
          %get3A_252 = tpu.vector_load %arg8[%get3A_250, %get3A_251] {strides = array<i32>} : memref<2x8192xi32, #tpu.memory_space<vmem>>, vector<16xi32>,
          %get3A_253 = arith.constant 0 : i32
          %get3A_254 = arith.index_cast %get3A_253 : i32 to index
          %get3A_255 = arith.index_cast %mul3A_248 : i32 to index
          %get3A_256 = tpu.vector_load %arg9[%get3A_254, %get3A_255] {strides = array<i32>} : memref<2x8192xf32, #tpu.memory_space<vmem>>, vector<16xf32>,
          %sub3A_257 = vector.broadcast %mul3A_18 : i32 to vector<16xi32>
          %sub3A_258 = arith.subi %get3A_252, %sub3A_257 : vector<16xi32>
          %ge3A_259 = vector.broadcast %mul3A_18 : i32 to vector<16xi32>
          %ge3A_260 = arith.cmpi sge, %get3A_252, %ge3A_259 : vector<16xi32>
          %add3A_261 = arith.constant 65536 : i32
          %add3A_262 = arith.addi %mul3A_18, %add3A_261 : i32
          %lt3A_263 = vector.broadcast %add3A_262 : i32 to vector<16xi32>
          %lt3A_264 = arith.cmpi slt, %get3A_252, %lt3A_263 : vector<16xi32>
          %and3A_265 = arith.andi %ge3A_260, %lt3A_264 : vector<16xi1>
          %broadcast_in_dim3A_266 = vector.shape_cast %min3A_5 : vector<16xi32> to vector<16x1xi32>
          %gather3A_267 = vector.shape_cast %broadcast_in_dim3A_266 : vector<16x1xi32> to vector<16xi32>
          %gather3A_268 = tpu.dynamic_gather %get3A_252[%gather3A_267] in [0] : vector<16xi32>, vector<16xi32> -> vector<16xi32>
          %ne3A_269 = arith.cmpi ne, %get3A_252, %gather3A_268 : vector<16xi32>
          %or3A_270 = arith.ori %ne3A_269, %eq3A_7 : vector<16xi1>
          %and3A_271 = arith.andi %and3A_265, %or3A_270 : vector<16xi1>
          tpu.vector_store_idx %arg7[%sub3A_258], %get3A_256 masked %and3A_271 : memref<65536xf32, #tpu.memory_space<vmem>>[vector<16xi32>], vector<16xf32>, vector<16xi1>
          %mul3A_272 = arith.constant 8 : i32
          %mul3A_273 = arith.muli %while3A_102, %mul3A_272 : i32
          %add3A_274 = arith.constant 6 : i32
          %add3A_275 = arith.addi %mul3A_273, %add3A_274 : i32
          %mul3A_276 = arith.constant 16 : i32
          %mul3A_277 = arith.muli %add3A_275, %mul3A_276 : i32
          %get3A_278 = arith.constant 0 : i32
          %get3A_279 = arith.index_cast %get3A_278 : i32 to index
          %get3A_280 = arith.index_cast %mul3A_277 : i32 to index
          %get3A_281 = tpu.vector_load %arg8[%get3A_279, %get3A_280] {strides = array<i32>} : memref<2x8192xi32, #tpu.memory_space<vmem>>, vector<16xi32>,
          %get3A_282 = arith.constant 0 : i32
          %get3A_283 = arith.index_cast %get3A_282 : i32 to index
          %get3A_284 = arith.index_cast %mul3A_277 : i32 to index
          %get3A_285 = tpu.vector_load %arg9[%get3A_283, %get3A_284] {strides = array<i32>} : memref<2x8192xf32, #tpu.memory_space<vmem>>, vector<16xf32>,
          %sub3A_286 = vector.broadcast %mul3A_18 : i32 to vector<16xi32>
          %sub3A_287 = arith.subi %get3A_281, %sub3A_286 : vector<16xi32>
          %ge3A_288 = vector.broadcast %mul3A_18 : i32 to vector<16xi32>
          %ge3A_289 = arith.cmpi sge, %get3A_281, %ge3A_288 : vector<16xi32>
          %add3A_290 = arith.constant 65536 : i32
          %add3A_291 = arith.addi %mul3A_18, %add3A_290 : i32
          %lt3A_292 = vector.broadcast %add3A_291 : i32 to vector<16xi32>
          %lt3A_293 = arith.cmpi slt, %get3A_281, %lt3A_292 : vector<16xi32>
          %and3A_294 = arith.andi %ge3A_289, %lt3A_293 : vector<16xi1>
          %broadcast_in_dim3A_295 = vector.shape_cast %min3A_5 : vector<16xi32> to vector<16x1xi32>
          %gather3A_296 = vector.shape_cast %broadcast_in_dim3A_295 : vector<16x1xi32> to vector<16xi32>
          %gather3A_297 = tpu.dynamic_gather %get3A_281[%gather3A_296] in [0] : vector<16xi32>, vector<16xi32> -> vector<16xi32>
          %ne3A_298 = arith.cmpi ne, %get3A_281, %gather3A_297 : vector<16xi32>
          %or3A_299 = arith.ori %ne3A_298, %eq3A_7 : vector<16xi1>
          %and3A_300 = arith.andi %and3A_294, %or3A_299 : vector<16xi1>
          tpu.vector_store_idx %arg7[%sub3A_287], %get3A_285 masked %and3A_300 : memref<65536xf32, #tpu.memory_space<vmem>>[vector<16xi32>], vector<16xf32>, vector<16xi1>
          %mul3A_301 = arith.constant 8 : i32
          %mul3A_302 = arith.muli %while3A_102, %mul3A_301 : i32
          %add3A_303 = arith.constant 7 : i32
          %add3A_304 = arith.addi %mul3A_302, %add3A_303 : i32
          %mul3A_305 = arith.constant 16 : i32
          %mul3A_306 = arith.muli %add3A_304, %mul3A_305 : i32
          %get3A_307 = arith.constant 0 : i32
          %get3A_308 = arith.index_cast %get3A_307 : i32 to index
          %get3A_309 = arith.index_cast %mul3A_306 : i32 to index
          %get3A_310 = tpu.vector_load %arg8[%get3A_308, %get3A_309] {strides = array<i32>} : memref<2x8192xi32, #tpu.memory_space<vmem>>, vector<16xi32>,
          %get3A_311 = arith.constant 0 : i32
          %get3A_312 = arith.index_cast %get3A_311 : i32 to index
          %get3A_313 = arith.index_cast %mul3A_306 : i32 to index
          %get3A_314 = tpu.vector_load %arg9[%get3A_312, %get3A_313] {strides = array<i32>} : memref<2x8192xf32, #tpu.memory_space<vmem>>, vector<16xf32>,
          %sub3A_315 = vector.broadcast %mul3A_18 : i32 to vector<16xi32>
          %sub3A_316 = arith.subi %get3A_310, %sub3A_315 : vector<16xi32>
          %ge3A_317 = vector.broadcast %mul3A_18 : i32 to vector<16xi32>
          %ge3A_318 = arith.cmpi sge, %get3A_310, %ge3A_317 : vector<16xi32>
          %add3A_319 = arith.constant 65536 : i32
          %add3A_320 = arith.addi %mul3A_18, %add3A_319 : i32
          %lt3A_321 = vector.broadcast %add3A_320 : i32 to vector<16xi32>
          %lt3A_322 = arith.cmpi slt, %get3A_310, %lt3A_321 : vector<16xi32>
          %and3A_323 = arith.andi %ge3A_318, %lt3A_322 : vector<16xi1>
          %broadcast_in_dim3A_324 = vector.shape_cast %min3A_5 : vector<16xi32> to vector<16x1xi32>
          %gather3A_325 = vector.shape_cast %broadcast_in_dim3A_324 : vector<16x1xi32> to vector<16xi32>
          %gather3A_326 = tpu.dynamic_gather %get3A_310[%gather3A_325] in [0] : vector<16xi32>, vector<16xi32> -> vector<16xi32>
          %ne3A_327 = arith.cmpi ne, %get3A_310, %gather3A_326 : vector<16xi32>
          %or3A_328 = arith.ori %ne3A_327, %eq3A_7 : vector<16xi1>
          %and3A_329 = arith.andi %and3A_323, %or3A_328 : vector<16xi1>
          tpu.vector_store_idx %arg7[%sub3A_316], %get3A_314 masked %and3A_329 : memref<65536xf32, #tpu.memory_space<vmem>>[vector<16xi32>], vector<16xf32>, vector<16xi1>
        }
        %add3A_96 = arith.constant 1 : i32
        %add3A_97 = arith.addi %mul3A_44, %add3A_96 : i32
        %lt3A_98 = arith.cmpi slt, %add3A_97, %shift_right_arithmetic3A_26 : i32
        %convert_element_type3A_99 = arith.extui %lt3A_98 : i1 to i32
        %cond3A_100 = arith.constant 0 : i32
        %cond3A_101 = arith.cmpi ne, %convert_element_type3A_99, %cond3A_100 : i32
        scf.if %cond3A_101 {
          %add3A_102 = arith.constant 1 : i32
          %add3A_103 = arith.addi %mul3A_44, %add3A_102 : i32
          %mul3A_104 = arith.constant 8192 : i32
          %mul3A_105 = arith.muli %add3A_103, %mul3A_104 : i32
          %add3A_106 = arith.addi %and3A_21, %mul3A_105 : i32
          %min3A_107 = arith.constant 33546240 : i32
          %min3A_108 = arith.minsi %add3A_106, %min3A_107 : i32
          %multiple_of3A_109 = tpu.assume_multiple %min3A_108, 8 : i32
          %dma_wait3A_110 = arith.constant 1 : i32
          %dma_wait3A_111 = arith.constant 0 : i32
          %dma_wait3A_112 = tpu.memref_slice %arg8[%dma_wait3A_110, %dma_wait3A_111] : memref<2x8192xi32, #tpu.memory_space<vmem>> -> memref<1x8192xi32, #tpu.memory_space<vmem>>
          %dma_wait3A_113 = tpu.memref_squeeze %dma_wait3A_112 : memref<1x8192xi32, #tpu.memory_space<vmem>> -> memref<8192xi32, #tpu.memory_space<vmem>>
          %dma_wait3A_114 = tpu.memref_slice %arg3[%multiple_of3A_109] : memref<33554432xi32, #tpu.memory_space<hbm>> -> memref<8192xi32, #tpu.memory_space<hbm>>
          %dma_wait3A_115 = arith.constant 0 : i32
          %dma_wait3A_116 = tpu.memref_slice %arg8[%dma_wait3A_110, %dma_wait3A_115] : memref<2x8192xi32, #tpu.memory_space<vmem>> -> memref<1x8192xi32, #tpu.memory_space<vmem>>
          %dma_wait3A_117 = tpu.memref_squeeze %dma_wait3A_116 : memref<1x8192xi32, #tpu.memory_space<vmem>> -> memref<8192xi32, #tpu.memory_space<vmem>>
          %dma_wait3A_118 = tpu.memref_slice %arg3[%multiple_of3A_109] : memref<33554432xi32, #tpu.memory_space<hbm>> -> memref<8192xi32, #tpu.memory_space<hbm>>
          tpu.wait_dma2 semaphore(%arg14 : memref<!tpu.dma_semaphore, #tpu.memory_space<semaphore_mem>>) src(%dma_wait3A_118 : memref<8192xi32, #tpu.memory_space<hbm>>) dst(%dma_wait3A_117 : memref<8192xi32, #tpu.memory_space<vmem>>)
          %dma_wait3A_119 = arith.constant 1 : i32
          %dma_wait3A_120 = arith.constant 0 : i32
          %dma_wait3A_121 = tpu.memref_slice %arg9[%dma_wait3A_119, %dma_wait3A_120] : memref<2x8192xf32, #tpu.memory_space<vmem>> -> memref<1x8192xf32, #tpu.memory_space<vmem>>
          %dma_wait3A_122 = tpu.memref_squeeze %dma_wait3A_121 : memref<1x8192xf32, #tpu.memory_space<vmem>> -> memref<8192xf32, #tpu.memory_space<vmem>>
          %dma_wait3A_123 = tpu.memref_slice %arg4[%multiple_of3A_109] : memref<33554432xf32, #tpu.memory_space<hbm>> -> memref<8192xf32, #tpu.memory_space<hbm>>
          %dma_wait3A_124 = arith.constant 0 : i32
          %dma_wait3A_125 = tpu.memref_slice %arg9[%dma_wait3A_119, %dma_wait3A_124] : memref<2x8192xf32, #tpu.memory_space<vmem>> -> memref<1x8192xf32, #tpu.memory_space<vmem>>
          %dma_wait3A_126 = tpu.memref_squeeze %dma_wait3A_125 : memref<1x8192xf32, #tpu.memory_space<vmem>> -> memref<8192xf32, #tpu.memory_space<vmem>>
          %dma_wait3A_127 = tpu.memref_slice %arg4[%multiple_of3A_109] : memref<33554432xf32, #tpu.memory_space<hbm>> -> memref<8192xf32, #tpu.memory_space<hbm>>
          tpu.wait_dma2 semaphore(%arg15 : memref<!tpu.dma_semaphore, #tpu.memory_space<semaphore_mem>>) src(%dma_wait3A_127 : memref<8192xf32, #tpu.memory_space<hbm>>) dst(%dma_wait3A_126 : memref<8192xf32, #tpu.memory_space<vmem>>)
          %add3A_128 = arith.constant 2 : i32
          %add3A_129 = arith.addi %mul3A_44, %add3A_128 : i32
          %lt3A_130 = arith.cmpi slt, %add3A_129, %shift_right_arithmetic3A_26 : i32
          %convert_element_type3A_131 = arith.extui %lt3A_130 : i1 to i32
          %cond3A_132 = arith.constant 0 : i32
          %cond3A_133 = arith.cmpi ne, %convert_element_type3A_131, %cond3A_132 : i32
          scf.if %cond3A_133 {
            %add3A_159 = arith.constant 2 : i32
            %add3A_160 = arith.addi %mul3A_44, %add3A_159 : i32
            %mul3A_161 = arith.constant 8192 : i32
            %mul3A_162 = arith.muli %add3A_160, %mul3A_161 : i32
            %add3A_163 = arith.addi %and3A_21, %mul3A_162 : i32
            %min3A_164 = arith.constant 33546240 : i32
            %min3A_165 = arith.minsi %add3A_163, %min3A_164 : i32
            %multiple_of3A_166 = tpu.assume_multiple %min3A_165, 8 : i32
            %dma_start3A_167 = arith.constant 0 : i32
            %dma_start3A_168 = arith.constant 0 : i32
            %dma_start3A_169 = tpu.memref_slice %arg8[%dma_start3A_167, %dma_start3A_168] : memref<2x8192xi32, #tpu.memory_space<vmem>> -> memref<1x8192xi32, #tpu.memory_space<vmem>>
            %dma_start3A_170 = tpu.memref_squeeze %dma_start3A_169 : memref<1x8192xi32, #tpu.memory_space<vmem>> -> memref<8192xi32, #tpu.memory_space<vmem>>
            %dma_start3A_171 = tpu.memref_slice %arg3[%multiple_of3A_166] : memref<33554432xi32, #tpu.memory_space<hbm>> -> memref<8192xi32, #tpu.memory_space<hbm>>
            %dma_start3A_172 = arith.constant 0 : i32
            %dma_start3A_173 = tpu.memref_slice %arg8[%dma_start3A_167, %dma_start3A_172] : memref<2x8192xi32, #tpu.memory_space<vmem>> -> memref<1x8192xi32, #tpu.memory_space<vmem>>
            %dma_start3A_174 = tpu.memref_squeeze %dma_start3A_173 : memref<1x8192xi32, #tpu.memory_space<vmem>> -> memref<8192xi32, #tpu.memory_space<vmem>>
            %dma_start3A_175 = tpu.memref_slice %arg3[%multiple_of3A_166] : memref<33554432xi32, #tpu.memory_space<hbm>> -> memref<8192xi32, #tpu.memory_space<hbm>>
            tpu.enqueue_dma source(%dma_start3A_175 : memref<8192xi32, #tpu.memory_space<hbm>>) target(%dma_start3A_174 : memref<8192xi32, #tpu.memory_space<vmem>>) target_semaphore(%arg12 : memref<!tpu.dma_semaphore, #tpu.memory_space<semaphore_mem>>)
            %dma_start3A_176 = arith.constant 0 : i32
            %dma_start3A_177 = arith.constant 0 : i32
            %dma_start3A_178 = tpu.memref_slice %arg9[%dma_start3A_176, %dma_start3A_177] : memref<2x8192xf32, #tpu.memory_space<vmem>> -> memref<1x8192xf32, #tpu.memory_space<vmem>>
            %dma_start3A_179 = tpu.memref_squeeze %dma_start3A_178 : memref<1x8192xf32, #tpu.memory_space<vmem>> -> memref<8192xf32, #tpu.memory_space<vmem>>
            %dma_start3A_180 = tpu.memref_slice %arg4[%multiple_of3A_166] : memref<33554432xf32, #tpu.memory_space<hbm>> -> memref<8192xf32, #tpu.memory_space<hbm>>
            %dma_start3A_181 = arith.constant 0 : i32
            %dma_start3A_182 = tpu.memref_slice %arg9[%dma_start3A_176, %dma_start3A_181] : memref<2x8192xf32, #tpu.memory_space<vmem>> -> memref<1x8192xf32, #tpu.memory_space<vmem>>
            %dma_start3A_183 = tpu.memref_squeeze %dma_start3A_182 : memref<1x8192xf32, #tpu.memory_space<vmem>> -> memref<8192xf32, #tpu.memory_space<vmem>>
            %dma_start3A_184 = tpu.memref_slice %arg4[%multiple_of3A_166] : memref<33554432xf32, #tpu.memory_space<hbm>> -> memref<8192xf32, #tpu.memory_space<hbm>>
            tpu.enqueue_dma source(%dma_start3A_184 : memref<8192xf32, #tpu.memory_space<hbm>>) target(%dma_start3A_183 : memref<8192xf32, #tpu.memory_space<vmem>>) target_semaphore(%arg13 : memref<!tpu.dma_semaphore, #tpu.memory_space<semaphore_mem>>)
          } else {
          }
          %add3A_134 = arith.constant 1 : i32
          %add3A_135 = arith.addi %mul3A_44, %add3A_134 : i32
          %mul3A_136 = arith.constant 8192 : i32
          %mul3A_137 = arith.muli %add3A_135, %mul3A_136 : i32
          %add3A_138 = arith.addi %and3A_21, %mul3A_137 : i32
          %min3A_139 = arith.constant 33546240 : i32
          %min3A_140 = arith.minsi %add3A_138, %min3A_139 : i32
          %multiple_of3A_141 = tpu.assume_multiple %min3A_140, 8 : i32
          %sub3A_142 = arith.subi %squeeze3A_23, %multiple_of3A_141 : i32
          %min3A_143 = arith.constant 8192 : i32
          %min3A_144 = arith.minsi %sub3A_142, %min3A_143 : i32
          %add3A_145 = arith.constant 127 : i32
          %add3A_146 = arith.addi %min3A_144, %add3A_145 : i32
          %shift_right_arithmetic3A_147 = arith.constant 7 : i32
          %shift_right_arithmetic3A_148 = arith.shrsi %add3A_146, %shift_right_arithmetic3A_147 : i32
          %while3A_149 = arith.constant 0 : i32
          %while3A_150 = arith.constant 0 : i32
          %while3A_151 = arith.subi %shift_right_arithmetic3A_148, %while3A_150 : i32
          %while3A_152 = arith.addi %while3A_150, %while3A_151 : i32
          %while3A_153 = arith.constant 1 : i32
          %while3A_154 = arith.divsi %while3A_151, %while3A_153 : i32
          %while3A_155 = arith.muli %while3A_154, %while3A_153 : i32
          %while3A_156 = arith.addi %while3A_150, %while3A_155 : i32
          %while3A_157 = arith.constant 1 : i32
          scf.for %while3A_159 = %while3A_150 to %while3A_156 step %while3A_157  : i32 {
            %mul3A_160 = arith.constant 8 : i32
            %mul3A_161 = arith.muli %while3A_159, %mul3A_160 : i32
            %add3A_162 = arith.constant 0 : i32
            %add3A_163 = arith.addi %mul3A_161, %add3A_162 : i32
            %mul3A_164 = arith.constant 16 : i32
            %mul3A_165 = arith.muli %add3A_163, %mul3A_164 : i32
            %get3A_166 = arith.constant 1 : i32
            %get3A_167 = arith.index_cast %get3A_166 : i32 to index
            %get3A_168 = arith.index_cast %mul3A_165 : i32 to index
            %get3A_169 = tpu.vector_load %arg8[%get3A_167, %get3A_168] {strides = array<i32>} : memref<2x8192xi32, #tpu.memory_space<vmem>>, vector<16xi32>,
            %get3A_170 = arith.constant 1 : i32
            %get3A_171 = arith.index_cast %get3A_170 : i32 to index
            %get3A_172 = arith.index_cast %mul3A_165 : i32 to index
            %get3A_173 = tpu.vector_load %arg9[%get3A_171, %get3A_172] {strides = array<i32>} : memref<2x8192xf32, #tpu.memory_space<vmem>>, vector<16xf32>,
            %sub3A_174 = vector.broadcast %mul3A_18 : i32 to vector<16xi32>
            %sub3A_175 = arith.subi %get3A_169, %sub3A_174 : vector<16xi32>
            %ge3A = vector.broadcast %mul3A_18 : i32 to vector<16xi32>
            %ge3A_176 = arith.cmpi sge, %get3A_169, %ge3A : vector<16xi32>
            %add3A_177 = arith.constant 65536 : i32
            %add3A_178 = arith.addi %mul3A_18, %add3A_177 : i32
            %lt3A_179 = vector.broadcast %add3A_178 : i32 to vector<16xi32>
            %lt3A_180 = arith.cmpi slt, %get3A_169, %lt3A_179 : vector<16xi32>
            %and3A_181 = arith.andi %ge3A_176, %lt3A_180 : vector<16xi1>
            %broadcast_in_dim3A = vector.shape_cast %min3A_5 : vector<16xi32> to vector<16x1xi32>
            %gather3A = vector.shape_cast %broadcast_in_dim3A : vector<16x1xi32> to vector<16xi32>
            %gather3A_182 = tpu.dynamic_gather %get3A_169[%gather3A] in [0] : vector<16xi32>, vector<16xi32> -> vector<16xi32>
            %ne3A = arith.cmpi ne, %get3A_169, %gather3A_182 : vector<16xi32>
            %or3A = arith.ori %ne3A, %eq3A_7 : vector<16xi1>
            %and3A_183 = arith.andi %and3A_181, %or3A : vector<16xi1>
            tpu.vector_store_idx %arg7[%sub3A_175], %get3A_173 masked %and3A_183 : memref<65536xf32, #tpu.memory_space<vmem>>[vector<16xi32>], vector<16xf32>, vector<16xi1>
            %mul3A_184 = arith.constant 8 : i32
            %mul3A_185 = arith.muli %while3A_159, %mul3A_184 : i32
            %add3A_186 = arith.constant 1 : i32
            %add3A_187 = arith.addi %mul3A_185, %add3A_186 : i32
            %mul3A_188 = arith.constant 16 : i32
            %mul3A_189 = arith.muli %add3A_187, %mul3A_188 : i32
            %get3A_190 = arith.constant 1 : i32
            %get3A_191 = arith.index_cast %get3A_190 : i32 to index
            %get3A_192 = arith.index_cast %mul3A_189 : i32 to index
            %get3A_193 = tpu.vector_load %arg8[%get3A_191, %get3A_192] {strides = array<i32>} : memref<2x8192xi32, #tpu.memory_space<vmem>>, vector<16xi32>,
            %get3A_194 = arith.constant 1 : i32
            %get3A_195 = arith.index_cast %get3A_194 : i32 to index
            %get3A_196 = arith.index_cast %mul3A_189 : i32 to index
            %get3A_197 = tpu.vector_load %arg9[%get3A_195, %get3A_196] {strides = array<i32>} : memref<2x8192xf32, #tpu.memory_space<vmem>>, vector<16xf32>,
            %sub3A_198 = vector.broadcast %mul3A_18 : i32 to vector<16xi32>
            %sub3A_199 = arith.subi %get3A_193, %sub3A_198 : vector<16xi32>
            %ge3A_200 = vector.broadcast %mul3A_18 : i32 to vector<16xi32>
            %ge3A_201 = arith.cmpi sge, %get3A_193, %ge3A_200 : vector<16xi32>
            %add3A_202 = arith.constant 65536 : i32
            %add3A_203 = arith.addi %mul3A_18, %add3A_202 : i32
            %lt3A_204 = vector.broadcast %add3A_203 : i32 to vector<16xi32>
            %lt3A_205 = arith.cmpi slt, %get3A_193, %lt3A_204 : vector<16xi32>
            %and3A_206 = arith.andi %ge3A_201, %lt3A_205 : vector<16xi1>
            %broadcast_in_dim3A_207 = vector.shape_cast %min3A_5 : vector<16xi32> to vector<16x1xi32>
            %gather3A_208 = vector.shape_cast %broadcast_in_dim3A_207 : vector<16x1xi32> to vector<16xi32>
            %gather3A_209 = tpu.dynamic_gather %get3A_193[%gather3A_208] in [0] : vector<16xi32>, vector<16xi32> -> vector<16xi32>
            %ne3A_210 = arith.cmpi ne, %get3A_193, %gather3A_209 : vector<16xi32>
            %or3A_211 = arith.ori %ne3A_210, %eq3A_7 : vector<16xi1>
            %and3A_212 = arith.andi %and3A_206, %or3A_211 : vector<16xi1>
            tpu.vector_store_idx %arg7[%sub3A_199], %get3A_197 masked %and3A_212 : memref<65536xf32, #tpu.memory_space<vmem>>[vector<16xi32>], vector<16xf32>, vector<16xi1>
            %mul3A_213 = arith.constant 8 : i32
            %mul3A_214 = arith.muli %while3A_159, %mul3A_213 : i32
            %add3A_215 = arith.constant 2 : i32
            %add3A_216 = arith.addi %mul3A_214, %add3A_215 : i32
            %mul3A_217 = arith.constant 16 : i32
            %mul3A_218 = arith.muli %add3A_216, %mul3A_217 : i32
            %get3A_219 = arith.constant 1 : i32
            %get3A_220 = arith.index_cast %get3A_219 : i32 to index
            %get3A_221 = arith.index_cast %mul3A_218 : i32 to index
            %get3A_222 = tpu.vector_load %arg8[%get3A_220, %get3A_221] {strides = array<i32>} : memref<2x8192xi32, #tpu.memory_space<vmem>>, vector<16xi32>,
            %get3A_223 = arith.constant 1 : i32
            %get3A_224 = arith.index_cast %get3A_223 : i32 to index
            %get3A_225 = arith.index_cast %mul3A_218 : i32 to index
            %get3A_226 = tpu.vector_load %arg9[%get3A_224, %get3A_225] {strides = array<i32>} : memref<2x8192xf32, #tpu.memory_space<vmem>>, vector<16xf32>,
            %sub3A_227 = vector.broadcast %mul3A_18 : i32 to vector<16xi32>
            %sub3A_228 = arith.subi %get3A_222, %sub3A_227 : vector<16xi32>
            %ge3A_229 = vector.broadcast %mul3A_18 : i32 to vector<16xi32>
            %ge3A_230 = arith.cmpi sge, %get3A_222, %ge3A_229 : vector<16xi32>
            %add3A_231 = arith.constant 65536 : i32
            %add3A_232 = arith.addi %mul3A_18, %add3A_231 : i32
            %lt3A_233 = vector.broadcast %add3A_232 : i32 to vector<16xi32>
            %lt3A_234 = arith.cmpi slt, %get3A_222, %lt3A_233 : vector<16xi32>
            %and3A_235 = arith.andi %ge3A_230, %lt3A_234 : vector<16xi1>
            %broadcast_in_dim3A_236 = vector.shape_cast %min3A_5 : vector<16xi32> to vector<16x1xi32>
            %gather3A_237 = vector.shape_cast %broadcast_in_dim3A_236 : vector<16x1xi32> to vector<16xi32>
            %gather3A_238 = tpu.dynamic_gather %get3A_222[%gather3A_237] in [0] : vector<16xi32>, vector<16xi32> -> vector<16xi32>
            %ne3A_239 = arith.cmpi ne, %get3A_222, %gather3A_238 : vector<16xi32>
            %or3A_240 = arith.ori %ne3A_239, %eq3A_7 : vector<16xi1>
            %and3A_241 = arith.andi %and3A_235, %or3A_240 : vector<16xi1>
            tpu.vector_store_idx %arg7[%sub3A_228], %get3A_226 masked %and3A_241 : memref<65536xf32, #tpu.memory_space<vmem>>[vector<16xi32>], vector<16xf32>, vector<16xi1>
            %mul3A_242 = arith.constant 8 : i32
            %mul3A_243 = arith.muli %while3A_159, %mul3A_242 : i32
            %add3A_244 = arith.constant 3 : i32
            %add3A_245 = arith.addi %mul3A_243, %add3A_244 : i32
            %mul3A_246 = arith.constant 16 : i32
            %mul3A_247 = arith.muli %add3A_245, %mul3A_246 : i32
            %get3A_248 = arith.constant 1 : i32
            %get3A_249 = arith.index_cast %get3A_248 : i32 to index
            %get3A_250 = arith.index_cast %mul3A_247 : i32 to index
            %get3A_251 = tpu.vector_load %arg8[%get3A_249, %get3A_250] {strides = array<i32>} : memref<2x8192xi32, #tpu.memory_space<vmem>>, vector<16xi32>,
            %get3A_252 = arith.constant 1 : i32
            %get3A_253 = arith.index_cast %get3A_252 : i32 to index
            %get3A_254 = arith.index_cast %mul3A_247 : i32 to index
            %get3A_255 = tpu.vector_load %arg9[%get3A_253, %get3A_254] {strides = array<i32>} : memref<2x8192xf32, #tpu.memory_space<vmem>>, vector<16xf32>,
            %sub3A_256 = vector.broadcast %mul3A_18 : i32 to vector<16xi32>
            %sub3A_257 = arith.subi %get3A_251, %sub3A_256 : vector<16xi32>
            %ge3A_258 = vector.broadcast %mul3A_18 : i32 to vector<16xi32>
            %ge3A_259 = arith.cmpi sge, %get3A_251, %ge3A_258 : vector<16xi32>
            %add3A_260 = arith.constant 65536 : i32
            %add3A_261 = arith.addi %mul3A_18, %add3A_260 : i32
            %lt3A_262 = vector.broadcast %add3A_261 : i32 to vector<16xi32>
            %lt3A_263 = arith.cmpi slt, %get3A_251, %lt3A_262 : vector<16xi32>
            %and3A_264 = arith.andi %ge3A_259, %lt3A_263 : vector<16xi1>
            %broadcast_in_dim3A_265 = vector.shape_cast %min3A_5 : vector<16xi32> to vector<16x1xi32>
            %gather3A_266 = vector.shape_cast %broadcast_in_dim3A_265 : vector<16x1xi32> to vector<16xi32>
            %gather3A_267 = tpu.dynamic_gather %get3A_251[%gather3A_266] in [0] : vector<16xi32>, vector<16xi32> -> vector<16xi32>
            %ne3A_268 = arith.cmpi ne, %get3A_251, %gather3A_267 : vector<16xi32>
            %or3A_269 = arith.ori %ne3A_268, %eq3A_7 : vector<16xi1>
            %and3A_270 = arith.andi %and3A_264, %or3A_269 : vector<16xi1>
            tpu.vector_store_idx %arg7[%sub3A_257], %get3A_255 masked %and3A_270 : memref<65536xf32, #tpu.memory_space<vmem>>[vector<16xi32>], vector<16xf32>, vector<16xi1>
            %mul3A_271 = arith.constant 8 : i32
            %mul3A_272 = arith.muli %while3A_159, %mul3A_271 : i32
            %add3A_273 = arith.constant 4 : i32
            %add3A_274 = arith.addi %mul3A_272, %add3A_273 : i32
            %mul3A_275 = arith.constant 16 : i32
            %mul3A_276 = arith.muli %add3A_274, %mul3A_275 : i32
            %get3A_277 = arith.constant 1 : i32
            %get3A_278 = arith.index_cast %get3A_277 : i32 to index
            %get3A_279 = arith.index_cast %mul3A_276 : i32 to index
            %get3A_280 = tpu.vector_load %arg8[%get3A_278, %get3A_279] {strides = array<i32>} : memref<2x8192xi32, #tpu.memory_space<vmem>>, vector<16xi32>,
            %get3A_281 = arith.constant 1 : i32
            %get3A_282 = arith.index_cast %get3A_281 : i32 to index
            %get3A_283 = arith.index_cast %mul3A_276 : i32 to index
            %get3A_284 = tpu.vector_load %arg9[%get3A_282, %get3A_283] {strides = array<i32>} : memref<2x8192xf32, #tpu.memory_space<vmem>>, vector<16xf32>,
            %sub3A_285 = vector.broadcast %mul3A_18 : i32 to vector<16xi32>
            %sub3A_286 = arith.subi %get3A_280, %sub3A_285 : vector<16xi32>
            %ge3A_287 = vector.broadcast %mul3A_18 : i32 to vector<16xi32>
            %ge3A_288 = arith.cmpi sge, %get3A_280, %ge3A_287 : vector<16xi32>
            %add3A_289 = arith.constant 65536 : i32
            %add3A_290 = arith.addi %mul3A_18, %add3A_289 : i32
            %lt3A_291 = vector.broadcast %add3A_290 : i32 to vector<16xi32>
            %lt3A_292 = arith.cmpi slt, %get3A_280, %lt3A_291 : vector<16xi32>
            %and3A_293 = arith.andi %ge3A_288, %lt3A_292 : vector<16xi1>
            %broadcast_in_dim3A_294 = vector.shape_cast %min3A_5 : vector<16xi32> to vector<16x1xi32>
            %gather3A_295 = vector.shape_cast %broadcast_in_dim3A_294 : vector<16x1xi32> to vector<16xi32>
            %gather3A_296 = tpu.dynamic_gather %get3A_280[%gather3A_295] in [0] : vector<16xi32>, vector<16xi32> -> vector<16xi32>
            %ne3A_297 = arith.cmpi ne, %get3A_280, %gather3A_296 : vector<16xi32>
            %or3A_298 = arith.ori %ne3A_297, %eq3A_7 : vector<16xi1>
            %and3A_299 = arith.andi %and3A_293, %or3A_298 : vector<16xi1>
            tpu.vector_store_idx %arg7[%sub3A_286], %get3A_284 masked %and3A_299 : memref<65536xf32, #tpu.memory_space<vmem>>[vector<16xi32>], vector<16xf32>, vector<16xi1>
            %mul3A_300 = arith.constant 8 : i32
            %mul3A_301 = arith.muli %while3A_159, %mul3A_300 : i32
            %add3A_302 = arith.constant 5 : i32
            %add3A_303 = arith.addi %mul3A_301, %add3A_302 : i32
            %mul3A_304 = arith.constant 16 : i32
            %mul3A_305 = arith.muli %add3A_303, %mul3A_304 : i32
            %get3A_306 = arith.constant 1 : i32
            %get3A_307 = arith.index_cast %get3A_306 : i32 to index
            %get3A_308 = arith.index_cast %mul3A_305 : i32 to index
            %get3A_309 = tpu.vector_load %arg8[%get3A_307, %get3A_308] {strides = array<i32>} : memref<2x8192xi32, #tpu.memory_space<vmem>>, vector<16xi32>,
            %get3A_310 = arith.constant 1 : i32
            %get3A_311 = arith.index_cast %get3A_310 : i32 to index
            %get3A_312 = arith.index_cast %mul3A_305 : i32 to index
            %get3A_313 = tpu.vector_load %arg9[%get3A_311, %get3A_312] {strides = array<i32>} : memref<2x8192xf32, #tpu.memory_space<vmem>>, vector<16xf32>,
            %sub3A_314 = vector.broadcast %mul3A_18 : i32 to vector<16xi32>
            %sub3A_315 = arith.subi %get3A_309, %sub3A_314 : vector<16xi32>
            %ge3A_316 = vector.broadcast %mul3A_18 : i32 to vector<16xi32>
            %ge3A_317 = arith.cmpi sge, %get3A_309, %ge3A_316 : vector<16xi32>
            %add3A_318 = arith.constant 65536 : i32
            %add3A_319 = arith.addi %mul3A_18, %add3A_318 : i32
            %lt3A_320 = vector.broadcast %add3A_319 : i32 to vector<16xi32>
            %lt3A_321 = arith.cmpi slt, %get3A_309, %lt3A_320 : vector<16xi32>
            %and3A_322 = arith.andi %ge3A_317, %lt3A_321 : vector<16xi1>
            %broadcast_in_dim3A_323 = vector.shape_cast %min3A_5 : vector<16xi32> to vector<16x1xi32>
            %gather3A_324 = vector.shape_cast %broadcast_in_dim3A_323 : vector<16x1xi32> to vector<16xi32>
            %gather3A_325 = tpu.dynamic_gather %get3A_309[%gather3A_324] in [0] : vector<16xi32>, vector<16xi32> -> vector<16xi32>
            %ne3A_326 = arith.cmpi ne, %get3A_309, %gather3A_325 : vector<16xi32>
            %or3A_327 = arith.ori %ne3A_326, %eq3A_7 : vector<16xi1>
            %and3A_328 = arith.andi %and3A_322, %or3A_327 : vector<16xi1>
            tpu.vector_store_idx %arg7[%sub3A_315], %get3A_313 masked %and3A_328 : memref<65536xf32, #tpu.memory_space<vmem>>[vector<16xi32>], vector<16xf32>, vector<16xi1>
            %mul3A_329 = arith.constant 8 : i32
            %mul3A_330 = arith.muli %while3A_159, %mul3A_329 : i32
            %add3A_331 = arith.constant 6 : i32
            %add3A_332 = arith.addi %mul3A_330, %add3A_331 : i32
            %mul3A_333 = arith.constant 16 : i32
            %mul3A_334 = arith.muli %add3A_332, %mul3A_333 : i32
            %get3A_335 = arith.constant 1 : i32
            %get3A_336 = arith.index_cast %get3A_335 : i32 to index
            %get3A_337 = arith.index_cast %mul3A_334 : i32 to index
            %get3A_338 = tpu.vector_load %arg8[%get3A_336, %get3A_337] {strides = array<i32>} : memref<2x8192xi32, #tpu.memory_space<vmem>>, vector<16xi32>,
            %get3A_339 = arith.constant 1 : i32
            %get3A_340 = arith.index_cast %get3A_339 : i32 to index
            %get3A_341 = arith.index_cast %mul3A_334 : i32 to index
            %get3A_342 = tpu.vector_load %arg9[%get3A_340, %get3A_341] {strides = array<i32>} : memref<2x8192xf32, #tpu.memory_space<vmem>>, vector<16xf32>,
            %sub3A_343 = vector.broadcast %mul3A_18 : i32 to vector<16xi32>
            %sub3A_344 = arith.subi %get3A_338, %sub3A_343 : vector<16xi32>
            %ge3A_345 = vector.broadcast %mul3A_18 : i32 to vector<16xi32>
            %ge3A_346 = arith.cmpi sge, %get3A_338, %ge3A_345 : vector<16xi32>
            %add3A_347 = arith.constant 65536 : i32
            %add3A_348 = arith.addi %mul3A_18, %add3A_347 : i32
            %lt3A_349 = vector.broadcast %add3A_348 : i32 to vector<16xi32>
            %lt3A_350 = arith.cmpi slt, %get3A_338, %lt3A_349 : vector<16xi32>
            %and3A_351 = arith.andi %ge3A_346, %lt3A_350 : vector<16xi1>
            %broadcast_in_dim3A_352 = vector.shape_cast %min3A_5 : vector<16xi32> to vector<16x1xi32>
            %gather3A_353 = vector.shape_cast %broadcast_in_dim3A_352 : vector<16x1xi32> to vector<16xi32>
            %gather3A_354 = tpu.dynamic_gather %get3A_338[%gather3A_353] in [0] : vector<16xi32>, vector<16xi32> -> vector<16xi32>
            %ne3A_355 = arith.cmpi ne, %get3A_338, %gather3A_354 : vector<16xi32>
            %or3A_356 = arith.ori %ne3A_355, %eq3A_7 : vector<16xi1>
            %and3A_357 = arith.andi %and3A_351, %or3A_356 : vector<16xi1>
            tpu.vector_store_idx %arg7[%sub3A_344], %get3A_342 masked %and3A_357 : memref<65536xf32, #tpu.memory_space<vmem>>[vector<16xi32>], vector<16xf32>, vector<16xi1>
            %mul3A_358 = arith.constant 8 : i32
            %mul3A_359 = arith.muli %while3A_159, %mul3A_358 : i32
            %add3A_360 = arith.constant 7 : i32
            %add3A_361 = arith.addi %mul3A_359, %add3A_360 : i32
            %mul3A_362 = arith.constant 16 : i32
            %mul3A_363 = arith.muli %add3A_361, %mul3A_362 : i32
            %get3A_364 = arith.constant 1 : i32
            %get3A_365 = arith.index_cast %get3A_364 : i32 to index
            %get3A_366 = arith.index_cast %mul3A_363 : i32 to index
            %get3A_367 = tpu.vector_load %arg8[%get3A_365, %get3A_366] {strides = array<i32>} : memref<2x8192xi32, #tpu.memory_space<vmem>>, vector<16xi32>,
            %get3A_368 = arith.constant 1 : i32
            %get3A_369 = arith.index_cast %get3A_368 : i32 to index
            %get3A_370 = arith.index_cast %mul3A_363 : i32 to index
            %get3A_371 = tpu.vector_load %arg9[%get3A_369, %get3A_370] {strides = array<i32>} : memref<2x8192xf32, #tpu.memory_space<vmem>>, vector<16xf32>,
            %sub3A_372 = vector.broadcast %mul3A_18 : i32 to vector<16xi32>
            %sub3A_373 = arith.subi %get3A_367, %sub3A_372 : vector<16xi32>
            %ge3A_374 = vector.broadcast %mul3A_18 : i32 to vector<16xi32>
            %ge3A_375 = arith.cmpi sge, %get3A_367, %ge3A_374 : vector<16xi32>
            %add3A_376 = arith.constant 65536 : i32
            %add3A_377 = arith.addi %mul3A_18, %add3A_376 : i32
            %lt3A_378 = vector.broadcast %add3A_377 : i32 to vector<16xi32>
            %lt3A_379 = arith.cmpi slt, %get3A_367, %lt3A_378 : vector<16xi32>
            %and3A_380 = arith.andi %ge3A_375, %lt3A_379 : vector<16xi1>
            %broadcast_in_dim3A_381 = vector.shape_cast %min3A_5 : vector<16xi32> to vector<16x1xi32>
            %gather3A_382 = vector.shape_cast %broadcast_in_dim3A_381 : vector<16x1xi32> to vector<16xi32>
            %gather3A_383 = tpu.dynamic_gather %get3A_367[%gather3A_382] in [0] : vector<16xi32>, vector<16xi32> -> vector<16xi32>
            %ne3A_384 = arith.cmpi ne, %get3A_367, %gather3A_383 : vector<16xi32>
            %or3A_385 = arith.ori %ne3A_384, %eq3A_7 : vector<16xi1>
            %and3A_386 = arith.andi %and3A_380, %or3A_385 : vector<16xi1>
            tpu.vector_store_idx %arg7[%sub3A_373], %get3A_371 masked %and3A_386 : memref<65536xf32, #tpu.memory_space<vmem>>[vector<16xi32>], vector<16xf32>, vector<16xi1>
          }
          %while3A_158 = arith.constant 1 : i32
          scf.for %while3A_159 = %while3A_156 to %while3A_152 step %while3A_158  : i32 {
            %mul3A_160 = arith.constant 8 : i32
            %mul3A_161 = arith.muli %while3A_159, %mul3A_160 : i32
            %add3A_162 = arith.constant 0 : i32
            %add3A_163 = arith.addi %mul3A_161, %add3A_162 : i32
            %mul3A_164 = arith.constant 16 : i32
            %mul3A_165 = arith.muli %add3A_163, %mul3A_164 : i32
            %get3A_166 = arith.constant 1 : i32
            %get3A_167 = arith.index_cast %get3A_166 : i32 to index
            %get3A_168 = arith.index_cast %mul3A_165 : i32 to index
            %get3A_169 = tpu.vector_load %arg8[%get3A_167, %get3A_168] {strides = array<i32>} : memref<2x8192xi32, #tpu.memory_space<vmem>>, vector<16xi32>,
            %get3A_170 = arith.constant 1 : i32
            %get3A_171 = arith.index_cast %get3A_170 : i32 to index
            %get3A_172 = arith.index_cast %mul3A_165 : i32 to index
            %get3A_173 = tpu.vector_load %arg9[%get3A_171, %get3A_172] {strides = array<i32>} : memref<2x8192xf32, #tpu.memory_space<vmem>>, vector<16xf32>,
            %sub3A_174 = vector.broadcast %mul3A_18 : i32 to vector<16xi32>
            %sub3A_175 = arith.subi %get3A_169, %sub3A_174 : vector<16xi32>
            %ge3A = vector.broadcast %mul3A_18 : i32 to vector<16xi32>
            %ge3A_176 = arith.cmpi sge, %get3A_169, %ge3A : vector<16xi32>
            %add3A_177 = arith.constant 65536 : i32
            %add3A_178 = arith.addi %mul3A_18, %add3A_177 : i32
            %lt3A_179 = vector.broadcast %add3A_178 : i32 to vector<16xi32>
            %lt3A_180 = arith.cmpi slt, %get3A_169, %lt3A_179 : vector<16xi32>
            %and3A_181 = arith.andi %ge3A_176, %lt3A_180 : vector<16xi1>
            %broadcast_in_dim3A = vector.shape_cast %min3A_5 : vector<16xi32> to vector<16x1xi32>
            %gather3A = vector.shape_cast %broadcast_in_dim3A : vector<16x1xi32> to vector<16xi32>
            %gather3A_182 = tpu.dynamic_gather %get3A_169[%gather3A] in [0] : vector<16xi32>, vector<16xi32> -> vector<16xi32>
            %ne3A = arith.cmpi ne, %get3A_169, %gather3A_182 : vector<16xi32>
            %or3A = arith.ori %ne3A, %eq3A_7 : vector<16xi1>
            %and3A_183 = arith.andi %and3A_181, %or3A : vector<16xi1>
            tpu.vector_store_idx %arg7[%sub3A_175], %get3A_173 masked %and3A_183 : memref<65536xf32, #tpu.memory_space<vmem>>[vector<16xi32>], vector<16xf32>, vector<16xi1>
            %mul3A_184 = arith.constant 8 : i32
            %mul3A_185 = arith.muli %while3A_159, %mul3A_184 : i32
            %add3A_186 = arith.constant 1 : i32
            %add3A_187 = arith.addi %mul3A_185, %add3A_186 : i32
            %mul3A_188 = arith.constant 16 : i32
            %mul3A_189 = arith.muli %add3A_187, %mul3A_188 : i32
            %get3A_190 = arith.constant 1 : i32
            %get3A_191 = arith.index_cast %get3A_190 : i32 to index
            %get3A_192 = arith.index_cast %mul3A_189 : i32 to index
            %get3A_193 = tpu.vector_load %arg8[%get3A_191, %get3A_192] {strides = array<i32>} : memref<2x8192xi32, #tpu.memory_space<vmem>>, vector<16xi32>,
            %get3A_194 = arith.constant 1 : i32
            %get3A_195 = arith.index_cast %get3A_194 : i32 to index
            %get3A_196 = arith.index_cast %mul3A_189 : i32 to index
            %get3A_197 = tpu.vector_load %arg9[%get3A_195, %get3A_196] {strides = array<i32>} : memref<2x8192xf32, #tpu.memory_space<vmem>>, vector<16xf32>,
            %sub3A_198 = vector.broadcast %mul3A_18 : i32 to vector<16xi32>
            %sub3A_199 = arith.subi %get3A_193, %sub3A_198 : vector<16xi32>
            %ge3A_200 = vector.broadcast %mul3A_18 : i32 to vector<16xi32>
            %ge3A_201 = arith.cmpi sge, %get3A_193, %ge3A_200 : vector<16xi32>
            %add3A_202 = arith.constant 65536 : i32
            %add3A_203 = arith.addi %mul3A_18, %add3A_202 : i32
            %lt3A_204 = vector.broadcast %add3A_203 : i32 to vector<16xi32>
            %lt3A_205 = arith.cmpi slt, %get3A_193, %lt3A_204 : vector<16xi32>
            %and3A_206 = arith.andi %ge3A_201, %lt3A_205 : vector<16xi1>
            %broadcast_in_dim3A_207 = vector.shape_cast %min3A_5 : vector<16xi32> to vector<16x1xi32>
            %gather3A_208 = vector.shape_cast %broadcast_in_dim3A_207 : vector<16x1xi32> to vector<16xi32>
            %gather3A_209 = tpu.dynamic_gather %get3A_193[%gather3A_208] in [0] : vector<16xi32>, vector<16xi32> -> vector<16xi32>
            %ne3A_210 = arith.cmpi ne, %get3A_193, %gather3A_209 : vector<16xi32>
            %or3A_211 = arith.ori %ne3A_210, %eq3A_7 : vector<16xi1>
            %and3A_212 = arith.andi %and3A_206, %or3A_211 : vector<16xi1>
            tpu.vector_store_idx %arg7[%sub3A_199], %get3A_197 masked %and3A_212 : memref<65536xf32, #tpu.memory_space<vmem>>[vector<16xi32>], vector<16xf32>, vector<16xi1>
            %mul3A_213 = arith.constant 8 : i32
            %mul3A_214 = arith.muli %while3A_159, %mul3A_213 : i32
            %add3A_215 = arith.constant 2 : i32
            %add3A_216 = arith.addi %mul3A_214, %add3A_215 : i32
            %mul3A_217 = arith.constant 16 : i32
            %mul3A_218 = arith.muli %add3A_216, %mul3A_217 : i32
            %get3A_219 = arith.constant 1 : i32
            %get3A_220 = arith.index_cast %get3A_219 : i32 to index
            %get3A_221 = arith.index_cast %mul3A_218 : i32 to index
            %get3A_222 = tpu.vector_load %arg8[%get3A_220, %get3A_221] {strides = array<i32>} : memref<2x8192xi32, #tpu.memory_space<vmem>>, vector<16xi32>,
            %get3A_223 = arith.constant 1 : i32
            %get3A_224 = arith.index_cast %get3A_223 : i32 to index
            %get3A_225 = arith.index_cast %mul3A_218 : i32 to index
            %get3A_226 = tpu.vector_load %arg9[%get3A_224, %get3A_225] {strides = array<i32>} : memref<2x8192xf32, #tpu.memory_space<vmem>>, vector<16xf32>,
            %sub3A_227 = vector.broadcast %mul3A_18 : i32 to vector<16xi32>
            %sub3A_228 = arith.subi %get3A_222, %sub3A_227 : vector<16xi32>
            %ge3A_229 = vector.broadcast %mul3A_18 : i32 to vector<16xi32>
            %ge3A_230 = arith.cmpi sge, %get3A_222, %ge3A_229 : vector<16xi32>
            %add3A_231 = arith.constant 65536 : i32
            %add3A_232 = arith.addi %mul3A_18, %add3A_231 : i32
            %lt3A_233 = vector.broadcast %add3A_232 : i32 to vector<16xi32>
            %lt3A_234 = arith.cmpi slt, %get3A_222, %lt3A_233 : vector<16xi32>
            %and3A_235 = arith.andi %ge3A_230, %lt3A_234 : vector<16xi1>
            %broadcast_in_dim3A_236 = vector.shape_cast %min3A_5 : vector<16xi32> to vector<16x1xi32>
            %gather3A_237 = vector.shape_cast %broadcast_in_dim3A_236 : vector<16x1xi32> to vector<16xi32>
            %gather3A_238 = tpu.dynamic_gather %get3A_222[%gather3A_237] in [0] : vector<16xi32>, vector<16xi32> -> vector<16xi32>
            %ne3A_239 = arith.cmpi ne, %get3A_222, %gather3A_238 : vector<16xi32>
            %or3A_240 = arith.ori %ne3A_239, %eq3A_7 : vector<16xi1>
            %and3A_241 = arith.andi %and3A_235, %or3A_240 : vector<16xi1>
            tpu.vector_store_idx %arg7[%sub3A_228], %get3A_226 masked %and3A_241 : memref<65536xf32, #tpu.memory_space<vmem>>[vector<16xi32>], vector<16xf32>, vector<16xi1>
            %mul3A_242 = arith.constant 8 : i32
            %mul3A_243 = arith.muli %while3A_159, %mul3A_242 : i32
            %add3A_244 = arith.constant 3 : i32
            %add3A_245 = arith.addi %mul3A_243, %add3A_244 : i32
            %mul3A_246 = arith.constant 16 : i32
            %mul3A_247 = arith.muli %add3A_245, %mul3A_246 : i32
            %get3A_248 = arith.constant 1 : i32
            %get3A_249 = arith.index_cast %get3A_248 : i32 to index
            %get3A_250 = arith.index_cast %mul3A_247 : i32 to index
            %get3A_251 = tpu.vector_load %arg8[%get3A_249, %get3A_250] {strides = array<i32>} : memref<2x8192xi32, #tpu.memory_space<vmem>>, vector<16xi32>,
            %get3A_252 = arith.constant 1 : i32
            %get3A_253 = arith.index_cast %get3A_252 : i32 to index
            %get3A_254 = arith.index_cast %mul3A_247 : i32 to index
            %get3A_255 = tpu.vector_load %arg9[%get3A_253, %get3A_254] {strides = array<i32>} : memref<2x8192xf32, #tpu.memory_space<vmem>>, vector<16xf32>,
            %sub3A_256 = vector.broadcast %mul3A_18 : i32 to vector<16xi32>
            %sub3A_257 = arith.subi %get3A_251, %sub3A_256 : vector<16xi32>
            %ge3A_258 = vector.broadcast %mul3A_18 : i32 to vector<16xi32>
            %ge3A_259 = arith.cmpi sge, %get3A_251, %ge3A_258 : vector<16xi32>
            %add3A_260 = arith.constant 65536 : i32
            %add3A_261 = arith.addi %mul3A_18, %add3A_260 : i32
            %lt3A_262 = vector.broadcast %add3A_261 : i32 to vector<16xi32>
            %lt3A_263 = arith.cmpi slt, %get3A_251, %lt3A_262 : vector<16xi32>
            %and3A_264 = arith.andi %ge3A_259, %lt3A_263 : vector<16xi1>
            %broadcast_in_dim3A_265 = vector.shape_cast %min3A_5 : vector<16xi32> to vector<16x1xi32>
            %gather3A_266 = vector.shape_cast %broadcast_in_dim3A_265 : vector<16x1xi32> to vector<16xi32>
            %gather3A_267 = tpu.dynamic_gather %get3A_251[%gather3A_266] in [0] : vector<16xi32>, vector<16xi32> -> vector<16xi32>
            %ne3A_268 = arith.cmpi ne, %get3A_251, %gather3A_267 : vector<16xi32>
            %or3A_269 = arith.ori %ne3A_268, %eq3A_7 : vector<16xi1>
            %and3A_270 = arith.andi %and3A_264, %or3A_269 : vector<16xi1>
            tpu.vector_store_idx %arg7[%sub3A_257], %get3A_255 masked %and3A_270 : memref<65536xf32, #tpu.memory_space<vmem>>[vector<16xi32>], vector<16xf32>, vector<16xi1>
            %mul3A_271 = arith.constant 8 : i32
            %mul3A_272 = arith.muli %while3A_159, %mul3A_271 : i32
            %add3A_273 = arith.constant 4 : i32
            %add3A_274 = arith.addi %mul3A_272, %add3A_273 : i32
            %mul3A_275 = arith.constant 16 : i32
            %mul3A_276 = arith.muli %add3A_274, %mul3A_275 : i32
            %get3A_277 = arith.constant 1 : i32
            %get3A_278 = arith.index_cast %get3A_277 : i32 to index
            %get3A_279 = arith.index_cast %mul3A_276 : i32 to index
            %get3A_280 = tpu.vector_load %arg8[%get3A_278, %get3A_279] {strides = array<i32>} : memref<2x8192xi32, #tpu.memory_space<vmem>>, vector<16xi32>,
            %get3A_281 = arith.constant 1 : i32
            %get3A_282 = arith.index_cast %get3A_281 : i32 to index
            %get3A_283 = arith.index_cast %mul3A_276 : i32 to index
            %get3A_284 = tpu.vector_load %arg9[%get3A_282, %get3A_283] {strides = array<i32>} : memref<2x8192xf32, #tpu.memory_space<vmem>>, vector<16xf32>,
            %sub3A_285 = vector.broadcast %mul3A_18 : i32 to vector<16xi32>
            %sub3A_286 = arith.subi %get3A_280, %sub3A_285 : vector<16xi32>
            %ge3A_287 = vector.broadcast %mul3A_18 : i32 to vector<16xi32>
            %ge3A_288 = arith.cmpi sge, %get3A_280, %ge3A_287 : vector<16xi32>
            %add3A_289 = arith.constant 65536 : i32
            %add3A_290 = arith.addi %mul3A_18, %add3A_289 : i32
            %lt3A_291 = vector.broadcast %add3A_290 : i32 to vector<16xi32>
            %lt3A_292 = arith.cmpi slt, %get3A_280, %lt3A_291 : vector<16xi32>
            %and3A_293 = arith.andi %ge3A_288, %lt3A_292 : vector<16xi1>
            %broadcast_in_dim3A_294 = vector.shape_cast %min3A_5 : vector<16xi32> to vector<16x1xi32>
            %gather3A_295 = vector.shape_cast %broadcast_in_dim3A_294 : vector<16x1xi32> to vector<16xi32>
            %gather3A_296 = tpu.dynamic_gather %get3A_280[%gather3A_295] in [0] : vector<16xi32>, vector<16xi32> -> vector<16xi32>
            %ne3A_297 = arith.cmpi ne, %get3A_280, %gather3A_296 : vector<16xi32>
            %or3A_298 = arith.ori %ne3A_297, %eq3A_7 : vector<16xi1>
            %and3A_299 = arith.andi %and3A_293, %or3A_298 : vector<16xi1>
            tpu.vector_store_idx %arg7[%sub3A_286], %get3A_284 masked %and3A_299 : memref<65536xf32, #tpu.memory_space<vmem>>[vector<16xi32>], vector<16xf32>, vector<16xi1>
            %mul3A_300 = arith.constant 8 : i32
            %mul3A_301 = arith.muli %while3A_159, %mul3A_300 : i32
            %add3A_302 = arith.constant 5 : i32
            %add3A_303 = arith.addi %mul3A_301, %add3A_302 : i32
            %mul3A_304 = arith.constant 16 : i32
            %mul3A_305 = arith.muli %add3A_303, %mul3A_304 : i32
            %get3A_306 = arith.constant 1 : i32
            %get3A_307 = arith.index_cast %get3A_306 : i32 to index
            %get3A_308 = arith.index_cast %mul3A_305 : i32 to index
            %get3A_309 = tpu.vector_load %arg8[%get3A_307, %get3A_308] {strides = array<i32>} : memref<2x8192xi32, #tpu.memory_space<vmem>>, vector<16xi32>,
            %get3A_310 = arith.constant 1 : i32
            %get3A_311 = arith.index_cast %get3A_310 : i32 to index
            %get3A_312 = arith.index_cast %mul3A_305 : i32 to index
            %get3A_313 = tpu.vector_load %arg9[%get3A_311, %get3A_312] {strides = array<i32>} : memref<2x8192xf32, #tpu.memory_space<vmem>>, vector<16xf32>,
            %sub3A_314 = vector.broadcast %mul3A_18 : i32 to vector<16xi32>
            %sub3A_315 = arith.subi %get3A_309, %sub3A_314 : vector<16xi32>
            %ge3A_316 = vector.broadcast %mul3A_18 : i32 to vector<16xi32>
            %ge3A_317 = arith.cmpi sge, %get3A_309, %ge3A_316 : vector<16xi32>
            %add3A_318 = arith.constant 65536 : i32
            %add3A_319 = arith.addi %mul3A_18, %add3A_318 : i32
            %lt3A_320 = vector.broadcast %add3A_319 : i32 to vector<16xi32>
            %lt3A_321 = arith.cmpi slt, %get3A_309, %lt3A_320 : vector<16xi32>
            %and3A_322 = arith.andi %ge3A_317, %lt3A_321 : vector<16xi1>
            %broadcast_in_dim3A_323 = vector.shape_cast %min3A_5 : vector<16xi32> to vector<16x1xi32>
            %gather3A_324 = vector.shape_cast %broadcast_in_dim3A_323 : vector<16x1xi32> to vector<16xi32>
            %gather3A_325 = tpu.dynamic_gather %get3A_309[%gather3A_324] in [0] : vector<16xi32>, vector<16xi32> -> vector<16xi32>
            %ne3A_326 = arith.cmpi ne, %get3A_309, %gather3A_325 : vector<16xi32>
            %or3A_327 = arith.ori %ne3A_326, %eq3A_7 : vector<16xi1>
            %and3A_328 = arith.andi %and3A_322, %or3A_327 : vector<16xi1>
            tpu.vector_store_idx %arg7[%sub3A_315], %get3A_313 masked %and3A_328 : memref<65536xf32, #tpu.memory_space<vmem>>[vector<16xi32>], vector<16xf32>, vector<16xi1>
            %mul3A_329 = arith.constant 8 : i32
            %mul3A_330 = arith.muli %while3A_159, %mul3A_329 : i32
            %add3A_331 = arith.constant 6 : i32
            %add3A_332 = arith.addi %mul3A_330, %add3A_331 : i32
            %mul3A_333 = arith.constant 16 : i32
            %mul3A_334 = arith.muli %add3A_332, %mul3A_333 : i32
            %get3A_335 = arith.constant 1 : i32
            %get3A_336 = arith.index_cast %get3A_335 : i32 to index
            %get3A_337 = arith.index_cast %mul3A_334 : i32 to index
            %get3A_338 = tpu.vector_load %arg8[%get3A_336, %get3A_337] {strides = array<i32>} : memref<2x8192xi32, #tpu.memory_space<vmem>>, vector<16xi32>,
            %get3A_339 = arith.constant 1 : i32
            %get3A_340 = arith.index_cast %get3A_339 : i32 to index
            %get3A_341 = arith.index_cast %mul3A_334 : i32 to index
            %get3A_342 = tpu.vector_load %arg9[%get3A_340, %get3A_341] {strides = array<i32>} : memref<2x8192xf32, #tpu.memory_space<vmem>>, vector<16xf32>,
            %sub3A_343 = vector.broadcast %mul3A_18 : i32 to vector<16xi32>
            %sub3A_344 = arith.subi %get3A_338, %sub3A_343 : vector<16xi32>
            %ge3A_345 = vector.broadcast %mul3A_18 : i32 to vector<16xi32>
            %ge3A_346 = arith.cmpi sge, %get3A_338, %ge3A_345 : vector<16xi32>
            %add3A_347 = arith.constant 65536 : i32
            %add3A_348 = arith.addi %mul3A_18, %add3A_347 : i32
            %lt3A_349 = vector.broadcast %add3A_348 : i32 to vector<16xi32>
            %lt3A_350 = arith.cmpi slt, %get3A_338, %lt3A_349 : vector<16xi32>
            %and3A_351 = arith.andi %ge3A_346, %lt3A_350 : vector<16xi1>
            %broadcast_in_dim3A_352 = vector.shape_cast %min3A_5 : vector<16xi32> to vector<16x1xi32>
            %gather3A_353 = vector.shape_cast %broadcast_in_dim3A_352 : vector<16x1xi32> to vector<16xi32>
            %gather3A_354 = tpu.dynamic_gather %get3A_338[%gather3A_353] in [0] : vector<16xi32>, vector<16xi32> -> vector<16xi32>
            %ne3A_355 = arith.cmpi ne, %get3A_338, %gather3A_354 : vector<16xi32>
            %or3A_356 = arith.ori %ne3A_355, %eq3A_7 : vector<16xi1>
            %and3A_357 = arith.andi %and3A_351, %or3A_356 : vector<16xi1>
            tpu.vector_store_idx %arg7[%sub3A_344], %get3A_342 masked %and3A_357 : memref<65536xf32, #tpu.memory_space<vmem>>[vector<16xi32>], vector<16xf32>, vector<16xi1>
            %mul3A_358 = arith.constant 8 : i32
            %mul3A_359 = arith.muli %while3A_159, %mul3A_358 : i32
            %add3A_360 = arith.constant 7 : i32
            %add3A_361 = arith.addi %mul3A_359, %add3A_360 : i32
            %mul3A_362 = arith.constant 16 : i32
            %mul3A_363 = arith.muli %add3A_361, %mul3A_362 : i32
            %get3A_364 = arith.constant 1 : i32
            %get3A_365 = arith.index_cast %get3A_364 : i32 to index
            %get3A_366 = arith.index_cast %mul3A_363 : i32 to index
            %get3A_367 = tpu.vector_load %arg8[%get3A_365, %get3A_366] {strides = array<i32>} : memref<2x8192xi32, #tpu.memory_space<vmem>>, vector<16xi32>,
            %get3A_368 = arith.constant 1 : i32
            %get3A_369 = arith.index_cast %get3A_368 : i32 to index
            %get3A_370 = arith.index_cast %mul3A_363 : i32 to index
            %get3A_371 = tpu.vector_load %arg9[%get3A_369, %get3A_370] {strides = array<i32>} : memref<2x8192xf32, #tpu.memory_space<vmem>>, vector<16xf32>,
            %sub3A_372 = vector.broadcast %mul3A_18 : i32 to vector<16xi32>
            %sub3A_373 = arith.subi %get3A_367, %sub3A_372 : vector<16xi32>
            %ge3A_374 = vector.broadcast %mul3A_18 : i32 to vector<16xi32>
            %ge3A_375 = arith.cmpi sge, %get3A_367, %ge3A_374 : vector<16xi32>
            %add3A_376 = arith.constant 65536 : i32
            %add3A_377 = arith.addi %mul3A_18, %add3A_376 : i32
            %lt3A_378 = vector.broadcast %add3A_377 : i32 to vector<16xi32>
            %lt3A_379 = arith.cmpi slt, %get3A_367, %lt3A_378 : vector<16xi32>
            %and3A_380 = arith.andi %ge3A_375, %lt3A_379 : vector<16xi1>
            %broadcast_in_dim3A_381 = vector.shape_cast %min3A_5 : vector<16xi32> to vector<16x1xi32>
            %gather3A_382 = vector.shape_cast %broadcast_in_dim3A_381 : vector<16x1xi32> to vector<16xi32>
            %gather3A_383 = tpu.dynamic_gather %get3A_367[%gather3A_382] in [0] : vector<16xi32>, vector<16xi32> -> vector<16xi32>
            %ne3A_384 = arith.cmpi ne, %get3A_367, %gather3A_383 : vector<16xi32>
            %or3A_385 = arith.ori %ne3A_384, %eq3A_7 : vector<16xi1>
            %and3A_386 = arith.andi %and3A_380, %or3A_385 : vector<16xi1>
            tpu.vector_store_idx %arg7[%sub3A_373], %get3A_371 masked %and3A_386 : memref<65536xf32, #tpu.memory_space<vmem>>[vector<16xi32>], vector<16xf32>, vector<16xi1>
          }
        } else {
        }
      }
      %while3A_41 = arith.constant 1 : i32
      scf.for %while3A_42 = %while3A_39 to %while3A_35 step %while3A_41  : i32 {
        %mul3A_43 = arith.constant 2 : i32
        %mul3A_44 = arith.muli %mul3A_43, %while3A_42 : i32
        %mul3A_45 = arith.constant 8192 : i32
        %mul3A_46 = arith.muli %mul3A_44, %mul3A_45 : i32
        %add3A_47 = arith.addi %and3A_21, %mul3A_46 : i32
        %min3A_48 = arith.constant 33546240 : i32
        %min3A_49 = arith.minsi %add3A_47, %min3A_48 : i32
        %multiple_of3A = tpu.assume_multiple %min3A_49, 8 : i32
        %dma_wait3A_50 = arith.constant 0 : i32
        %dma_wait3A_51 = arith.constant 0 : i32
        %dma_wait3A_52 = tpu.memref_slice %arg8[%dma_wait3A_50, %dma_wait3A_51] : memref<2x8192xi32, #tpu.memory_space<vmem>> -> memref<1x8192xi32, #tpu.memory_space<vmem>>
        %dma_wait3A_53 = tpu.memref_squeeze %dma_wait3A_52 : memref<1x8192xi32, #tpu.memory_space<vmem>> -> memref<8192xi32, #tpu.memory_space<vmem>>
        %dma_wait3A_54 = tpu.memref_slice %arg3[%multiple_of3A] : memref<33554432xi32, #tpu.memory_space<hbm>> -> memref<8192xi32, #tpu.memory_space<hbm>>
        %dma_wait3A_55 = arith.constant 0 : i32
        %dma_wait3A_56 = tpu.memref_slice %arg8[%dma_wait3A_50, %dma_wait3A_55] : memref<2x8192xi32, #tpu.memory_space<vmem>> -> memref<1x8192xi32, #tpu.memory_space<vmem>>
        %dma_wait3A_57 = tpu.memref_squeeze %dma_wait3A_56 : memref<1x8192xi32, #tpu.memory_space<vmem>> -> memref<8192xi32, #tpu.memory_space<vmem>>
        %dma_wait3A_58 = tpu.memref_slice %arg3[%multiple_of3A] : memref<33554432xi32, #tpu.memory_space<hbm>> -> memref<8192xi32, #tpu.memory_space<hbm>>
        tpu.wait_dma2 semaphore(%arg12 : memref<!tpu.dma_semaphore, #tpu.memory_space<semaphore_mem>>) src(%dma_wait3A_58 : memref<8192xi32, #tpu.memory_space<hbm>>) dst(%dma_wait3A_57 : memref<8192xi32, #tpu.memory_space<vmem>>)
        %dma_wait3A_59 = arith.constant 0 : i32
        %dma_wait3A_60 = arith.constant 0 : i32
        %dma_wait3A_61 = tpu.memref_slice %arg9[%dma_wait3A_59, %dma_wait3A_60] : memref<2x8192xf32, #tpu.memory_space<vmem>> -> memref<1x8192xf32, #tpu.memory_space<vmem>>
        %dma_wait3A_62 = tpu.memref_squeeze %dma_wait3A_61 : memref<1x8192xf32, #tpu.memory_space<vmem>> -> memref<8192xf32, #tpu.memory_space<vmem>>
        %dma_wait3A_63 = tpu.memref_slice %arg4[%multiple_of3A] : memref<33554432xf32, #tpu.memory_space<hbm>> -> memref<8192xf32, #tpu.memory_space<hbm>>
        %dma_wait3A_64 = arith.constant 0 : i32
        %dma_wait3A_65 = tpu.memref_slice %arg9[%dma_wait3A_59, %dma_wait3A_64] : memref<2x8192xf32, #tpu.memory_space<vmem>> -> memref<1x8192xf32, #tpu.memory_space<vmem>>
        %dma_wait3A_66 = tpu.memref_squeeze %dma_wait3A_65 : memref<1x8192xf32, #tpu.memory_space<vmem>> -> memref<8192xf32, #tpu.memory_space<vmem>>
        %dma_wait3A_67 = tpu.memref_slice %arg4[%multiple_of3A] : memref<33554432xf32, #tpu.memory_space<hbm>> -> memref<8192xf32, #tpu.memory_space<hbm>>
        tpu.wait_dma2 semaphore(%arg13 : memref<!tpu.dma_semaphore, #tpu.memory_space<semaphore_mem>>) src(%dma_wait3A_67 : memref<8192xf32, #tpu.memory_space<hbm>>) dst(%dma_wait3A_66 : memref<8192xf32, #tpu.memory_space<vmem>>)
        %add3A_68 = arith.constant 1 : i32
        %add3A_69 = arith.addi %mul3A_44, %add3A_68 : i32
        %lt3A = arith.cmpi slt, %add3A_69, %shift_right_arithmetic3A_26 : i32
        %convert_element_type3A_70 = arith.extui %lt3A : i1 to i32
        %cond3A_71 = arith.constant 0 : i32
        %cond3A_72 = arith.cmpi ne, %convert_element_type3A_70, %cond3A_71 : i32
        scf.if %cond3A_72 {
          %add3A_102 = arith.constant 1 : i32
          %add3A_103 = arith.addi %mul3A_44, %add3A_102 : i32
          %mul3A_104 = arith.constant 8192 : i32
          %mul3A_105 = arith.muli %add3A_103, %mul3A_104 : i32
          %add3A_106 = arith.addi %and3A_21, %mul3A_105 : i32
          %min3A_107 = arith.constant 33546240 : i32
          %min3A_108 = arith.minsi %add3A_106, %min3A_107 : i32
          %multiple_of3A_109 = tpu.assume_multiple %min3A_108, 8 : i32
          %dma_start3A_110 = arith.constant 1 : i32
          %dma_start3A_111 = arith.constant 0 : i32
          %dma_start3A_112 = tpu.memref_slice %arg8[%dma_start3A_110, %dma_start3A_111] : memref<2x8192xi32, #tpu.memory_space<vmem>> -> memref<1x8192xi32, #tpu.memory_space<vmem>>
          %dma_start3A_113 = tpu.memref_squeeze %dma_start3A_112 : memref<1x8192xi32, #tpu.memory_space<vmem>> -> memref<8192xi32, #tpu.memory_space<vmem>>
          %dma_start3A_114 = tpu.memref_slice %arg3[%multiple_of3A_109] : memref<33554432xi32, #tpu.memory_space<hbm>> -> memref<8192xi32, #tpu.memory_space<hbm>>
          %dma_start3A_115 = arith.constant 0 : i32
          %dma_start3A_116 = tpu.memref_slice %arg8[%dma_start3A_110, %dma_start3A_115] : memref<2x8192xi32, #tpu.memory_space<vmem>> -> memref<1x8192xi32, #tpu.memory_space<vmem>>
          %dma_start3A_117 = tpu.memref_squeeze %dma_start3A_116 : memref<1x8192xi32, #tpu.memory_space<vmem>> -> memref<8192xi32, #tpu.memory_space<vmem>>
          %dma_start3A_118 = tpu.memref_slice %arg3[%multiple_of3A_109] : memref<33554432xi32, #tpu.memory_space<hbm>> -> memref<8192xi32, #tpu.memory_space<hbm>>
          tpu.enqueue_dma source(%dma_start3A_118 : memref<8192xi32, #tpu.memory_space<hbm>>) target(%dma_start3A_117 : memref<8192xi32, #tpu.memory_space<vmem>>) target_semaphore(%arg14 : memref<!tpu.dma_semaphore, #tpu.memory_space<semaphore_mem>>)
          %dma_start3A_119 = arith.constant 1 : i32
          %dma_start3A_120 = arith.constant 0 : i32
          %dma_start3A_121 = tpu.memref_slice %arg9[%dma_start3A_119, %dma_start3A_120] : memref<2x8192xf32, #tpu.memory_space<vmem>> -> memref<1x8192xf32, #tpu.memory_space<vmem>>
          %dma_start3A_122 = tpu.memref_squeeze %dma_start3A_121 : memref<1x8192xf32, #tpu.memory_space<vmem>> -> memref<8192xf32, #tpu.memory_space<vmem>>
          %dma_start3A_123 = tpu.memref_slice %arg4[%multiple_of3A_109] : memref<33554432xf32, #tpu.memory_space<hbm>> -> memref<8192xf32, #tpu.memory_space<hbm>>
          %dma_start3A_124 = arith.constant 0 : i32
          %dma_start3A_125 = tpu.memref_slice %arg9[%dma_start3A_119, %dma_start3A_124] : memref<2x8192xf32, #tpu.memory_space<vmem>> -> memref<1x8192xf32, #tpu.memory_space<vmem>>
          %dma_start3A_126 = tpu.memref_squeeze %dma_start3A_125 : memref<1x8192xf32, #tpu.memory_space<vmem>> -> memref<8192xf32, #tpu.memory_space<vmem>>
          %dma_start3A_127 = tpu.memref_slice %arg4[%multiple_of3A_109] : memref<33554432xf32, #tpu.memory_space<hbm>> -> memref<8192xf32, #tpu.memory_space<hbm>>
          tpu.enqueue_dma source(%dma_start3A_127 : memref<8192xf32, #tpu.memory_space<hbm>>) target(%dma_start3A_126 : memref<8192xf32, #tpu.memory_space<vmem>>) target_semaphore(%arg15 : memref<!tpu.dma_semaphore, #tpu.memory_space<semaphore_mem>>)
        } else {
        }
        %mul3A_73 = arith.constant 8192 : i32
        %mul3A_74 = arith.muli %mul3A_44, %mul3A_73 : i32
        %add3A_75 = arith.addi %and3A_21, %mul3A_74 : i32
        %min3A_76 = arith.constant 33546240 : i32
        %min3A_77 = arith.minsi %add3A_75, %min3A_76 : i32
        %multiple_of3A_78 = tpu.assume_multiple %min3A_77, 8 : i32
        %sub3A_79 = arith.subi %squeeze3A_23, %multiple_of3A_78 : i32
        %min3A_80 = arith.constant 8192 : i32
        %min3A_81 = arith.minsi %sub3A_79, %min3A_80 : i32
        %add3A_82 = arith.constant 127 : i32
        %add3A_83 = arith.addi %min3A_81, %add3A_82 : i32
        %shift_right_arithmetic3A_84 = arith.constant 7 : i32
        %shift_right_arithmetic3A_85 = arith.shrsi %add3A_83, %shift_right_arithmetic3A_84 : i32
        %while3A_86 = arith.constant 0 : i32
        %while3A_87 = arith.constant 0 : i32
        %while3A_88 = arith.subi %shift_right_arithmetic3A_85, %while3A_87 : i32
        %while3A_89 = arith.addi %while3A_87, %while3A_88 : i32
        %while3A_90 = arith.constant 1 : i32
        %while3A_91 = arith.divsi %while3A_88, %while3A_90 : i32
        %while3A_92 = arith.muli %while3A_91, %while3A_90 : i32
        %while3A_93 = arith.addi %while3A_87, %while3A_92 : i32
        %while3A_94 = arith.constant 1 : i32
        scf.for %while3A_102 = %while3A_87 to %while3A_93 step %while3A_94  : i32 {
          %mul3A_103 = arith.constant 8 : i32
          %mul3A_104 = arith.muli %while3A_102, %mul3A_103 : i32
          %add3A_105 = arith.constant 0 : i32
          %add3A_106 = arith.addi %mul3A_104, %add3A_105 : i32
          %mul3A_107 = arith.constant 16 : i32
          %mul3A_108 = arith.muli %add3A_106, %mul3A_107 : i32
          %get3A_109 = arith.constant 0 : i32
          %get3A_110 = arith.index_cast %get3A_109 : i32 to index
          %get3A_111 = arith.index_cast %mul3A_108 : i32 to index
          %get3A_112 = tpu.vector_load %arg8[%get3A_110, %get3A_111] {strides = array<i32>} : memref<2x8192xi32, #tpu.memory_space<vmem>>, vector<16xi32>,
          %get3A_113 = arith.constant 0 : i32
          %get3A_114 = arith.index_cast %get3A_113 : i32 to index
          %get3A_115 = arith.index_cast %mul3A_108 : i32 to index
          %get3A_116 = tpu.vector_load %arg9[%get3A_114, %get3A_115] {strides = array<i32>} : memref<2x8192xf32, #tpu.memory_space<vmem>>, vector<16xf32>,
          %sub3A_117 = vector.broadcast %mul3A_18 : i32 to vector<16xi32>
          %sub3A_118 = arith.subi %get3A_112, %sub3A_117 : vector<16xi32>
          %ge3A = vector.broadcast %mul3A_18 : i32 to vector<16xi32>
          %ge3A_119 = arith.cmpi sge, %get3A_112, %ge3A : vector<16xi32>
          %add3A_120 = arith.constant 65536 : i32
          %add3A_121 = arith.addi %mul3A_18, %add3A_120 : i32
          %lt3A_122 = vector.broadcast %add3A_121 : i32 to vector<16xi32>
          %lt3A_123 = arith.cmpi slt, %get3A_112, %lt3A_122 : vector<16xi32>
          %and3A_124 = arith.andi %ge3A_119, %lt3A_123 : vector<16xi1>
          %broadcast_in_dim3A = vector.shape_cast %min3A_5 : vector<16xi32> to vector<16x1xi32>
          %gather3A = vector.shape_cast %broadcast_in_dim3A : vector<16x1xi32> to vector<16xi32>
          %gather3A_125 = tpu.dynamic_gather %get3A_112[%gather3A] in [0] : vector<16xi32>, vector<16xi32> -> vector<16xi32>
          %ne3A = arith.cmpi ne, %get3A_112, %gather3A_125 : vector<16xi32>
          %or3A = arith.ori %ne3A, %eq3A_7 : vector<16xi1>
          %and3A_126 = arith.andi %and3A_124, %or3A : vector<16xi1>
          tpu.vector_store_idx %arg7[%sub3A_118], %get3A_116 masked %and3A_126 : memref<65536xf32, #tpu.memory_space<vmem>>[vector<16xi32>], vector<16xf32>, vector<16xi1>
          %mul3A_127 = arith.constant 8 : i32
          %mul3A_128 = arith.muli %while3A_102, %mul3A_127 : i32
          %add3A_129 = arith.constant 1 : i32
          %add3A_130 = arith.addi %mul3A_128, %add3A_129 : i32
          %mul3A_131 = arith.constant 16 : i32
          %mul3A_132 = arith.muli %add3A_130, %mul3A_131 : i32
          %get3A_133 = arith.constant 0 : i32
          %get3A_134 = arith.index_cast %get3A_133 : i32 to index
          %get3A_135 = arith.index_cast %mul3A_132 : i32 to index
          %get3A_136 = tpu.vector_load %arg8[%get3A_134, %get3A_135] {strides = array<i32>} : memref<2x8192xi32, #tpu.memory_space<vmem>>, vector<16xi32>,
          %get3A_137 = arith.constant 0 : i32
          %get3A_138 = arith.index_cast %get3A_137 : i32 to index
          %get3A_139 = arith.index_cast %mul3A_132 : i32 to index
          %get3A_140 = tpu.vector_load %arg9[%get3A_138, %get3A_139] {strides = array<i32>} : memref<2x8192xf32, #tpu.memory_space<vmem>>, vector<16xf32>,
          %sub3A_141 = vector.broadcast %mul3A_18 : i32 to vector<16xi32>
          %sub3A_142 = arith.subi %get3A_136, %sub3A_141 : vector<16xi32>
          %ge3A_143 = vector.broadcast %mul3A_18 : i32 to vector<16xi32>
          %ge3A_144 = arith.cmpi sge, %get3A_136, %ge3A_143 : vector<16xi32>
          %add3A_145 = arith.constant 65536 : i32
          %add3A_146 = arith.addi %mul3A_18, %add3A_145 : i32
          %lt3A_147 = vector.broadcast %add3A_146 : i32 to vector<16xi32>
          %lt3A_148 = arith.cmpi slt, %get3A_136, %lt3A_147 : vector<16xi32>
          %and3A_149 = arith.andi %ge3A_144, %lt3A_148 : vector<16xi1>
          %broadcast_in_dim3A_150 = vector.shape_cast %min3A_5 : vector<16xi32> to vector<16x1xi32>
          %gather3A_151 = vector.shape_cast %broadcast_in_dim3A_150 : vector<16x1xi32> to vector<16xi32>
          %gather3A_152 = tpu.dynamic_gather %get3A_136[%gather3A_151] in [0] : vector<16xi32>, vector<16xi32> -> vector<16xi32>
          %ne3A_153 = arith.cmpi ne, %get3A_136, %gather3A_152 : vector<16xi32>
          %or3A_154 = arith.ori %ne3A_153, %eq3A_7 : vector<16xi1>
          %and3A_155 = arith.andi %and3A_149, %or3A_154 : vector<16xi1>
          tpu.vector_store_idx %arg7[%sub3A_142], %get3A_140 masked %and3A_155 : memref<65536xf32, #tpu.memory_space<vmem>>[vector<16xi32>], vector<16xf32>, vector<16xi1>
          %mul3A_156 = arith.constant 8 : i32
          %mul3A_157 = arith.muli %while3A_102, %mul3A_156 : i32
          %add3A_158 = arith.constant 2 : i32
          %add3A_159 = arith.addi %mul3A_157, %add3A_158 : i32
          %mul3A_160 = arith.constant 16 : i32
          %mul3A_161 = arith.muli %add3A_159, %mul3A_160 : i32
          %get3A_162 = arith.constant 0 : i32
          %get3A_163 = arith.index_cast %get3A_162 : i32 to index
          %get3A_164 = arith.index_cast %mul3A_161 : i32 to index
          %get3A_165 = tpu.vector_load %arg8[%get3A_163, %get3A_164] {strides = array<i32>} : memref<2x8192xi32, #tpu.memory_space<vmem>>, vector<16xi32>,
          %get3A_166 = arith.constant 0 : i32
          %get3A_167 = arith.index_cast %get3A_166 : i32 to index
          %get3A_168 = arith.index_cast %mul3A_161 : i32 to index
          %get3A_169 = tpu.vector_load %arg9[%get3A_167, %get3A_168] {strides = array<i32>} : memref<2x8192xf32, #tpu.memory_space<vmem>>, vector<16xf32>,
          %sub3A_170 = vector.broadcast %mul3A_18 : i32 to vector<16xi32>
          %sub3A_171 = arith.subi %get3A_165, %sub3A_170 : vector<16xi32>
          %ge3A_172 = vector.broadcast %mul3A_18 : i32 to vector<16xi32>
          %ge3A_173 = arith.cmpi sge, %get3A_165, %ge3A_172 : vector<16xi32>
          %add3A_174 = arith.constant 65536 : i32
          %add3A_175 = arith.addi %mul3A_18, %add3A_174 : i32
          %lt3A_176 = vector.broadcast %add3A_175 : i32 to vector<16xi32>
          %lt3A_177 = arith.cmpi slt, %get3A_165, %lt3A_176 : vector<16xi32>
          %and3A_178 = arith.andi %ge3A_173, %lt3A_177 : vector<16xi1>
          %broadcast_in_dim3A_179 = vector.shape_cast %min3A_5 : vector<16xi32> to vector<16x1xi32>
          %gather3A_180 = vector.shape_cast %broadcast_in_dim3A_179 : vector<16x1xi32> to vector<16xi32>
          %gather3A_181 = tpu.dynamic_gather %get3A_165[%gather3A_180] in [0] : vector<16xi32>, vector<16xi32> -> vector<16xi32>
          %ne3A_182 = arith.cmpi ne, %get3A_165, %gather3A_181 : vector<16xi32>
          %or3A_183 = arith.ori %ne3A_182, %eq3A_7 : vector<16xi1>
          %and3A_184 = arith.andi %and3A_178, %or3A_183 : vector<16xi1>
          tpu.vector_store_idx %arg7[%sub3A_171], %get3A_169 masked %and3A_184 : memref<65536xf32, #tpu.memory_space<vmem>>[vector<16xi32>], vector<16xf32>, vector<16xi1>
          %mul3A_185 = arith.constant 8 : i32
          %mul3A_186 = arith.muli %while3A_102, %mul3A_185 : i32
          %add3A_187 = arith.constant 3 : i32
          %add3A_188 = arith.addi %mul3A_186, %add3A_187 : i32
          %mul3A_189 = arith.constant 16 : i32
          %mul3A_190 = arith.muli %add3A_188, %mul3A_189 : i32
          %get3A_191 = arith.constant 0 : i32
          %get3A_192 = arith.index_cast %get3A_191 : i32 to index
          %get3A_193 = arith.index_cast %mul3A_190 : i32 to index
          %get3A_194 = tpu.vector_load %arg8[%get3A_192, %get3A_193] {strides = array<i32>} : memref<2x8192xi32, #tpu.memory_space<vmem>>, vector<16xi32>,
          %get3A_195 = arith.constant 0 : i32
          %get3A_196 = arith.index_cast %get3A_195 : i32 to index
          %get3A_197 = arith.index_cast %mul3A_190 : i32 to index
          %get3A_198 = tpu.vector_load %arg9[%get3A_196, %get3A_197] {strides = array<i32>} : memref<2x8192xf32, #tpu.memory_space<vmem>>, vector<16xf32>,
          %sub3A_199 = vector.broadcast %mul3A_18 : i32 to vector<16xi32>
          %sub3A_200 = arith.subi %get3A_194, %sub3A_199 : vector<16xi32>
          %ge3A_201 = vector.broadcast %mul3A_18 : i32 to vector<16xi32>
          %ge3A_202 = arith.cmpi sge, %get3A_194, %ge3A_201 : vector<16xi32>
          %add3A_203 = arith.constant 65536 : i32
          %add3A_204 = arith.addi %mul3A_18, %add3A_203 : i32
          %lt3A_205 = vector.broadcast %add3A_204 : i32 to vector<16xi32>
          %lt3A_206 = arith.cmpi slt, %get3A_194, %lt3A_205 : vector<16xi32>
          %and3A_207 = arith.andi %ge3A_202, %lt3A_206 : vector<16xi1>
          %broadcast_in_dim3A_208 = vector.shape_cast %min3A_5 : vector<16xi32> to vector<16x1xi32>
          %gather3A_209 = vector.shape_cast %broadcast_in_dim3A_208 : vector<16x1xi32> to vector<16xi32>
          %gather3A_210 = tpu.dynamic_gather %get3A_194[%gather3A_209] in [0] : vector<16xi32>, vector<16xi32> -> vector<16xi32>
          %ne3A_211 = arith.cmpi ne, %get3A_194, %gather3A_210 : vector<16xi32>
          %or3A_212 = arith.ori %ne3A_211, %eq3A_7 : vector<16xi1>
          %and3A_213 = arith.andi %and3A_207, %or3A_212 : vector<16xi1>
          tpu.vector_store_idx %arg7[%sub3A_200], %get3A_198 masked %and3A_213 : memref<65536xf32, #tpu.memory_space<vmem>>[vector<16xi32>], vector<16xf32>, vector<16xi1>
          %mul3A_214 = arith.constant 8 : i32
          %mul3A_215 = arith.muli %while3A_102, %mul3A_214 : i32
          %add3A_216 = arith.constant 4 : i32
          %add3A_217 = arith.addi %mul3A_215, %add3A_216 : i32
          %mul3A_218 = arith.constant 16 : i32
          %mul3A_219 = arith.muli %add3A_217, %mul3A_218 : i32
          %get3A_220 = arith.constant 0 : i32
          %get3A_221 = arith.index_cast %get3A_220 : i32 to index
          %get3A_222 = arith.index_cast %mul3A_219 : i32 to index
          %get3A_223 = tpu.vector_load %arg8[%get3A_221, %get3A_222] {strides = array<i32>} : memref<2x8192xi32, #tpu.memory_space<vmem>>, vector<16xi32>,
          %get3A_224 = arith.constant 0 : i32
          %get3A_225 = arith.index_cast %get3A_224 : i32 to index
          %get3A_226 = arith.index_cast %mul3A_219 : i32 to index
          %get3A_227 = tpu.vector_load %arg9[%get3A_225, %get3A_226] {strides = array<i32>} : memref<2x8192xf32, #tpu.memory_space<vmem>>, vector<16xf32>,
          %sub3A_228 = vector.broadcast %mul3A_18 : i32 to vector<16xi32>
          %sub3A_229 = arith.subi %get3A_223, %sub3A_228 : vector<16xi32>
          %ge3A_230 = vector.broadcast %mul3A_18 : i32 to vector<16xi32>
          %ge3A_231 = arith.cmpi sge, %get3A_223, %ge3A_230 : vector<16xi32>
          %add3A_232 = arith.constant 65536 : i32
          %add3A_233 = arith.addi %mul3A_18, %add3A_232 : i32
          %lt3A_234 = vector.broadcast %add3A_233 : i32 to vector<16xi32>
          %lt3A_235 = arith.cmpi slt, %get3A_223, %lt3A_234 : vector<16xi32>
          %and3A_236 = arith.andi %ge3A_231, %lt3A_235 : vector<16xi1>
          %broadcast_in_dim3A_237 = vector.shape_cast %min3A_5 : vector<16xi32> to vector<16x1xi32>
          %gather3A_238 = vector.shape_cast %broadcast_in_dim3A_237 : vector<16x1xi32> to vector<16xi32>
          %gather3A_239 = tpu.dynamic_gather %get3A_223[%gather3A_238] in [0] : vector<16xi32>, vector<16xi32> -> vector<16xi32>
          %ne3A_240 = arith.cmpi ne, %get3A_223, %gather3A_239 : vector<16xi32>
          %or3A_241 = arith.ori %ne3A_240, %eq3A_7 : vector<16xi1>
          %and3A_242 = arith.andi %and3A_236, %or3A_241 : vector<16xi1>
          tpu.vector_store_idx %arg7[%sub3A_229], %get3A_227 masked %and3A_242 : memref<65536xf32, #tpu.memory_space<vmem>>[vector<16xi32>], vector<16xf32>, vector<16xi1>
          %mul3A_243 = arith.constant 8 : i32
          %mul3A_244 = arith.muli %while3A_102, %mul3A_243 : i32
          %add3A_245 = arith.constant 5 : i32
          %add3A_246 = arith.addi %mul3A_244, %add3A_245 : i32
          %mul3A_247 = arith.constant 16 : i32
          %mul3A_248 = arith.muli %add3A_246, %mul3A_247 : i32
          %get3A_249 = arith.constant 0 : i32
          %get3A_250 = arith.index_cast %get3A_249 : i32 to index
          %get3A_251 = arith.index_cast %mul3A_248 : i32 to index
          %get3A_252 = tpu.vector_load %arg8[%get3A_250, %get3A_251] {strides = array<i32>} : memref<2x8192xi32, #tpu.memory_space<vmem>>, vector<16xi32>,
          %get3A_253 = arith.constant 0 : i32
          %get3A_254 = arith.index_cast %get3A_253 : i32 to index
          %get3A_255 = arith.index_cast %mul3A_248 : i32 to index
          %get3A_256 = tpu.vector_load %arg9[%get3A_254, %get3A_255] {strides = array<i32>} : memref<2x8192xf32, #tpu.memory_space<vmem>>, vector<16xf32>,
          %sub3A_257 = vector.broadcast %mul3A_18 : i32 to vector<16xi32>
          %sub3A_258 = arith.subi %get3A_252, %sub3A_257 : vector<16xi32>
          %ge3A_259 = vector.broadcast %mul3A_18 : i32 to vector<16xi32>
          %ge3A_260 = arith.cmpi sge, %get3A_252, %ge3A_259 : vector<16xi32>
          %add3A_261 = arith.constant 65536 : i32
          %add3A_262 = arith.addi %mul3A_18, %add3A_261 : i32
          %lt3A_263 = vector.broadcast %add3A_262 : i32 to vector<16xi32>
          %lt3A_264 = arith.cmpi slt, %get3A_252, %lt3A_263 : vector<16xi32>
          %and3A_265 = arith.andi %ge3A_260, %lt3A_264 : vector<16xi1>
          %broadcast_in_dim3A_266 = vector.shape_cast %min3A_5 : vector<16xi32> to vector<16x1xi32>
          %gather3A_267 = vector.shape_cast %broadcast_in_dim3A_266 : vector<16x1xi32> to vector<16xi32>
          %gather3A_268 = tpu.dynamic_gather %get3A_252[%gather3A_267] in [0] : vector<16xi32>, vector<16xi32> -> vector<16xi32>
          %ne3A_269 = arith.cmpi ne, %get3A_252, %gather3A_268 : vector<16xi32>
          %or3A_270 = arith.ori %ne3A_269, %eq3A_7 : vector<16xi1>
          %and3A_271 = arith.andi %and3A_265, %or3A_270 : vector<16xi1>
          tpu.vector_store_idx %arg7[%sub3A_258], %get3A_256 masked %and3A_271 : memref<65536xf32, #tpu.memory_space<vmem>>[vector<16xi32>], vector<16xf32>, vector<16xi1>
          %mul3A_272 = arith.constant 8 : i32
          %mul3A_273 = arith.muli %while3A_102, %mul3A_272 : i32
          %add3A_274 = arith.constant 6 : i32
          %add3A_275 = arith.addi %mul3A_273, %add3A_274 : i32
          %mul3A_276 = arith.constant 16 : i32
          %mul3A_277 = arith.muli %add3A_275, %mul3A_276 : i32
          %get3A_278 = arith.constant 0 : i32
          %get3A_279 = arith.index_cast %get3A_278 : i32 to index
          %get3A_280 = arith.index_cast %mul3A_277 : i32 to index
          %get3A_281 = tpu.vector_load %arg8[%get3A_279, %get3A_280] {strides = array<i32>} : memref<2x8192xi32, #tpu.memory_space<vmem>>, vector<16xi32>,
          %get3A_282 = arith.constant 0 : i32
          %get3A_283 = arith.index_cast %get3A_282 : i32 to index
          %get3A_284 = arith.index_cast %mul3A_277 : i32 to index
          %get3A_285 = tpu.vector_load %arg9[%get3A_283, %get3A_284] {strides = array<i32>} : memref<2x8192xf32, #tpu.memory_space<vmem>>, vector<16xf32>,
          %sub3A_286 = vector.broadcast %mul3A_18 : i32 to vector<16xi32>
          %sub3A_287 = arith.subi %get3A_281, %sub3A_286 : vector<16xi32>
          %ge3A_288 = vector.broadcast %mul3A_18 : i32 to vector<16xi32>
          %ge3A_289 = arith.cmpi sge, %get3A_281, %ge3A_288 : vector<16xi32>
          %add3A_290 = arith.constant 65536 : i32
          %add3A_291 = arith.addi %mul3A_18, %add3A_290 : i32
          %lt3A_292 = vector.broadcast %add3A_291 : i32 to vector<16xi32>
          %lt3A_293 = arith.cmpi slt, %get3A_281, %lt3A_292 : vector<16xi32>
          %and3A_294 = arith.andi %ge3A_289, %lt3A_293 : vector<16xi1>
          %broadcast_in_dim3A_295 = vector.shape_cast %min3A_5 : vector<16xi32> to vector<16x1xi32>
          %gather3A_296 = vector.shape_cast %broadcast_in_dim3A_295 : vector<16x1xi32> to vector<16xi32>
          %gather3A_297 = tpu.dynamic_gather %get3A_281[%gather3A_296] in [0] : vector<16xi32>, vector<16xi32> -> vector<16xi32>
          %ne3A_298 = arith.cmpi ne, %get3A_281, %gather3A_297 : vector<16xi32>
          %or3A_299 = arith.ori %ne3A_298, %eq3A_7 : vector<16xi1>
          %and3A_300 = arith.andi %and3A_294, %or3A_299 : vector<16xi1>
          tpu.vector_store_idx %arg7[%sub3A_287], %get3A_285 masked %and3A_300 : memref<65536xf32, #tpu.memory_space<vmem>>[vector<16xi32>], vector<16xf32>, vector<16xi1>
          %mul3A_301 = arith.constant 8 : i32
          %mul3A_302 = arith.muli %while3A_102, %mul3A_301 : i32
          %add3A_303 = arith.constant 7 : i32
          %add3A_304 = arith.addi %mul3A_302, %add3A_303 : i32
          %mul3A_305 = arith.constant 16 : i32
          %mul3A_306 = arith.muli %add3A_304, %mul3A_305 : i32
          %get3A_307 = arith.constant 0 : i32
          %get3A_308 = arith.index_cast %get3A_307 : i32 to index
          %get3A_309 = arith.index_cast %mul3A_306 : i32 to index
          %get3A_310 = tpu.vector_load %arg8[%get3A_308, %get3A_309] {strides = array<i32>} : memref<2x8192xi32, #tpu.memory_space<vmem>>, vector<16xi32>,
          %get3A_311 = arith.constant 0 : i32
          %get3A_312 = arith.index_cast %get3A_311 : i32 to index
          %get3A_313 = arith.index_cast %mul3A_306 : i32 to index
          %get3A_314 = tpu.vector_load %arg9[%get3A_312, %get3A_313] {strides = array<i32>} : memref<2x8192xf32, #tpu.memory_space<vmem>>, vector<16xf32>,
          %sub3A_315 = vector.broadcast %mul3A_18 : i32 to vector<16xi32>
          %sub3A_316 = arith.subi %get3A_310, %sub3A_315 : vector<16xi32>
          %ge3A_317 = vector.broadcast %mul3A_18 : i32 to vector<16xi32>
          %ge3A_318 = arith.cmpi sge, %get3A_310, %ge3A_317 : vector<16xi32>
          %add3A_319 = arith.constant 65536 : i32
          %add3A_320 = arith.addi %mul3A_18, %add3A_319 : i32
          %lt3A_321 = vector.broadcast %add3A_320 : i32 to vector<16xi32>
          %lt3A_322 = arith.cmpi slt, %get3A_310, %lt3A_321 : vector<16xi32>
          %and3A_323 = arith.andi %ge3A_318, %lt3A_322 : vector<16xi1>
          %broadcast_in_dim3A_324 = vector.shape_cast %min3A_5 : vector<16xi32> to vector<16x1xi32>
          %gather3A_325 = vector.shape_cast %broadcast_in_dim3A_324 : vector<16x1xi32> to vector<16xi32>
          %gather3A_326 = tpu.dynamic_gather %get3A_310[%gather3A_325] in [0] : vector<16xi32>, vector<16xi32> -> vector<16xi32>
          %ne3A_327 = arith.cmpi ne, %get3A_310, %gather3A_326 : vector<16xi32>
          %or3A_328 = arith.ori %ne3A_327, %eq3A_7 : vector<16xi1>
          %and3A_329 = arith.andi %and3A_323, %or3A_328 : vector<16xi1>
          tpu.vector_store_idx %arg7[%sub3A_316], %get3A_314 masked %and3A_329 : memref<65536xf32, #tpu.memory_space<vmem>>[vector<16xi32>], vector<16xf32>, vector<16xi1>
        }
        %while3A_95 = arith.constant 1 : i32
        scf.for %while3A_102 = %while3A_93 to %while3A_89 step %while3A_95  : i32 {
          %mul3A_103 = arith.constant 8 : i32
          %mul3A_104 = arith.muli %while3A_102, %mul3A_103 : i32
          %add3A_105 = arith.constant 0 : i32
          %add3A_106 = arith.addi %mul3A_104, %add3A_105 : i32
          %mul3A_107 = arith.constant 16 : i32
          %mul3A_108 = arith.muli %add3A_106, %mul3A_107 : i32
          %get3A_109 = arith.constant 0 : i32
          %get3A_110 = arith.index_cast %get3A_109 : i32 to index
          %get3A_111 = arith.index_cast %mul3A_108 : i32 to index
          %get3A_112 = tpu.vector_load %arg8[%get3A_110, %get3A_111] {strides = array<i32>} : memref<2x8192xi32, #tpu.memory_space<vmem>>, vector<16xi32>,
          %get3A_113 = arith.constant 0 : i32
          %get3A_114 = arith.index_cast %get3A_113 : i32 to index
          %get3A_115 = arith.index_cast %mul3A_108 : i32 to index
          %get3A_116 = tpu.vector_load %arg9[%get3A_114, %get3A_115] {strides = array<i32>} : memref<2x8192xf32, #tpu.memory_space<vmem>>, vector<16xf32>,
          %sub3A_117 = vector.broadcast %mul3A_18 : i32 to vector<16xi32>
          %sub3A_118 = arith.subi %get3A_112, %sub3A_117 : vector<16xi32>
          %ge3A = vector.broadcast %mul3A_18 : i32 to vector<16xi32>
          %ge3A_119 = arith.cmpi sge, %get3A_112, %ge3A : vector<16xi32>
          %add3A_120 = arith.constant 65536 : i32
          %add3A_121 = arith.addi %mul3A_18, %add3A_120 : i32
          %lt3A_122 = vector.broadcast %add3A_121 : i32 to vector<16xi32>
          %lt3A_123 = arith.cmpi slt, %get3A_112, %lt3A_122 : vector<16xi32>
          %and3A_124 = arith.andi %ge3A_119, %lt3A_123 : vector<16xi1>
          %broadcast_in_dim3A = vector.shape_cast %min3A_5 : vector<16xi32> to vector<16x1xi32>
          %gather3A = vector.shape_cast %broadcast_in_dim3A : vector<16x1xi32> to vector<16xi32>
          %gather3A_125 = tpu.dynamic_gather %get3A_112[%gather3A] in [0] : vector<16xi32>, vector<16xi32> -> vector<16xi32>
          %ne3A = arith.cmpi ne, %get3A_112, %gather3A_125 : vector<16xi32>
          %or3A = arith.ori %ne3A, %eq3A_7 : vector<16xi1>
          %and3A_126 = arith.andi %and3A_124, %or3A : vector<16xi1>
          tpu.vector_store_idx %arg7[%sub3A_118], %get3A_116 masked %and3A_126 : memref<65536xf32, #tpu.memory_space<vmem>>[vector<16xi32>], vector<16xf32>, vector<16xi1>
          %mul3A_127 = arith.constant 8 : i32
          %mul3A_128 = arith.muli %while3A_102, %mul3A_127 : i32
          %add3A_129 = arith.constant 1 : i32
          %add3A_130 = arith.addi %mul3A_128, %add3A_129 : i32
          %mul3A_131 = arith.constant 16 : i32
          %mul3A_132 = arith.muli %add3A_130, %mul3A_131 : i32
          %get3A_133 = arith.constant 0 : i32
          %get3A_134 = arith.index_cast %get3A_133 : i32 to index
          %get3A_135 = arith.index_cast %mul3A_132 : i32 to index
          %get3A_136 = tpu.vector_load %arg8[%get3A_134, %get3A_135] {strides = array<i32>} : memref<2x8192xi32, #tpu.memory_space<vmem>>, vector<16xi32>,
          %get3A_137 = arith.constant 0 : i32
          %get3A_138 = arith.index_cast %get3A_137 : i32 to index
          %get3A_139 = arith.index_cast %mul3A_132 : i32 to index
          %get3A_140 = tpu.vector_load %arg9[%get3A_138, %get3A_139] {strides = array<i32>} : memref<2x8192xf32, #tpu.memory_space<vmem>>, vector<16xf32>,
          %sub3A_141 = vector.broadcast %mul3A_18 : i32 to vector<16xi32>
          %sub3A_142 = arith.subi %get3A_136, %sub3A_141 : vector<16xi32>
          %ge3A_143 = vector.broadcast %mul3A_18 : i32 to vector<16xi32>
          %ge3A_144 = arith.cmpi sge, %get3A_136, %ge3A_143 : vector<16xi32>
          %add3A_145 = arith.constant 65536 : i32
          %add3A_146 = arith.addi %mul3A_18, %add3A_145 : i32
          %lt3A_147 = vector.broadcast %add3A_146 : i32 to vector<16xi32>
          %lt3A_148 = arith.cmpi slt, %get3A_136, %lt3A_147 : vector<16xi32>
          %and3A_149 = arith.andi %ge3A_144, %lt3A_148 : vector<16xi1>
          %broadcast_in_dim3A_150 = vector.shape_cast %min3A_5 : vector<16xi32> to vector<16x1xi32>
          %gather3A_151 = vector.shape_cast %broadcast_in_dim3A_150 : vector<16x1xi32> to vector<16xi32>
          %gather3A_152 = tpu.dynamic_gather %get3A_136[%gather3A_151] in [0] : vector<16xi32>, vector<16xi32> -> vector<16xi32>
          %ne3A_153 = arith.cmpi ne, %get3A_136, %gather3A_152 : vector<16xi32>
          %or3A_154 = arith.ori %ne3A_153, %eq3A_7 : vector<16xi1>
          %and3A_155 = arith.andi %and3A_149, %or3A_154 : vector<16xi1>
          tpu.vector_store_idx %arg7[%sub3A_142], %get3A_140 masked %and3A_155 : memref<65536xf32, #tpu.memory_space<vmem>>[vector<16xi32>], vector<16xf32>, vector<16xi1>
          %mul3A_156 = arith.constant 8 : i32
          %mul3A_157 = arith.muli %while3A_102, %mul3A_156 : i32
          %add3A_158 = arith.constant 2 : i32
          %add3A_159 = arith.addi %mul3A_157, %add3A_158 : i32
          %mul3A_160 = arith.constant 16 : i32
          %mul3A_161 = arith.muli %add3A_159, %mul3A_160 : i32
          %get3A_162 = arith.constant 0 : i32
          %get3A_163 = arith.index_cast %get3A_162 : i32 to index
          %get3A_164 = arith.index_cast %mul3A_161 : i32 to index
          %get3A_165 = tpu.vector_load %arg8[%get3A_163, %get3A_164] {strides = array<i32>} : memref<2x8192xi32, #tpu.memory_space<vmem>>, vector<16xi32>,
          %get3A_166 = arith.constant 0 : i32
          %get3A_167 = arith.index_cast %get3A_166 : i32 to index
          %get3A_168 = arith.index_cast %mul3A_161 : i32 to index
          %get3A_169 = tpu.vector_load %arg9[%get3A_167, %get3A_168] {strides = array<i32>} : memref<2x8192xf32, #tpu.memory_space<vmem>>, vector<16xf32>,
          %sub3A_170 = vector.broadcast %mul3A_18 : i32 to vector<16xi32>
          %sub3A_171 = arith.subi %get3A_165, %sub3A_170 : vector<16xi32>
          %ge3A_172 = vector.broadcast %mul3A_18 : i32 to vector<16xi32>
          %ge3A_173 = arith.cmpi sge, %get3A_165, %ge3A_172 : vector<16xi32>
          %add3A_174 = arith.constant 65536 : i32
          %add3A_175 = arith.addi %mul3A_18, %add3A_174 : i32
          %lt3A_176 = vector.broadcast %add3A_175 : i32 to vector<16xi32>
          %lt3A_177 = arith.cmpi slt, %get3A_165, %lt3A_176 : vector<16xi32>
          %and3A_178 = arith.andi %ge3A_173, %lt3A_177 : vector<16xi1>
          %broadcast_in_dim3A_179 = vector.shape_cast %min3A_5 : vector<16xi32> to vector<16x1xi32>
          %gather3A_180 = vector.shape_cast %broadcast_in_dim3A_179 : vector<16x1xi32> to vector<16xi32>
          %gather3A_181 = tpu.dynamic_gather %get3A_165[%gather3A_180] in [0] : vector<16xi32>, vector<16xi32> -> vector<16xi32>
          %ne3A_182 = arith.cmpi ne, %get3A_165, %gather3A_181 : vector<16xi32>
          %or3A_183 = arith.ori %ne3A_182, %eq3A_7 : vector<16xi1>
          %and3A_184 = arith.andi %and3A_178, %or3A_183 : vector<16xi1>
          tpu.vector_store_idx %arg7[%sub3A_171], %get3A_169 masked %and3A_184 : memref<65536xf32, #tpu.memory_space<vmem>>[vector<16xi32>], vector<16xf32>, vector<16xi1>
          %mul3A_185 = arith.constant 8 : i32
          %mul3A_186 = arith.muli %while3A_102, %mul3A_185 : i32
          %add3A_187 = arith.constant 3 : i32
          %add3A_188 = arith.addi %mul3A_186, %add3A_187 : i32
          %mul3A_189 = arith.constant 16 : i32
          %mul3A_190 = arith.muli %add3A_188, %mul3A_189 : i32
          %get3A_191 = arith.constant 0 : i32
          %get3A_192 = arith.index_cast %get3A_191 : i32 to index
          %get3A_193 = arith.index_cast %mul3A_190 : i32 to index
          %get3A_194 = tpu.vector_load %arg8[%get3A_192, %get3A_193] {strides = array<i32>} : memref<2x8192xi32, #tpu.memory_space<vmem>>, vector<16xi32>,
          %get3A_195 = arith.constant 0 : i32
          %get3A_196 = arith.index_cast %get3A_195 : i32 to index
          %get3A_197 = arith.index_cast %mul3A_190 : i32 to index
          %get3A_198 = tpu.vector_load %arg9[%get3A_196, %get3A_197] {strides = array<i32>} : memref<2x8192xf32, #tpu.memory_space<vmem>>, vector<16xf32>,
          %sub3A_199 = vector.broadcast %mul3A_18 : i32 to vector<16xi32>
          %sub3A_200 = arith.subi %get3A_194, %sub3A_199 : vector<16xi32>
          %ge3A_201 = vector.broadcast %mul3A_18 : i32 to vector<16xi32>
          %ge3A_202 = arith.cmpi sge, %get3A_194, %ge3A_201 : vector<16xi32>
          %add3A_203 = arith.constant 65536 : i32
          %add3A_204 = arith.addi %mul3A_18, %add3A_203 : i32
          %lt3A_205 = vector.broadcast %add3A_204 : i32 to vector<16xi32>
          %lt3A_206 = arith.cmpi slt, %get3A_194, %lt3A_205 : vector<16xi32>
          %and3A_207 = arith.andi %ge3A_202, %lt3A_206 : vector<16xi1>
          %broadcast_in_dim3A_208 = vector.shape_cast %min3A_5 : vector<16xi32> to vector<16x1xi32>
          %gather3A_209 = vector.shape_cast %broadcast_in_dim3A_208 : vector<16x1xi32> to vector<16xi32>
          %gather3A_210 = tpu.dynamic_gather %get3A_194[%gather3A_209] in [0] : vector<16xi32>, vector<16xi32> -> vector<16xi32>
          %ne3A_211 = arith.cmpi ne, %get3A_194, %gather3A_210 : vector<16xi32>
          %or3A_212 = arith.ori %ne3A_211, %eq3A_7 : vector<16xi1>
          %and3A_213 = arith.andi %and3A_207, %or3A_212 : vector<16xi1>
          tpu.vector_store_idx %arg7[%sub3A_200], %get3A_198 masked %and3A_213 : memref<65536xf32, #tpu.memory_space<vmem>>[vector<16xi32>], vector<16xf32>, vector<16xi1>
          %mul3A_214 = arith.constant 8 : i32
          %mul3A_215 = arith.muli %while3A_102, %mul3A_214 : i32
          %add3A_216 = arith.constant 4 : i32
          %add3A_217 = arith.addi %mul3A_215, %add3A_216 : i32
          %mul3A_218 = arith.constant 16 : i32
          %mul3A_219 = arith.muli %add3A_217, %mul3A_218 : i32
          %get3A_220 = arith.constant 0 : i32
          %get3A_221 = arith.index_cast %get3A_220 : i32 to index
          %get3A_222 = arith.index_cast %mul3A_219 : i32 to index
          %get3A_223 = tpu.vector_load %arg8[%get3A_221, %get3A_222] {strides = array<i32>} : memref<2x8192xi32, #tpu.memory_space<vmem>>, vector<16xi32>,
          %get3A_224 = arith.constant 0 : i32
          %get3A_225 = arith.index_cast %get3A_224 : i32 to index
          %get3A_226 = arith.index_cast %mul3A_219 : i32 to index
          %get3A_227 = tpu.vector_load %arg9[%get3A_225, %get3A_226] {strides = array<i32>} : memref<2x8192xf32, #tpu.memory_space<vmem>>, vector<16xf32>,
          %sub3A_228 = vector.broadcast %mul3A_18 : i32 to vector<16xi32>
          %sub3A_229 = arith.subi %get3A_223, %sub3A_228 : vector<16xi32>
          %ge3A_230 = vector.broadcast %mul3A_18 : i32 to vector<16xi32>
          %ge3A_231 = arith.cmpi sge, %get3A_223, %ge3A_230 : vector<16xi32>
          %add3A_232 = arith.constant 65536 : i32
          %add3A_233 = arith.addi %mul3A_18, %add3A_232 : i32
          %lt3A_234 = vector.broadcast %add3A_233 : i32 to vector<16xi32>
          %lt3A_235 = arith.cmpi slt, %get3A_223, %lt3A_234 : vector<16xi32>
          %and3A_236 = arith.andi %ge3A_231, %lt3A_235 : vector<16xi1>
          %broadcast_in_dim3A_237 = vector.shape_cast %min3A_5 : vector<16xi32> to vector<16x1xi32>
          %gather3A_238 = vector.shape_cast %broadcast_in_dim3A_237 : vector<16x1xi32> to vector<16xi32>
          %gather3A_239 = tpu.dynamic_gather %get3A_223[%gather3A_238] in [0] : vector<16xi32>, vector<16xi32> -> vector<16xi32>
          %ne3A_240 = arith.cmpi ne, %get3A_223, %gather3A_239 : vector<16xi32>
          %or3A_241 = arith.ori %ne3A_240, %eq3A_7 : vector<16xi1>
          %and3A_242 = arith.andi %and3A_236, %or3A_241 : vector<16xi1>
          tpu.vector_store_idx %arg7[%sub3A_229], %get3A_227 masked %and3A_242 : memref<65536xf32, #tpu.memory_space<vmem>>[vector<16xi32>], vector<16xf32>, vector<16xi1>
          %mul3A_243 = arith.constant 8 : i32
          %mul3A_244 = arith.muli %while3A_102, %mul3A_243 : i32
          %add3A_245 = arith.constant 5 : i32
          %add3A_246 = arith.addi %mul3A_244, %add3A_245 : i32
          %mul3A_247 = arith.constant 16 : i32
          %mul3A_248 = arith.muli %add3A_246, %mul3A_247 : i32
          %get3A_249 = arith.constant 0 : i32
          %get3A_250 = arith.index_cast %get3A_249 : i32 to index
          %get3A_251 = arith.index_cast %mul3A_248 : i32 to index
          %get3A_252 = tpu.vector_load %arg8[%get3A_250, %get3A_251] {strides = array<i32>} : memref<2x8192xi32, #tpu.memory_space<vmem>>, vector<16xi32>,
          %get3A_253 = arith.constant 0 : i32
          %get3A_254 = arith.index_cast %get3A_253 : i32 to index
          %get3A_255 = arith.index_cast %mul3A_248 : i32 to index
          %get3A_256 = tpu.vector_load %arg9[%get3A_254, %get3A_255] {strides = array<i32>} : memref<2x8192xf32, #tpu.memory_space<vmem>>, vector<16xf32>,
          %sub3A_257 = vector.broadcast %mul3A_18 : i32 to vector<16xi32>
          %sub3A_258 = arith.subi %get3A_252, %sub3A_257 : vector<16xi32>
          %ge3A_259 = vector.broadcast %mul3A_18 : i32 to vector<16xi32>
          %ge3A_260 = arith.cmpi sge, %get3A_252, %ge3A_259 : vector<16xi32>
          %add3A_261 = arith.constant 65536 : i32
          %add3A_262 = arith.addi %mul3A_18, %add3A_261 : i32
          %lt3A_263 = vector.broadcast %add3A_262 : i32 to vector<16xi32>
          %lt3A_264 = arith.cmpi slt, %get3A_252, %lt3A_263 : vector<16xi32>
          %and3A_265 = arith.andi %ge3A_260, %lt3A_264 : vector<16xi1>
          %broadcast_in_dim3A_266 = vector.shape_cast %min3A_5 : vector<16xi32> to vector<16x1xi32>
          %gather3A_267 = vector.shape_cast %broadcast_in_dim3A_266 : vector<16x1xi32> to vector<16xi32>
          %gather3A_268 = tpu.dynamic_gather %get3A_252[%gather3A_267] in [0] : vector<16xi32>, vector<16xi32> -> vector<16xi32>
          %ne3A_269 = arith.cmpi ne, %get3A_252, %gather3A_268 : vector<16xi32>
          %or3A_270 = arith.ori %ne3A_269, %eq3A_7 : vector<16xi1>
          %and3A_271 = arith.andi %and3A_265, %or3A_270 : vector<16xi1>
          tpu.vector_store_idx %arg7[%sub3A_258], %get3A_256 masked %and3A_271 : memref<65536xf32, #tpu.memory_space<vmem>>[vector<16xi32>], vector<16xf32>, vector<16xi1>
          %mul3A_272 = arith.constant 8 : i32
          %mul3A_273 = arith.muli %while3A_102, %mul3A_272 : i32
          %add3A_274 = arith.constant 6 : i32
          %add3A_275 = arith.addi %mul3A_273, %add3A_274 : i32
          %mul3A_276 = arith.constant 16 : i32
          %mul3A_277 = arith.muli %add3A_275, %mul3A_276 : i32
          %get3A_278 = arith.constant 0 : i32
          %get3A_279 = arith.index_cast %get3A_278 : i32 to index
          %get3A_280 = arith.index_cast %mul3A_277 : i32 to index
          %get3A_281 = tpu.vector_load %arg8[%get3A_279, %get3A_280] {strides = array<i32>} : memref<2x8192xi32, #tpu.memory_space<vmem>>, vector<16xi32>,
          %get3A_282 = arith.constant 0 : i32
          %get3A_283 = arith.index_cast %get3A_282 : i32 to index
          %get3A_284 = arith.index_cast %mul3A_277 : i32 to index
          %get3A_285 = tpu.vector_load %arg9[%get3A_283, %get3A_284] {strides = array<i32>} : memref<2x8192xf32, #tpu.memory_space<vmem>>, vector<16xf32>,
          %sub3A_286 = vector.broadcast %mul3A_18 : i32 to vector<16xi32>
          %sub3A_287 = arith.subi %get3A_281, %sub3A_286 : vector<16xi32>
          %ge3A_288 = vector.broadcast %mul3A_18 : i32 to vector<16xi32>
          %ge3A_289 = arith.cmpi sge, %get3A_281, %ge3A_288 : vector<16xi32>
          %add3A_290 = arith.constant 65536 : i32
          %add3A_291 = arith.addi %mul3A_18, %add3A_290 : i32
          %lt3A_292 = vector.broadcast %add3A_291 : i32 to vector<16xi32>
          %lt3A_293 = arith.cmpi slt, %get3A_281, %lt3A_292 : vector<16xi32>
          %and3A_294 = arith.andi %ge3A_289, %lt3A_293 : vector<16xi1>
          %broadcast_in_dim3A_295 = vector.shape_cast %min3A_5 : vector<16xi32> to vector<16x1xi32>
          %gather3A_296 = vector.shape_cast %broadcast_in_dim3A_295 : vector<16x1xi32> to vector<16xi32>
          %gather3A_297 = tpu.dynamic_gather %get3A_281[%gather3A_296] in [0] : vector<16xi32>, vector<16xi32> -> vector<16xi32>
          %ne3A_298 = arith.cmpi ne, %get3A_281, %gather3A_297 : vector<16xi32>
          %or3A_299 = arith.ori %ne3A_298, %eq3A_7 : vector<16xi1>
          %and3A_300 = arith.andi %and3A_294, %or3A_299 : vector<16xi1>
          tpu.vector_store_idx %arg7[%sub3A_287], %get3A_285 masked %and3A_300 : memref<65536xf32, #tpu.memory_space<vmem>>[vector<16xi32>], vector<16xf32>, vector<16xi1>
          %mul3A_301 = arith.constant 8 : i32
          %mul3A_302 = arith.muli %while3A_102, %mul3A_301 : i32
          %add3A_303 = arith.constant 7 : i32
          %add3A_304 = arith.addi %mul3A_302, %add3A_303 : i32
          %mul3A_305 = arith.constant 16 : i32
          %mul3A_306 = arith.muli %add3A_304, %mul3A_305 : i32
          %get3A_307 = arith.constant 0 : i32
          %get3A_308 = arith.index_cast %get3A_307 : i32 to index
          %get3A_309 = arith.index_cast %mul3A_306 : i32 to index
          %get3A_310 = tpu.vector_load %arg8[%get3A_308, %get3A_309] {strides = array<i32>} : memref<2x8192xi32, #tpu.memory_space<vmem>>, vector<16xi32>,
          %get3A_311 = arith.constant 0 : i32
          %get3A_312 = arith.index_cast %get3A_311 : i32 to index
          %get3A_313 = arith.index_cast %mul3A_306 : i32 to index
          %get3A_314 = tpu.vector_load %arg9[%get3A_312, %get3A_313] {strides = array<i32>} : memref<2x8192xf32, #tpu.memory_space<vmem>>, vector<16xf32>,
          %sub3A_315 = vector.broadcast %mul3A_18 : i32 to vector<16xi32>
          %sub3A_316 = arith.subi %get3A_310, %sub3A_315 : vector<16xi32>
          %ge3A_317 = vector.broadcast %mul3A_18 : i32 to vector<16xi32>
          %ge3A_318 = arith.cmpi sge, %get3A_310, %ge3A_317 : vector<16xi32>
          %add3A_319 = arith.constant 65536 : i32
          %add3A_320 = arith.addi %mul3A_18, %add3A_319 : i32
          %lt3A_321 = vector.broadcast %add3A_320 : i32 to vector<16xi32>
          %lt3A_322 = arith.cmpi slt, %get3A_310, %lt3A_321 : vector<16xi32>
          %and3A_323 = arith.andi %ge3A_318, %lt3A_322 : vector<16xi1>
          %broadcast_in_dim3A_324 = vector.shape_cast %min3A_5 : vector<16xi32> to vector<16x1xi32>
          %gather3A_325 = vector.shape_cast %broadcast_in_dim3A_324 : vector<16x1xi32> to vector<16xi32>
          %gather3A_326 = tpu.dynamic_gather %get3A_310[%gather3A_325] in [0] : vector<16xi32>, vector<16xi32> -> vector<16xi32>
          %ne3A_327 = arith.cmpi ne, %get3A_310, %gather3A_326 : vector<16xi32>
          %or3A_328 = arith.ori %ne3A_327, %eq3A_7 : vector<16xi1>
          %and3A_329 = arith.andi %and3A_323, %or3A_328 : vector<16xi1>
          tpu.vector_store_idx %arg7[%sub3A_316], %get3A_314 masked %and3A_329 : memref<65536xf32, #tpu.memory_space<vmem>>[vector<16xi32>], vector<16xf32>, vector<16xi1>
        }
        %add3A_96 = arith.constant 1 : i32
        %add3A_97 = arith.addi %mul3A_44, %add3A_96 : i32
        %lt3A_98 = arith.cmpi slt, %add3A_97, %shift_right_arithmetic3A_26 : i32
        %convert_element_type3A_99 = arith.extui %lt3A_98 : i1 to i32
        %cond3A_100 = arith.constant 0 : i32
        %cond3A_101 = arith.cmpi ne, %convert_element_type3A_99, %cond3A_100 : i32
        scf.if %cond3A_101 {
          %add3A_102 = arith.constant 1 : i32
          %add3A_103 = arith.addi %mul3A_44, %add3A_102 : i32
          %mul3A_104 = arith.constant 8192 : i32
          %mul3A_105 = arith.muli %add3A_103, %mul3A_104 : i32
          %add3A_106 = arith.addi %and3A_21, %mul3A_105 : i32
          %min3A_107 = arith.constant 33546240 : i32
          %min3A_108 = arith.minsi %add3A_106, %min3A_107 : i32
          %multiple_of3A_109 = tpu.assume_multiple %min3A_108, 8 : i32
          %dma_wait3A_110 = arith.constant 1 : i32
          %dma_wait3A_111 = arith.constant 0 : i32
          %dma_wait3A_112 = tpu.memref_slice %arg8[%dma_wait3A_110, %dma_wait3A_111] : memref<2x8192xi32, #tpu.memory_space<vmem>> -> memref<1x8192xi32, #tpu.memory_space<vmem>>
          %dma_wait3A_113 = tpu.memref_squeeze %dma_wait3A_112 : memref<1x8192xi32, #tpu.memory_space<vmem>> -> memref<8192xi32, #tpu.memory_space<vmem>>
          %dma_wait3A_114 = tpu.memref_slice %arg3[%multiple_of3A_109] : memref<33554432xi32, #tpu.memory_space<hbm>> -> memref<8192xi32, #tpu.memory_space<hbm>>
          %dma_wait3A_115 = arith.constant 0 : i32
          %dma_wait3A_116 = tpu.memref_slice %arg8[%dma_wait3A_110, %dma_wait3A_115] : memref<2x8192xi32, #tpu.memory_space<vmem>> -> memref<1x8192xi32, #tpu.memory_space<vmem>>
          %dma_wait3A_117 = tpu.memref_squeeze %dma_wait3A_116 : memref<1x8192xi32, #tpu.memory_space<vmem>> -> memref<8192xi32, #tpu.memory_space<vmem>>
          %dma_wait3A_118 = tpu.memref_slice %arg3[%multiple_of3A_109] : memref<33554432xi32, #tpu.memory_space<hbm>> -> memref<8192xi32, #tpu.memory_space<hbm>>
          tpu.wait_dma2 semaphore(%arg14 : memref<!tpu.dma_semaphore, #tpu.memory_space<semaphore_mem>>) src(%dma_wait3A_118 : memref<8192xi32, #tpu.memory_space<hbm>>) dst(%dma_wait3A_117 : memref<8192xi32, #tpu.memory_space<vmem>>)
          %dma_wait3A_119 = arith.constant 1 : i32
          %dma_wait3A_120 = arith.constant 0 : i32
          %dma_wait3A_121 = tpu.memref_slice %arg9[%dma_wait3A_119, %dma_wait3A_120] : memref<2x8192xf32, #tpu.memory_space<vmem>> -> memref<1x8192xf32, #tpu.memory_space<vmem>>
          %dma_wait3A_122 = tpu.memref_squeeze %dma_wait3A_121 : memref<1x8192xf32, #tpu.memory_space<vmem>> -> memref<8192xf32, #tpu.memory_space<vmem>>
          %dma_wait3A_123 = tpu.memref_slice %arg4[%multiple_of3A_109] : memref<33554432xf32, #tpu.memory_space<hbm>> -> memref<8192xf32, #tpu.memory_space<hbm>>
          %dma_wait3A_124 = arith.constant 0 : i32
          %dma_wait3A_125 = tpu.memref_slice %arg9[%dma_wait3A_119, %dma_wait3A_124] : memref<2x8192xf32, #tpu.memory_space<vmem>> -> memref<1x8192xf32, #tpu.memory_space<vmem>>
          %dma_wait3A_126 = tpu.memref_squeeze %dma_wait3A_125 : memref<1x8192xf32, #tpu.memory_space<vmem>> -> memref<8192xf32, #tpu.memory_space<vmem>>
          %dma_wait3A_127 = tpu.memref_slice %arg4[%multiple_of3A_109] : memref<33554432xf32, #tpu.memory_space<hbm>> -> memref<8192xf32, #tpu.memory_space<hbm>>
          tpu.wait_dma2 semaphore(%arg15 : memref<!tpu.dma_semaphore, #tpu.memory_space<semaphore_mem>>) src(%dma_wait3A_127 : memref<8192xf32, #tpu.memory_space<hbm>>) dst(%dma_wait3A_126 : memref<8192xf32, #tpu.memory_space<vmem>>)
          %add3A_128 = arith.constant 2 : i32
          %add3A_129 = arith.addi %mul3A_44, %add3A_128 : i32
          %lt3A_130 = arith.cmpi slt, %add3A_129, %shift_right_arithmetic3A_26 : i32
          %convert_element_type3A_131 = arith.extui %lt3A_130 : i1 to i32
          %cond3A_132 = arith.constant 0 : i32
          %cond3A_133 = arith.cmpi ne, %convert_element_type3A_131, %cond3A_132 : i32
          scf.if %cond3A_133 {
            %add3A_159 = arith.constant 2 : i32
            %add3A_160 = arith.addi %mul3A_44, %add3A_159 : i32
            %mul3A_161 = arith.constant 8192 : i32
            %mul3A_162 = arith.muli %add3A_160, %mul3A_161 : i32
            %add3A_163 = arith.addi %and3A_21, %mul3A_162 : i32
            %min3A_164 = arith.constant 33546240 : i32
            %min3A_165 = arith.minsi %add3A_163, %min3A_164 : i32
            %multiple_of3A_166 = tpu.assume_multiple %min3A_165, 8 : i32
            %dma_start3A_167 = arith.constant 0 : i32
            %dma_start3A_168 = arith.constant 0 : i32
            %dma_start3A_169 = tpu.memref_slice %arg8[%dma_start3A_167, %dma_start3A_168] : memref<2x8192xi32, #tpu.memory_space<vmem>> -> memref<1x8192xi32, #tpu.memory_space<vmem>>
            %dma_start3A_170 = tpu.memref_squeeze %dma_start3A_169 : memref<1x8192xi32, #tpu.memory_space<vmem>> -> memref<8192xi32, #tpu.memory_space<vmem>>
            %dma_start3A_171 = tpu.memref_slice %arg3[%multiple_of3A_166] : memref<33554432xi32, #tpu.memory_space<hbm>> -> memref<8192xi32, #tpu.memory_space<hbm>>
            %dma_start3A_172 = arith.constant 0 : i32
            %dma_start3A_173 = tpu.memref_slice %arg8[%dma_start3A_167, %dma_start3A_172] : memref<2x8192xi32, #tpu.memory_space<vmem>> -> memref<1x8192xi32, #tpu.memory_space<vmem>>
            %dma_start3A_174 = tpu.memref_squeeze %dma_start3A_173 : memref<1x8192xi32, #tpu.memory_space<vmem>> -> memref<8192xi32, #tpu.memory_space<vmem>>
            %dma_start3A_175 = tpu.memref_slice %arg3[%multiple_of3A_166] : memref<33554432xi32, #tpu.memory_space<hbm>> -> memref<8192xi32, #tpu.memory_space<hbm>>
            tpu.enqueue_dma source(%dma_start3A_175 : memref<8192xi32, #tpu.memory_space<hbm>>) target(%dma_start3A_174 : memref<8192xi32, #tpu.memory_space<vmem>>) target_semaphore(%arg12 : memref<!tpu.dma_semaphore, #tpu.memory_space<semaphore_mem>>)
            %dma_start3A_176 = arith.constant 0 : i32
            %dma_start3A_177 = arith.constant 0 : i32
            %dma_start3A_178 = tpu.memref_slice %arg9[%dma_start3A_176, %dma_start3A_177] : memref<2x8192xf32, #tpu.memory_space<vmem>> -> memref<1x8192xf32, #tpu.memory_space<vmem>>
            %dma_start3A_179 = tpu.memref_squeeze %dma_start3A_178 : memref<1x8192xf32, #tpu.memory_space<vmem>> -> memref<8192xf32, #tpu.memory_space<vmem>>
            %dma_start3A_180 = tpu.memref_slice %arg4[%multiple_of3A_166] : memref<33554432xf32, #tpu.memory_space<hbm>> -> memref<8192xf32, #tpu.memory_space<hbm>>
            %dma_start3A_181 = arith.constant 0 : i32
            %dma_start3A_182 = tpu.memref_slice %arg9[%dma_start3A_176, %dma_start3A_181] : memref<2x8192xf32, #tpu.memory_space<vmem>> -> memref<1x8192xf32, #tpu.memory_space<vmem>>
            %dma_start3A_183 = tpu.memref_squeeze %dma_start3A_182 : memref<1x8192xf32, #tpu.memory_space<vmem>> -> memref<8192xf32, #tpu.memory_space<vmem>>
            %dma_start3A_184 = tpu.memref_slice %arg4[%multiple_of3A_166] : memref<33554432xf32, #tpu.memory_space<hbm>> -> memref<8192xf32, #tpu.memory_space<hbm>>
            tpu.enqueue_dma source(%dma_start3A_184 : memref<8192xf32, #tpu.memory_space<hbm>>) target(%dma_start3A_183 : memref<8192xf32, #tpu.memory_space<vmem>>) target_semaphore(%arg13 : memref<!tpu.dma_semaphore, #tpu.memory_space<semaphore_mem>>)
          } else {
          }
          %add3A_134 = arith.constant 1 : i32
          %add3A_135 = arith.addi %mul3A_44, %add3A_134 : i32
          %mul3A_136 = arith.constant 8192 : i32
          %mul3A_137 = arith.muli %add3A_135, %mul3A_136 : i32
          %add3A_138 = arith.addi %and3A_21, %mul3A_137 : i32
          %min3A_139 = arith.constant 33546240 : i32
          %min3A_140 = arith.minsi %add3A_138, %min3A_139 : i32
          %multiple_of3A_141 = tpu.assume_multiple %min3A_140, 8 : i32
          %sub3A_142 = arith.subi %squeeze3A_23, %multiple_of3A_141 : i32
          %min3A_143 = arith.constant 8192 : i32
          %min3A_144 = arith.minsi %sub3A_142, %min3A_143 : i32
          %add3A_145 = arith.constant 127 : i32
          %add3A_146 = arith.addi %min3A_144, %add3A_145 : i32
          %shift_right_arithmetic3A_147 = arith.constant 7 : i32
          %shift_right_arithmetic3A_148 = arith.shrsi %add3A_146, %shift_right_arithmetic3A_147 : i32
          %while3A_149 = arith.constant 0 : i32
          %while3A_150 = arith.constant 0 : i32
          %while3A_151 = arith.subi %shift_right_arithmetic3A_148, %while3A_150 : i32
          %while3A_152 = arith.addi %while3A_150, %while3A_151 : i32
          %while3A_153 = arith.constant 1 : i32
          %while3A_154 = arith.divsi %while3A_151, %while3A_153 : i32
          %while3A_155 = arith.muli %while3A_154, %while3A_153 : i32
          %while3A_156 = arith.addi %while3A_150, %while3A_155 : i32
          %while3A_157 = arith.constant 1 : i32
          scf.for %while3A_159 = %while3A_150 to %while3A_156 step %while3A_157  : i32 {
            %mul3A_160 = arith.constant 8 : i32
            %mul3A_161 = arith.muli %while3A_159, %mul3A_160 : i32
            %add3A_162 = arith.constant 0 : i32
            %add3A_163 = arith.addi %mul3A_161, %add3A_162 : i32
            %mul3A_164 = arith.constant 16 : i32
            %mul3A_165 = arith.muli %add3A_163, %mul3A_164 : i32
            %get3A_166 = arith.constant 1 : i32
            %get3A_167 = arith.index_cast %get3A_166 : i32 to index
            %get3A_168 = arith.index_cast %mul3A_165 : i32 to index
            %get3A_169 = tpu.vector_load %arg8[%get3A_167, %get3A_168] {strides = array<i32>} : memref<2x8192xi32, #tpu.memory_space<vmem>>, vector<16xi32>,
            %get3A_170 = arith.constant 1 : i32
            %get3A_171 = arith.index_cast %get3A_170 : i32 to index
            %get3A_172 = arith.index_cast %mul3A_165 : i32 to index
            %get3A_173 = tpu.vector_load %arg9[%get3A_171, %get3A_172] {strides = array<i32>} : memref<2x8192xf32, #tpu.memory_space<vmem>>, vector<16xf32>,
            %sub3A_174 = vector.broadcast %mul3A_18 : i32 to vector<16xi32>
            %sub3A_175 = arith.subi %get3A_169, %sub3A_174 : vector<16xi32>
            %ge3A = vector.broadcast %mul3A_18 : i32 to vector<16xi32>
            %ge3A_176 = arith.cmpi sge, %get3A_169, %ge3A : vector<16xi32>
            %add3A_177 = arith.constant 65536 : i32
            %add3A_178 = arith.addi %mul3A_18, %add3A_177 : i32
            %lt3A_179 = vector.broadcast %add3A_178 : i32 to vector<16xi32>
            %lt3A_180 = arith.cmpi slt, %get3A_169, %lt3A_179 : vector<16xi32>
            %and3A_181 = arith.andi %ge3A_176, %lt3A_180 : vector<16xi1>
            %broadcast_in_dim3A = vector.shape_cast %min3A_5 : vector<16xi32> to vector<16x1xi32>
            %gather3A = vector.shape_cast %broadcast_in_dim3A : vector<16x1xi32> to vector<16xi32>
            %gather3A_182 = tpu.dynamic_gather %get3A_169[%gather3A] in [0] : vector<16xi32>, vector<16xi32> -> vector<16xi32>
            %ne3A = arith.cmpi ne, %get3A_169, %gather3A_182 : vector<16xi32>
            %or3A = arith.ori %ne3A, %eq3A_7 : vector<16xi1>
            %and3A_183 = arith.andi %and3A_181, %or3A : vector<16xi1>
            tpu.vector_store_idx %arg7[%sub3A_175], %get3A_173 masked %and3A_183 : memref<65536xf32, #tpu.memory_space<vmem>>[vector<16xi32>], vector<16xf32>, vector<16xi1>
            %mul3A_184 = arith.constant 8 : i32
            %mul3A_185 = arith.muli %while3A_159, %mul3A_184 : i32
            %add3A_186 = arith.constant 1 : i32
            %add3A_187 = arith.addi %mul3A_185, %add3A_186 : i32
            %mul3A_188 = arith.constant 16 : i32
            %mul3A_189 = arith.muli %add3A_187, %mul3A_188 : i32
            %get3A_190 = arith.constant 1 : i32
            %get3A_191 = arith.index_cast %get3A_190 : i32 to index
            %get3A_192 = arith.index_cast %mul3A_189 : i32 to index
            %get3A_193 = tpu.vector_load %arg8[%get3A_191, %get3A_192] {strides = array<i32>} : memref<2x8192xi32, #tpu.memory_space<vmem>>, vector<16xi32>,
            %get3A_194 = arith.constant 1 : i32
            %get3A_195 = arith.index_cast %get3A_194 : i32 to index
            %get3A_196 = arith.index_cast %mul3A_189 : i32 to index
            %get3A_197 = tpu.vector_load %arg9[%get3A_195, %get3A_196] {strides = array<i32>} : memref<2x8192xf32, #tpu.memory_space<vmem>>, vector<16xf32>,
            %sub3A_198 = vector.broadcast %mul3A_18 : i32 to vector<16xi32>
            %sub3A_199 = arith.subi %get3A_193, %sub3A_198 : vector<16xi32>
            %ge3A_200 = vector.broadcast %mul3A_18 : i32 to vector<16xi32>
            %ge3A_201 = arith.cmpi sge, %get3A_193, %ge3A_200 : vector<16xi32>
            %add3A_202 = arith.constant 65536 : i32
            %add3A_203 = arith.addi %mul3A_18, %add3A_202 : i32
            %lt3A_204 = vector.broadcast %add3A_203 : i32 to vector<16xi32>
            %lt3A_205 = arith.cmpi slt, %get3A_193, %lt3A_204 : vector<16xi32>
            %and3A_206 = arith.andi %ge3A_201, %lt3A_205 : vector<16xi1>
            %broadcast_in_dim3A_207 = vector.shape_cast %min3A_5 : vector<16xi32> to vector<16x1xi32>
            %gather3A_208 = vector.shape_cast %broadcast_in_dim3A_207 : vector<16x1xi32> to vector<16xi32>
            %gather3A_209 = tpu.dynamic_gather %get3A_193[%gather3A_208] in [0] : vector<16xi32>, vector<16xi32> -> vector<16xi32>
            %ne3A_210 = arith.cmpi ne, %get3A_193, %gather3A_209 : vector<16xi32>
            %or3A_211 = arith.ori %ne3A_210, %eq3A_7 : vector<16xi1>
            %and3A_212 = arith.andi %and3A_206, %or3A_211 : vector<16xi1>
            tpu.vector_store_idx %arg7[%sub3A_199], %get3A_197 masked %and3A_212 : memref<65536xf32, #tpu.memory_space<vmem>>[vector<16xi32>], vector<16xf32>, vector<16xi1>
            %mul3A_213 = arith.constant 8 : i32
            %mul3A_214 = arith.muli %while3A_159, %mul3A_213 : i32
            %add3A_215 = arith.constant 2 : i32
            %add3A_216 = arith.addi %mul3A_214, %add3A_215 : i32
            %mul3A_217 = arith.constant 16 : i32
            %mul3A_218 = arith.muli %add3A_216, %mul3A_217 : i32
            %get3A_219 = arith.constant 1 : i32
            %get3A_220 = arith.index_cast %get3A_219 : i32 to index
            %get3A_221 = arith.index_cast %mul3A_218 : i32 to index
            %get3A_222 = tpu.vector_load %arg8[%get3A_220, %get3A_221] {strides = array<i32>} : memref<2x8192xi32, #tpu.memory_space<vmem>>, vector<16xi32>,
            %get3A_223 = arith.constant 1 : i32
            %get3A_224 = arith.index_cast %get3A_223 : i32 to index
            %get3A_225 = arith.index_cast %mul3A_218 : i32 to index
            %get3A_226 = tpu.vector_load %arg9[%get3A_224, %get3A_225] {strides = array<i32>} : memref<2x8192xf32, #tpu.memory_space<vmem>>, vector<16xf32>,
            %sub3A_227 = vector.broadcast %mul3A_18 : i32 to vector<16xi32>
            %sub3A_228 = arith.subi %get3A_222, %sub3A_227 : vector<16xi32>
            %ge3A_229 = vector.broadcast %mul3A_18 : i32 to vector<16xi32>
            %ge3A_230 = arith.cmpi sge, %get3A_222, %ge3A_229 : vector<16xi32>
            %add3A_231 = arith.constant 65536 : i32
            %add3A_232 = arith.addi %mul3A_18, %add3A_231 : i32
            %lt3A_233 = vector.broadcast %add3A_232 : i32 to vector<16xi32>
            %lt3A_234 = arith.cmpi slt, %get3A_222, %lt3A_233 : vector<16xi32>
            %and3A_235 = arith.andi %ge3A_230, %lt3A_234 : vector<16xi1>
            %broadcast_in_dim3A_236 = vector.shape_cast %min3A_5 : vector<16xi32> to vector<16x1xi32>
            %gather3A_237 = vector.shape_cast %broadcast_in_dim3A_236 : vector<16x1xi32> to vector<16xi32>
            %gather3A_238 = tpu.dynamic_gather %get3A_222[%gather3A_237] in [0] : vector<16xi32>, vector<16xi32> -> vector<16xi32>
            %ne3A_239 = arith.cmpi ne, %get3A_222, %gather3A_238 : vector<16xi32>
            %or3A_240 = arith.ori %ne3A_239, %eq3A_7 : vector<16xi1>
            %and3A_241 = arith.andi %and3A_235, %or3A_240 : vector<16xi1>
            tpu.vector_store_idx %arg7[%sub3A_228], %get3A_226 masked %and3A_241 : memref<65536xf32, #tpu.memory_space<vmem>>[vector<16xi32>], vector<16xf32>, vector<16xi1>
            %mul3A_242 = arith.constant 8 : i32
            %mul3A_243 = arith.muli %while3A_159, %mul3A_242 : i32
            %add3A_244 = arith.constant 3 : i32
            %add3A_245 = arith.addi %mul3A_243, %add3A_244 : i32
            %mul3A_246 = arith.constant 16 : i32
            %mul3A_247 = arith.muli %add3A_245, %mul3A_246 : i32
            %get3A_248 = arith.constant 1 : i32
            %get3A_249 = arith.index_cast %get3A_248 : i32 to index
            %get3A_250 = arith.index_cast %mul3A_247 : i32 to index
            %get3A_251 = tpu.vector_load %arg8[%get3A_249, %get3A_250] {strides = array<i32>} : memref<2x8192xi32, #tpu.memory_space<vmem>>, vector<16xi32>,
            %get3A_252 = arith.constant 1 : i32
            %get3A_253 = arith.index_cast %get3A_252 : i32 to index
            %get3A_254 = arith.index_cast %mul3A_247 : i32 to index
            %get3A_255 = tpu.vector_load %arg9[%get3A_253, %get3A_254] {strides = array<i32>} : memref<2x8192xf32, #tpu.memory_space<vmem>>, vector<16xf32>,
            %sub3A_256 = vector.broadcast %mul3A_18 : i32 to vector<16xi32>
            %sub3A_257 = arith.subi %get3A_251, %sub3A_256 : vector<16xi32>
            %ge3A_258 = vector.broadcast %mul3A_18 : i32 to vector<16xi32>
            %ge3A_259 = arith.cmpi sge, %get3A_251, %ge3A_258 : vector<16xi32>
            %add3A_260 = arith.constant 65536 : i32
            %add3A_261 = arith.addi %mul3A_18, %add3A_260 : i32
            %lt3A_262 = vector.broadcast %add3A_261 : i32 to vector<16xi32>
            %lt3A_263 = arith.cmpi slt, %get3A_251, %lt3A_262 : vector<16xi32>
            %and3A_264 = arith.andi %ge3A_259, %lt3A_263 : vector<16xi1>
            %broadcast_in_dim3A_265 = vector.shape_cast %min3A_5 : vector<16xi32> to vector<16x1xi32>
            %gather3A_266 = vector.shape_cast %broadcast_in_dim3A_265 : vector<16x1xi32> to vector<16xi32>
            %gather3A_267 = tpu.dynamic_gather %get3A_251[%gather3A_266] in [0] : vector<16xi32>, vector<16xi32> -> vector<16xi32>
            %ne3A_268 = arith.cmpi ne, %get3A_251, %gather3A_267 : vector<16xi32>
            %or3A_269 = arith.ori %ne3A_268, %eq3A_7 : vector<16xi1>
            %and3A_270 = arith.andi %and3A_264, %or3A_269 : vector<16xi1>
            tpu.vector_store_idx %arg7[%sub3A_257], %get3A_255 masked %and3A_270 : memref<65536xf32, #tpu.memory_space<vmem>>[vector<16xi32>], vector<16xf32>, vector<16xi1>
            %mul3A_271 = arith.constant 8 : i32
            %mul3A_272 = arith.muli %while3A_159, %mul3A_271 : i32
            %add3A_273 = arith.constant 4 : i32
            %add3A_274 = arith.addi %mul3A_272, %add3A_273 : i32
            %mul3A_275 = arith.constant 16 : i32
            %mul3A_276 = arith.muli %add3A_274, %mul3A_275 : i32
            %get3A_277 = arith.constant 1 : i32
            %get3A_278 = arith.index_cast %get3A_277 : i32 to index
            %get3A_279 = arith.index_cast %mul3A_276 : i32 to index
            %get3A_280 = tpu.vector_load %arg8[%get3A_278, %get3A_279] {strides = array<i32>} : memref<2x8192xi32, #tpu.memory_space<vmem>>, vector<16xi32>,
            %get3A_281 = arith.constant 1 : i32
            %get3A_282 = arith.index_cast %get3A_281 : i32 to index
            %get3A_283 = arith.index_cast %mul3A_276 : i32 to index
            %get3A_284 = tpu.vector_load %arg9[%get3A_282, %get3A_283] {strides = array<i32>} : memref<2x8192xf32, #tpu.memory_space<vmem>>, vector<16xf32>,
            %sub3A_285 = vector.broadcast %mul3A_18 : i32 to vector<16xi32>
            %sub3A_286 = arith.subi %get3A_280, %sub3A_285 : vector<16xi32>
            %ge3A_287 = vector.broadcast %mul3A_18 : i32 to vector<16xi32>
            %ge3A_288 = arith.cmpi sge, %get3A_280, %ge3A_287 : vector<16xi32>
            %add3A_289 = arith.constant 65536 : i32
            %add3A_290 = arith.addi %mul3A_18, %add3A_289 : i32
            %lt3A_291 = vector.broadcast %add3A_290 : i32 to vector<16xi32>
            %lt3A_292 = arith.cmpi slt, %get3A_280, %lt3A_291 : vector<16xi32>
            %and3A_293 = arith.andi %ge3A_288, %lt3A_292 : vector<16xi1>
            %broadcast_in_dim3A_294 = vector.shape_cast %min3A_5 : vector<16xi32> to vector<16x1xi32>
            %gather3A_295 = vector.shape_cast %broadcast_in_dim3A_294 : vector<16x1xi32> to vector<16xi32>
            %gather3A_296 = tpu.dynamic_gather %get3A_280[%gather3A_295] in [0] : vector<16xi32>, vector<16xi32> -> vector<16xi32>
            %ne3A_297 = arith.cmpi ne, %get3A_280, %gather3A_296 : vector<16xi32>
            %or3A_298 = arith.ori %ne3A_297, %eq3A_7 : vector<16xi1>
            %and3A_299 = arith.andi %and3A_293, %or3A_298 : vector<16xi1>
            tpu.vector_store_idx %arg7[%sub3A_286], %get3A_284 masked %and3A_299 : memref<65536xf32, #tpu.memory_space<vmem>>[vector<16xi32>], vector<16xf32>, vector<16xi1>
            %mul3A_300 = arith.constant 8 : i32
            %mul3A_301 = arith.muli %while3A_159, %mul3A_300 : i32
            %add3A_302 = arith.constant 5 : i32
            %add3A_303 = arith.addi %mul3A_301, %add3A_302 : i32
            %mul3A_304 = arith.constant 16 : i32
            %mul3A_305 = arith.muli %add3A_303, %mul3A_304 : i32
            %get3A_306 = arith.constant 1 : i32
            %get3A_307 = arith.index_cast %get3A_306 : i32 to index
            %get3A_308 = arith.index_cast %mul3A_305 : i32 to index
            %get3A_309 = tpu.vector_load %arg8[%get3A_307, %get3A_308] {strides = array<i32>} : memref<2x8192xi32, #tpu.memory_space<vmem>>, vector<16xi32>,
            %get3A_310 = arith.constant 1 : i32
            %get3A_311 = arith.index_cast %get3A_310 : i32 to index
            %get3A_312 = arith.index_cast %mul3A_305 : i32 to index
            %get3A_313 = tpu.vector_load %arg9[%get3A_311, %get3A_312] {strides = array<i32>} : memref<2x8192xf32, #tpu.memory_space<vmem>>, vector<16xf32>,
            %sub3A_314 = vector.broadcast %mul3A_18 : i32 to vector<16xi32>
            %sub3A_315 = arith.subi %get3A_309, %sub3A_314 : vector<16xi32>
            %ge3A_316 = vector.broadcast %mul3A_18 : i32 to vector<16xi32>
            %ge3A_317 = arith.cmpi sge, %get3A_309, %ge3A_316 : vector<16xi32>
            %add3A_318 = arith.constant 65536 : i32
            %add3A_319 = arith.addi %mul3A_18, %add3A_318 : i32
            %lt3A_320 = vector.broadcast %add3A_319 : i32 to vector<16xi32>
            %lt3A_321 = arith.cmpi slt, %get3A_309, %lt3A_320 : vector<16xi32>
            %and3A_322 = arith.andi %ge3A_317, %lt3A_321 : vector<16xi1>
            %broadcast_in_dim3A_323 = vector.shape_cast %min3A_5 : vector<16xi32> to vector<16x1xi32>
            %gather3A_324 = vector.shape_cast %broadcast_in_dim3A_323 : vector<16x1xi32> to vector<16xi32>
            %gather3A_325 = tpu.dynamic_gather %get3A_309[%gather3A_324] in [0] : vector<16xi32>, vector<16xi32> -> vector<16xi32>
            %ne3A_326 = arith.cmpi ne, %get3A_309, %gather3A_325 : vector<16xi32>
            %or3A_327 = arith.ori %ne3A_326, %eq3A_7 : vector<16xi1>
            %and3A_328 = arith.andi %and3A_322, %or3A_327 : vector<16xi1>
            tpu.vector_store_idx %arg7[%sub3A_315], %get3A_313 masked %and3A_328 : memref<65536xf32, #tpu.memory_space<vmem>>[vector<16xi32>], vector<16xf32>, vector<16xi1>
            %mul3A_329 = arith.constant 8 : i32
            %mul3A_330 = arith.muli %while3A_159, %mul3A_329 : i32
            %add3A_331 = arith.constant 6 : i32
            %add3A_332 = arith.addi %mul3A_330, %add3A_331 : i32
            %mul3A_333 = arith.constant 16 : i32
            %mul3A_334 = arith.muli %add3A_332, %mul3A_333 : i32
            %get3A_335 = arith.constant 1 : i32
            %get3A_336 = arith.index_cast %get3A_335 : i32 to index
            %get3A_337 = arith.index_cast %mul3A_334 : i32 to index
            %get3A_338 = tpu.vector_load %arg8[%get3A_336, %get3A_337] {strides = array<i32>} : memref<2x8192xi32, #tpu.memory_space<vmem>>, vector<16xi32>,
            %get3A_339 = arith.constant 1 : i32
            %get3A_340 = arith.index_cast %get3A_339 : i32 to index
            %get3A_341 = arith.index_cast %mul3A_334 : i32 to index
            %get3A_342 = tpu.vector_load %arg9[%get3A_340, %get3A_341] {strides = array<i32>} : memref<2x8192xf32, #tpu.memory_space<vmem>>, vector<16xf32>,
            %sub3A_343 = vector.broadcast %mul3A_18 : i32 to vector<16xi32>
            %sub3A_344 = arith.subi %get3A_338, %sub3A_343 : vector<16xi32>
            %ge3A_345 = vector.broadcast %mul3A_18 : i32 to vector<16xi32>
            %ge3A_346 = arith.cmpi sge, %get3A_338, %ge3A_345 : vector<16xi32>
            %add3A_347 = arith.constant 65536 : i32
            %add3A_348 = arith.addi %mul3A_18, %add3A_347 : i32
            %lt3A_349 = vector.broadcast %add3A_348 : i32 to vector<16xi32>
            %lt3A_350 = arith.cmpi slt, %get3A_338, %lt3A_349 : vector<16xi32>
            %and3A_351 = arith.andi %ge3A_346, %lt3A_350 : vector<16xi1>
            %broadcast_in_dim3A_352 = vector.shape_cast %min3A_5 : vector<16xi32> to vector<16x1xi32>
            %gather3A_353 = vector.shape_cast %broadcast_in_dim3A_352 : vector<16x1xi32> to vector<16xi32>
            %gather3A_354 = tpu.dynamic_gather %get3A_338[%gather3A_353] in [0] : vector<16xi32>, vector<16xi32> -> vector<16xi32>
            %ne3A_355 = arith.cmpi ne, %get3A_338, %gather3A_354 : vector<16xi32>
            %or3A_356 = arith.ori %ne3A_355, %eq3A_7 : vector<16xi1>
            %and3A_357 = arith.andi %and3A_351, %or3A_356 : vector<16xi1>
            tpu.vector_store_idx %arg7[%sub3A_344], %get3A_342 masked %and3A_357 : memref<65536xf32, #tpu.memory_space<vmem>>[vector<16xi32>], vector<16xf32>, vector<16xi1>
            %mul3A_358 = arith.constant 8 : i32
            %mul3A_359 = arith.muli %while3A_159, %mul3A_358 : i32
            %add3A_360 = arith.constant 7 : i32
            %add3A_361 = arith.addi %mul3A_359, %add3A_360 : i32
            %mul3A_362 = arith.constant 16 : i32
            %mul3A_363 = arith.muli %add3A_361, %mul3A_362 : i32
            %get3A_364 = arith.constant 1 : i32
            %get3A_365 = arith.index_cast %get3A_364 : i32 to index
            %get3A_366 = arith.index_cast %mul3A_363 : i32 to index
            %get3A_367 = tpu.vector_load %arg8[%get3A_365, %get3A_366] {strides = array<i32>} : memref<2x8192xi32, #tpu.memory_space<vmem>>, vector<16xi32>,
            %get3A_368 = arith.constant 1 : i32
            %get3A_369 = arith.index_cast %get3A_368 : i32 to index
            %get3A_370 = arith.index_cast %mul3A_363 : i32 to index
            %get3A_371 = tpu.vector_load %arg9[%get3A_369, %get3A_370] {strides = array<i32>} : memref<2x8192xf32, #tpu.memory_space<vmem>>, vector<16xf32>,
            %sub3A_372 = vector.broadcast %mul3A_18 : i32 to vector<16xi32>
            %sub3A_373 = arith.subi %get3A_367, %sub3A_372 : vector<16xi32>
            %ge3A_374 = vector.broadcast %mul3A_18 : i32 to vector<16xi32>
            %ge3A_375 = arith.cmpi sge, %get3A_367, %ge3A_374 : vector<16xi32>
            %add3A_376 = arith.constant 65536 : i32
            %add3A_377 = arith.addi %mul3A_18, %add3A_376 : i32
            %lt3A_378 = vector.broadcast %add3A_377 : i32 to vector<16xi32>
            %lt3A_379 = arith.cmpi slt, %get3A_367, %lt3A_378 : vector<16xi32>
            %and3A_380 = arith.andi %ge3A_375, %lt3A_379 : vector<16xi1>
            %broadcast_in_dim3A_381 = vector.shape_cast %min3A_5 : vector<16xi32> to vector<16x1xi32>
            %gather3A_382 = vector.shape_cast %broadcast_in_dim3A_381 : vector<16x1xi32> to vector<16xi32>
            %gather3A_383 = tpu.dynamic_gather %get3A_367[%gather3A_382] in [0] : vector<16xi32>, vector<16xi32> -> vector<16xi32>
            %ne3A_384 = arith.cmpi ne, %get3A_367, %gather3A_383 : vector<16xi32>
            %or3A_385 = arith.ori %ne3A_384, %eq3A_7 : vector<16xi1>
            %and3A_386 = arith.andi %and3A_380, %or3A_385 : vector<16xi1>
            tpu.vector_store_idx %arg7[%sub3A_373], %get3A_371 masked %and3A_386 : memref<65536xf32, #tpu.memory_space<vmem>>[vector<16xi32>], vector<16xf32>, vector<16xi1>
          }
          %while3A_158 = arith.constant 1 : i32
          scf.for %while3A_159 = %while3A_156 to %while3A_152 step %while3A_158  : i32 {
            %mul3A_160 = arith.constant 8 : i32
            %mul3A_161 = arith.muli %while3A_159, %mul3A_160 : i32
            %add3A_162 = arith.constant 0 : i32
            %add3A_163 = arith.addi %mul3A_161, %add3A_162 : i32
            %mul3A_164 = arith.constant 16 : i32
            %mul3A_165 = arith.muli %add3A_163, %mul3A_164 : i32
            %get3A_166 = arith.constant 1 : i32
            %get3A_167 = arith.index_cast %get3A_166 : i32 to index
            %get3A_168 = arith.index_cast %mul3A_165 : i32 to index
            %get3A_169 = tpu.vector_load %arg8[%get3A_167, %get3A_168] {strides = array<i32>} : memref<2x8192xi32, #tpu.memory_space<vmem>>, vector<16xi32>,
            %get3A_170 = arith.constant 1 : i32
            %get3A_171 = arith.index_cast %get3A_170 : i32 to index
            %get3A_172 = arith.index_cast %mul3A_165 : i32 to index
            %get3A_173 = tpu.vector_load %arg9[%get3A_171, %get3A_172] {strides = array<i32>} : memref<2x8192xf32, #tpu.memory_space<vmem>>, vector<16xf32>,
            %sub3A_174 = vector.broadcast %mul3A_18 : i32 to vector<16xi32>
            %sub3A_175 = arith.subi %get3A_169, %sub3A_174 : vector<16xi32>
            %ge3A = vector.broadcast %mul3A_18 : i32 to vector<16xi32>
            %ge3A_176 = arith.cmpi sge, %get3A_169, %ge3A : vector<16xi32>
            %add3A_177 = arith.constant 65536 : i32
            %add3A_178 = arith.addi %mul3A_18, %add3A_177 : i32
            %lt3A_179 = vector.broadcast %add3A_178 : i32 to vector<16xi32>
            %lt3A_180 = arith.cmpi slt, %get3A_169, %lt3A_179 : vector<16xi32>
            %and3A_181 = arith.andi %ge3A_176, %lt3A_180 : vector<16xi1>
            %broadcast_in_dim3A = vector.shape_cast %min3A_5 : vector<16xi32> to vector<16x1xi32>
            %gather3A = vector.shape_cast %broadcast_in_dim3A : vector<16x1xi32> to vector<16xi32>
            %gather3A_182 = tpu.dynamic_gather %get3A_169[%gather3A] in [0] : vector<16xi32>, vector<16xi32> -> vector<16xi32>
            %ne3A = arith.cmpi ne, %get3A_169, %gather3A_182 : vector<16xi32>
            %or3A = arith.ori %ne3A, %eq3A_7 : vector<16xi1>
            %and3A_183 = arith.andi %and3A_181, %or3A : vector<16xi1>
            tpu.vector_store_idx %arg7[%sub3A_175], %get3A_173 masked %and3A_183 : memref<65536xf32, #tpu.memory_space<vmem>>[vector<16xi32>], vector<16xf32>, vector<16xi1>
            %mul3A_184 = arith.constant 8 : i32
            %mul3A_185 = arith.muli %while3A_159, %mul3A_184 : i32
            %add3A_186 = arith.constant 1 : i32
            %add3A_187 = arith.addi %mul3A_185, %add3A_186 : i32
            %mul3A_188 = arith.constant 16 : i32
            %mul3A_189 = arith.muli %add3A_187, %mul3A_188 : i32
            %get3A_190 = arith.constant 1 : i32
            %get3A_191 = arith.index_cast %get3A_190 : i32 to index
            %get3A_192 = arith.index_cast %mul3A_189 : i32 to index
            %get3A_193 = tpu.vector_load %arg8[%get3A_191, %get3A_192] {strides = array<i32>} : memref<2x8192xi32, #tpu.memory_space<vmem>>, vector<16xi32>,
            %get3A_194 = arith.constant 1 : i32
            %get3A_195 = arith.index_cast %get3A_194 : i32 to index
            %get3A_196 = arith.index_cast %mul3A_189 : i32 to index
            %get3A_197 = tpu.vector_load %arg9[%get3A_195, %get3A_196] {strides = array<i32>} : memref<2x8192xf32, #tpu.memory_space<vmem>>, vector<16xf32>,
            %sub3A_198 = vector.broadcast %mul3A_18 : i32 to vector<16xi32>
            %sub3A_199 = arith.subi %get3A_193, %sub3A_198 : vector<16xi32>
            %ge3A_200 = vector.broadcast %mul3A_18 : i32 to vector<16xi32>
            %ge3A_201 = arith.cmpi sge, %get3A_193, %ge3A_200 : vector<16xi32>
            %add3A_202 = arith.constant 65536 : i32
            %add3A_203 = arith.addi %mul3A_18, %add3A_202 : i32
            %lt3A_204 = vector.broadcast %add3A_203 : i32 to vector<16xi32>
            %lt3A_205 = arith.cmpi slt, %get3A_193, %lt3A_204 : vector<16xi32>
            %and3A_206 = arith.andi %ge3A_201, %lt3A_205 : vector<16xi1>
            %broadcast_in_dim3A_207 = vector.shape_cast %min3A_5 : vector<16xi32> to vector<16x1xi32>
            %gather3A_208 = vector.shape_cast %broadcast_in_dim3A_207 : vector<16x1xi32> to vector<16xi32>
            %gather3A_209 = tpu.dynamic_gather %get3A_193[%gather3A_208] in [0] : vector<16xi32>, vector<16xi32> -> vector<16xi32>
            %ne3A_210 = arith.cmpi ne, %get3A_193, %gather3A_209 : vector<16xi32>
            %or3A_211 = arith.ori %ne3A_210, %eq3A_7 : vector<16xi1>
            %and3A_212 = arith.andi %and3A_206, %or3A_211 : vector<16xi1>
            tpu.vector_store_idx %arg7[%sub3A_199], %get3A_197 masked %and3A_212 : memref<65536xf32, #tpu.memory_space<vmem>>[vector<16xi32>], vector<16xf32>, vector<16xi1>
            %mul3A_213 = arith.constant 8 : i32
            %mul3A_214 = arith.muli %while3A_159, %mul3A_213 : i32
            %add3A_215 = arith.constant 2 : i32
            %add3A_216 = arith.addi %mul3A_214, %add3A_215 : i32
            %mul3A_217 = arith.constant 16 : i32
            %mul3A_218 = arith.muli %add3A_216, %mul3A_217 : i32
            %get3A_219 = arith.constant 1 : i32
            %get3A_220 = arith.index_cast %get3A_219 : i32 to index
            %get3A_221 = arith.index_cast %mul3A_218 : i32 to index
            %get3A_222 = tpu.vector_load %arg8[%get3A_220, %get3A_221] {strides = array<i32>} : memref<2x8192xi32, #tpu.memory_space<vmem>>, vector<16xi32>,
            %get3A_223 = arith.constant 1 : i32
            %get3A_224 = arith.index_cast %get3A_223 : i32 to index
            %get3A_225 = arith.index_cast %mul3A_218 : i32 to index
            %get3A_226 = tpu.vector_load %arg9[%get3A_224, %get3A_225] {strides = array<i32>} : memref<2x8192xf32, #tpu.memory_space<vmem>>, vector<16xf32>,
            %sub3A_227 = vector.broadcast %mul3A_18 : i32 to vector<16xi32>
            %sub3A_228 = arith.subi %get3A_222, %sub3A_227 : vector<16xi32>
            %ge3A_229 = vector.broadcast %mul3A_18 : i32 to vector<16xi32>
            %ge3A_230 = arith.cmpi sge, %get3A_222, %ge3A_229 : vector<16xi32>
            %add3A_231 = arith.constant 65536 : i32
            %add3A_232 = arith.addi %mul3A_18, %add3A_231 : i32
            %lt3A_233 = vector.broadcast %add3A_232 : i32 to vector<16xi32>
            %lt3A_234 = arith.cmpi slt, %get3A_222, %lt3A_233 : vector<16xi32>
            %and3A_235 = arith.andi %ge3A_230, %lt3A_234 : vector<16xi1>
            %broadcast_in_dim3A_236 = vector.shape_cast %min3A_5 : vector<16xi32> to vector<16x1xi32>
            %gather3A_237 = vector.shape_cast %broadcast_in_dim3A_236 : vector<16x1xi32> to vector<16xi32>
            %gather3A_238 = tpu.dynamic_gather %get3A_222[%gather3A_237] in [0] : vector<16xi32>, vector<16xi32> -> vector<16xi32>
            %ne3A_239 = arith.cmpi ne, %get3A_222, %gather3A_238 : vector<16xi32>
            %or3A_240 = arith.ori %ne3A_239, %eq3A_7 : vector<16xi1>
            %and3A_241 = arith.andi %and3A_235, %or3A_240 : vector<16xi1>
            tpu.vector_store_idx %arg7[%sub3A_228], %get3A_226 masked %and3A_241 : memref<65536xf32, #tpu.memory_space<vmem>>[vector<16xi32>], vector<16xf32>, vector<16xi1>
            %mul3A_242 = arith.constant 8 : i32
            %mul3A_243 = arith.muli %while3A_159, %mul3A_242 : i32
            %add3A_244 = arith.constant 3 : i32
            %add3A_245 = arith.addi %mul3A_243, %add3A_244 : i32
            %mul3A_246 = arith.constant 16 : i32
            %mul3A_247 = arith.muli %add3A_245, %mul3A_246 : i32
            %get3A_248 = arith.constant 1 : i32
            %get3A_249 = arith.index_cast %get3A_248 : i32 to index
            %get3A_250 = arith.index_cast %mul3A_247 : i32 to index
            %get3A_251 = tpu.vector_load %arg8[%get3A_249, %get3A_250] {strides = array<i32>} : memref<2x8192xi32, #tpu.memory_space<vmem>>, vector<16xi32>,
            %get3A_252 = arith.constant 1 : i32
            %get3A_253 = arith.index_cast %get3A_252 : i32 to index
            %get3A_254 = arith.index_cast %mul3A_247 : i32 to index
            %get3A_255 = tpu.vector_load %arg9[%get3A_253, %get3A_254] {strides = array<i32>} : memref<2x8192xf32, #tpu.memory_space<vmem>>, vector<16xf32>,
            %sub3A_256 = vector.broadcast %mul3A_18 : i32 to vector<16xi32>
            %sub3A_257 = arith.subi %get3A_251, %sub3A_256 : vector<16xi32>
            %ge3A_258 = vector.broadcast %mul3A_18 : i32 to vector<16xi32>
            %ge3A_259 = arith.cmpi sge, %get3A_251, %ge3A_258 : vector<16xi32>
            %add3A_260 = arith.constant 65536 : i32
            %add3A_261 = arith.addi %mul3A_18, %add3A_260 : i32
            %lt3A_262 = vector.broadcast %add3A_261 : i32 to vector<16xi32>
            %lt3A_263 = arith.cmpi slt, %get3A_251, %lt3A_262 : vector<16xi32>
            %and3A_264 = arith.andi %ge3A_259, %lt3A_263 : vector<16xi1>
            %broadcast_in_dim3A_265 = vector.shape_cast %min3A_5 : vector<16xi32> to vector<16x1xi32>
            %gather3A_266 = vector.shape_cast %broadcast_in_dim3A_265 : vector<16x1xi32> to vector<16xi32>
            %gather3A_267 = tpu.dynamic_gather %get3A_251[%gather3A_266] in [0] : vector<16xi32>, vector<16xi32> -> vector<16xi32>
            %ne3A_268 = arith.cmpi ne, %get3A_251, %gather3A_267 : vector<16xi32>
            %or3A_269 = arith.ori %ne3A_268, %eq3A_7 : vector<16xi1>
            %and3A_270 = arith.andi %and3A_264, %or3A_269 : vector<16xi1>
            tpu.vector_store_idx %arg7[%sub3A_257], %get3A_255 masked %and3A_270 : memref<65536xf32, #tpu.memory_space<vmem>>[vector<16xi32>], vector<16xf32>, vector<16xi1>
            %mul3A_271 = arith.constant 8 : i32
            %mul3A_272 = arith.muli %while3A_159, %mul3A_271 : i32
            %add3A_273 = arith.constant 4 : i32
            %add3A_274 = arith.addi %mul3A_272, %add3A_273 : i32
            %mul3A_275 = arith.constant 16 : i32
            %mul3A_276 = arith.muli %add3A_274, %mul3A_275 : i32
            %get3A_277 = arith.constant 1 : i32
            %get3A_278 = arith.index_cast %get3A_277 : i32 to index
            %get3A_279 = arith.index_cast %mul3A_276 : i32 to index
            %get3A_280 = tpu.vector_load %arg8[%get3A_278, %get3A_279] {strides = array<i32>} : memref<2x8192xi32, #tpu.memory_space<vmem>>, vector<16xi32>,
            %get3A_281 = arith.constant 1 : i32
            %get3A_282 = arith.index_cast %get3A_281 : i32 to index
            %get3A_283 = arith.index_cast %mul3A_276 : i32 to index
            %get3A_284 = tpu.vector_load %arg9[%get3A_282, %get3A_283] {strides = array<i32>} : memref<2x8192xf32, #tpu.memory_space<vmem>>, vector<16xf32>,
            %sub3A_285 = vector.broadcast %mul3A_18 : i32 to vector<16xi32>
            %sub3A_286 = arith.subi %get3A_280, %sub3A_285 : vector<16xi32>
            %ge3A_287 = vector.broadcast %mul3A_18 : i32 to vector<16xi32>
            %ge3A_288 = arith.cmpi sge, %get3A_280, %ge3A_287 : vector<16xi32>
            %add3A_289 = arith.constant 65536 : i32
            %add3A_290 = arith.addi %mul3A_18, %add3A_289 : i32
            %lt3A_291 = vector.broadcast %add3A_290 : i32 to vector<16xi32>
            %lt3A_292 = arith.cmpi slt, %get3A_280, %lt3A_291 : vector<16xi32>
            %and3A_293 = arith.andi %ge3A_288, %lt3A_292 : vector<16xi1>
            %broadcast_in_dim3A_294 = vector.shape_cast %min3A_5 : vector<16xi32> to vector<16x1xi32>
            %gather3A_295 = vector.shape_cast %broadcast_in_dim3A_294 : vector<16x1xi32> to vector<16xi32>
            %gather3A_296 = tpu.dynamic_gather %get3A_280[%gather3A_295] in [0] : vector<16xi32>, vector<16xi32> -> vector<16xi32>
            %ne3A_297 = arith.cmpi ne, %get3A_280, %gather3A_296 : vector<16xi32>
            %or3A_298 = arith.ori %ne3A_297, %eq3A_7 : vector<16xi1>
            %and3A_299 = arith.andi %and3A_293, %or3A_298 : vector<16xi1>
            tpu.vector_store_idx %arg7[%sub3A_286], %get3A_284 masked %and3A_299 : memref<65536xf32, #tpu.memory_space<vmem>>[vector<16xi32>], vector<16xf32>, vector<16xi1>
            %mul3A_300 = arith.constant 8 : i32
            %mul3A_301 = arith.muli %while3A_159, %mul3A_300 : i32
            %add3A_302 = arith.constant 5 : i32
            %add3A_303 = arith.addi %mul3A_301, %add3A_302 : i32
            %mul3A_304 = arith.constant 16 : i32
            %mul3A_305 = arith.muli %add3A_303, %mul3A_304 : i32
            %get3A_306 = arith.constant 1 : i32
            %get3A_307 = arith.index_cast %get3A_306 : i32 to index
            %get3A_308 = arith.index_cast %mul3A_305 : i32 to index
            %get3A_309 = tpu.vector_load %arg8[%get3A_307, %get3A_308] {strides = array<i32>} : memref<2x8192xi32, #tpu.memory_space<vmem>>, vector<16xi32>,
            %get3A_310 = arith.constant 1 : i32
            %get3A_311 = arith.index_cast %get3A_310 : i32 to index
            %get3A_312 = arith.index_cast %mul3A_305 : i32 to index
            %get3A_313 = tpu.vector_load %arg9[%get3A_311, %get3A_312] {strides = array<i32>} : memref<2x8192xf32, #tpu.memory_space<vmem>>, vector<16xf32>,
            %sub3A_314 = vector.broadcast %mul3A_18 : i32 to vector<16xi32>
            %sub3A_315 = arith.subi %get3A_309, %sub3A_314 : vector<16xi32>
            %ge3A_316 = vector.broadcast %mul3A_18 : i32 to vector<16xi32>
            %ge3A_317 = arith.cmpi sge, %get3A_309, %ge3A_316 : vector<16xi32>
            %add3A_318 = arith.constant 65536 : i32
            %add3A_319 = arith.addi %mul3A_18, %add3A_318 : i32
            %lt3A_320 = vector.broadcast %add3A_319 : i32 to vector<16xi32>
            %lt3A_321 = arith.cmpi slt, %get3A_309, %lt3A_320 : vector<16xi32>
            %and3A_322 = arith.andi %ge3A_317, %lt3A_321 : vector<16xi1>
            %broadcast_in_dim3A_323 = vector.shape_cast %min3A_5 : vector<16xi32> to vector<16x1xi32>
            %gather3A_324 = vector.shape_cast %broadcast_in_dim3A_323 : vector<16x1xi32> to vector<16xi32>
            %gather3A_325 = tpu.dynamic_gather %get3A_309[%gather3A_324] in [0] : vector<16xi32>, vector<16xi32> -> vector<16xi32>
            %ne3A_326 = arith.cmpi ne, %get3A_309, %gather3A_325 : vector<16xi32>
            %or3A_327 = arith.ori %ne3A_326, %eq3A_7 : vector<16xi1>
            %and3A_328 = arith.andi %and3A_322, %or3A_327 : vector<16xi1>
            tpu.vector_store_idx %arg7[%sub3A_315], %get3A_313 masked %and3A_328 : memref<65536xf32, #tpu.memory_space<vmem>>[vector<16xi32>], vector<16xf32>, vector<16xi1>
            %mul3A_329 = arith.constant 8 : i32
            %mul3A_330 = arith.muli %while3A_159, %mul3A_329 : i32
            %add3A_331 = arith.constant 6 : i32
            %add3A_332 = arith.addi %mul3A_330, %add3A_331 : i32
            %mul3A_333 = arith.constant 16 : i32
            %mul3A_334 = arith.muli %add3A_332, %mul3A_333 : i32
            %get3A_335 = arith.constant 1 : i32
            %get3A_336 = arith.index_cast %get3A_335 : i32 to index
            %get3A_337 = arith.index_cast %mul3A_334 : i32 to index
            %get3A_338 = tpu.vector_load %arg8[%get3A_336, %get3A_337] {strides = array<i32>} : memref<2x8192xi32, #tpu.memory_space<vmem>>, vector<16xi32>,
            %get3A_339 = arith.constant 1 : i32
            %get3A_340 = arith.index_cast %get3A_339 : i32 to index
            %get3A_341 = arith.index_cast %mul3A_334 : i32 to index
            %get3A_342 = tpu.vector_load %arg9[%get3A_340, %get3A_341] {strides = array<i32>} : memref<2x8192xf32, #tpu.memory_space<vmem>>, vector<16xf32>,
            %sub3A_343 = vector.broadcast %mul3A_18 : i32 to vector<16xi32>
            %sub3A_344 = arith.subi %get3A_338, %sub3A_343 : vector<16xi32>
            %ge3A_345 = vector.broadcast %mul3A_18 : i32 to vector<16xi32>
            %ge3A_346 = arith.cmpi sge, %get3A_338, %ge3A_345 : vector<16xi32>
            %add3A_347 = arith.constant 65536 : i32
            %add3A_348 = arith.addi %mul3A_18, %add3A_347 : i32
            %lt3A_349 = vector.broadcast %add3A_348 : i32 to vector<16xi32>
            %lt3A_350 = arith.cmpi slt, %get3A_338, %lt3A_349 : vector<16xi32>
            %and3A_351 = arith.andi %ge3A_346, %lt3A_350 : vector<16xi1>
            %broadcast_in_dim3A_352 = vector.shape_cast %min3A_5 : vector<16xi32> to vector<16x1xi32>
            %gather3A_353 = vector.shape_cast %broadcast_in_dim3A_352 : vector<16x1xi32> to vector<16xi32>
            %gather3A_354 = tpu.dynamic_gather %get3A_338[%gather3A_353] in [0] : vector<16xi32>, vector<16xi32> -> vector<16xi32>
            %ne3A_355 = arith.cmpi ne, %get3A_338, %gather3A_354 : vector<16xi32>
            %or3A_356 = arith.ori %ne3A_355, %eq3A_7 : vector<16xi1>
            %and3A_357 = arith.andi %and3A_351, %or3A_356 : vector<16xi1>
            tpu.vector_store_idx %arg7[%sub3A_344], %get3A_342 masked %and3A_357 : memref<65536xf32, #tpu.memory_space<vmem>>[vector<16xi32>], vector<16xf32>, vector<16xi1>
            %mul3A_358 = arith.constant 8 : i32
            %mul3A_359 = arith.muli %while3A_159, %mul3A_358 : i32
            %add3A_360 = arith.constant 7 : i32
            %add3A_361 = arith.addi %mul3A_359, %add3A_360 : i32
            %mul3A_362 = arith.constant 16 : i32
            %mul3A_363 = arith.muli %add3A_361, %mul3A_362 : i32
            %get3A_364 = arith.constant 1 : i32
            %get3A_365 = arith.index_cast %get3A_364 : i32 to index
            %get3A_366 = arith.index_cast %mul3A_363 : i32 to index
            %get3A_367 = tpu.vector_load %arg8[%get3A_365, %get3A_366] {strides = array<i32>} : memref<2x8192xi32, #tpu.memory_space<vmem>>, vector<16xi32>,
            %get3A_368 = arith.constant 1 : i32
            %get3A_369 = arith.index_cast %get3A_368 : i32 to index
            %get3A_370 = arith.index_cast %mul3A_363 : i32 to index
            %get3A_371 = tpu.vector_load %arg9[%get3A_369, %get3A_370] {strides = array<i32>} : memref<2x8192xf32, #tpu.memory_space<vmem>>, vector<16xf32>,
            %sub3A_372 = vector.broadcast %mul3A_18 : i32 to vector<16xi32>
            %sub3A_373 = arith.subi %get3A_367, %sub3A_372 : vector<16xi32>
            %ge3A_374 = vector.broadcast %mul3A_18 : i32 to vector<16xi32>
            %ge3A_375 = arith.cmpi sge, %get3A_367, %ge3A_374 : vector<16xi32>
            %add3A_376 = arith.constant 65536 : i32
            %add3A_377 = arith.addi %mul3A_18, %add3A_376 : i32
            %lt3A_378 = vector.broadcast %add3A_377 : i32 to vector<16xi32>
            %lt3A_379 = arith.cmpi slt, %get3A_367, %lt3A_378 : vector<16xi32>
            %and3A_380 = arith.andi %ge3A_375, %lt3A_379 : vector<16xi1>
            %broadcast_in_dim3A_381 = vector.shape_cast %min3A_5 : vector<16xi32> to vector<16x1xi32>
            %gather3A_382 = vector.shape_cast %broadcast_in_dim3A_381 : vector<16x1xi32> to vector<16xi32>
            %gather3A_383 = tpu.dynamic_gather %get3A_367[%gather3A_382] in [0] : vector<16xi32>, vector<16xi32> -> vector<16xi32>
            %ne3A_384 = arith.cmpi ne, %get3A_367, %gather3A_383 : vector<16xi32>
            %or3A_385 = arith.ori %ne3A_384, %eq3A_7 : vector<16xi1>
            %and3A_386 = arith.andi %and3A_380, %or3A_385 : vector<16xi1>
            tpu.vector_store_idx %arg7[%sub3A_373], %get3A_371 masked %and3A_386 : memref<65536xf32, #tpu.memory_space<vmem>>[vector<16xi32>], vector<16xf32>, vector<16xi1>
          }
        } else {
        }
      }
      "tpu.region"() ({
        %run_scoped3A = tpu.sem_alloc : memref<!tpu.dma_semaphore, #tpu.memory_space<semaphore_mem>>
        %dma_start3A_42 = tpu.memref_slice %arg6[%mul3A_18] : memref<33554432xf32, #tpu.memory_space<hbm>> -> memref<65536xf32, #tpu.memory_space<hbm>>
        %dma_start3A_43 = tpu.memref_slice %arg6[%mul3A_18] : memref<33554432xf32, #tpu.memory_space<hbm>> -> memref<65536xf32, #tpu.memory_space<hbm>>
        tpu.enqueue_dma source(%arg7 : memref<65536xf32, #tpu.memory_space<vmem>>) target(%dma_start3A_43 : memref<65536xf32, #tpu.memory_space<hbm>>) target_semaphore(%run_scoped3A : memref<!tpu.dma_semaphore, #tpu.memory_space<semaphore_mem>>)
        %dma_wait3A_44 = tpu.memref_slice %arg6[%mul3A_18] : memref<33554432xf32, #tpu.memory_space<hbm>> -> memref<65536xf32, #tpu.memory_space<hbm>>
        %dma_wait3A_45 = tpu.memref_slice %arg6[%mul3A_18] : memref<33554432xf32, #tpu.memory_space<hbm>> -> memref<65536xf32, #tpu.memory_space<hbm>>
        tpu.wait_dma2 semaphore(%run_scoped3A : memref<!tpu.dma_semaphore, #tpu.memory_space<semaphore_mem>>) src(%arg7 : memref<65536xf32, #tpu.memory_space<vmem>>) dst(%dma_wait3A_45 : memref<65536xf32, #tpu.memory_space<hbm>>)
        tpu.yield
      }) : () -> ()
    }
    %scan3A_12 = arith.constant 16 : i32
    return
  }
}

</mosaic_0001>

<sc_bundles>
// kernel: kernel.3.cloned.1.call-start
scs
__scs_entry_jumppad:
0x0: {  	(pc) =	sbr.rel $0x88, $3  }
0x1: {  	(tag) =	ssettag $0x0;
	lr =	simm.s32 $0x1  }
0x2: {  	[smem:$0x3F9E] =	sst lr;
	_ =	strace $0xD0000000  }
0x3: {  	_ = 	snop  }
0x4: {  	_ = 	snop  }
0x5: {  	_ = 	snop  }
0x6: {  	_ = 	snop  }
0x7: {  	_ = 	snop  }
__scs_overlays_trampoline_lowered:
0x8: {  	[smem:$0x3FAD] =	sst s0  }
0x9: {  	[smem:$0x3FAE] =	sst s1  }
0xa: {  	[smem:$0x3FAF] =	sst s2  }
0xb: {  	[smem:$0x3FB0] =	sst s3  }
0xc: {  	[smem:$0x3FB1] =	sst s4  }
0xd: {  	[smem:$0x3FB2] =	sst s5  }
0xe: {  	[smem:$0x3FB3] =	sst s6  }
0xf: {  	[smem:$0x3FB4] =	sst s7  }
0x10: {  	[smem:$0x3FB5] =	sst s8  }
0x11: {  	[smem:$0x3FB6] =	sst s9;
	s0 =	simm.s32 @!p0 $0x0  }
0x12: {  	s1 =	sld [smem:$0x3F9C];
	s0 =	simm.s32 @p0 $0x1  }
0x13: {  	[smem:$0x3FB7] =	sst s0;
	s0 =	simm.s32 @!p1 $0x0  }
0x14: {  	s2 =	sld [smem:$0x3F9B];
	s0 =	simm.s32 @p1 $0x1  }
0x15: {  	[smem:$0x3FB8] =	sst s0;
	s0 =	simm.s32 @!p2 $0x0  }
0x16: {  	s3 =	sld [smem:$0x3FDB];
	s0 =	simm.s32 @p2 $0x1  }
0x17: {  	s4 =	simm.s32 $0x1BF5;
	[smem:$0x3FBA] =	sst s0  }
0x18: {  	s0 =	sld [smem:$0x3F9D];
	_ =	swait.ge [sflag:s4], $0x0  }
0x19: {  	s7 =	sld [smem:$0x3F9E]  }
0x1a: {  	s8 =	sadd.s32 $0xFFFFE003, lr  }
0x1b: {  	s9 =	sadd.s32 $0xFFFFFEF7, lr;
	s5 =	simm.s32 $0xFFFFFFFF;
	p2 =	slt.u32 s8, $0xFFFFF086  }
0x1c: {  	p1 =	slt.u32 s9, $0xF7A;
	s5 =	simm.s32 @!p2 $0x0  }
0x1d: {  	s5 =	simm.s32 @p1 $0x1;
	p0 =	seq.s32 s7, s2  }
0x1e: {  	s7 =	smul.u32 @!p0 $0xF7A, s2;
	p2 =	seq.s32 @!p0 s5, $0x0  }
0x1f: {  	s9 =	smul.u32 $0xF7A, s1;
	s8 =	simm.s32 @!p0 $0x1BF5;
	p2 =	por !p2, p0  }
0x20: {  	[sflag:s8] =	ssyncset.s32 @!p0 $0xFFFFF086;
	s6 =	sadd.s32 @!p0 s3, s7;
	s7 =	simm.s32 @!p0 $0x108  }
0x21: {  	s3 =	sadd.s32 s3, s9;
	s6 =	sadd.s32 @!p0 $0x88, s6;
	s7 =	simm.s32 @p2 $0x1082  }
0x22: {  	[simem:s7], [sflag:s8] =	dma.local @!p0 [hbm:s6], $0xF7A  }
0x23: {  	s9 =	sor.u32 $0xD0000000, s2;
	s6 =	simm.s32 $0x108;
	_ =	swait.ge @!p0 [sflag:s8], $0x0  }
0x24: {  	s3 =	sadd.s32 $0x88, s3;
	s6 =	simm.s32 @!p1 $0x1082;
	[sflag:s4] =	ssyncset.s32 $0xFFFFF086  }
0x25: {  	[simem:s6], [sflag:s4] =	dma.local [hbm:s3], $0xF7A  }
0x26: {  	[smem:$0x3F9E] =	sst s1;
	(tag) =	ssettag s2;
	_ =	strace s9  }
0x27: {  	s1 =	sld [smem:$0x3FAE]  }
0x28: {  	s2 =	sld [smem:$0x3FAF]  }
0x29: {  	s4 =	sld [smem:$0x3FB1]  }
0x2a: {  	p0 =	seq.s32 s5, $0x0;
	s5 =	sld [smem:$0x3FB2]  }
0x2b: {  	s6 =	sld [smem:$0x3FB3]  }
0x2c: {  	s7 =	sld [smem:$0x3FB4]  }
0x2d: {  	s3 =	simm.s32 $0x108;
	s8 =	sld [smem:$0x3FB5]  }
0x2e: {  	s3 =	simm.s32 @!p0 $0x1082;
	s9 =	sld [smem:$0x3FB6]  }
0x2f: {  	lr =	sadd.s32 s0, s3;
	s0 =	sld [smem:$0x3FAD]  }
0x30: {  	s3 =	sld [smem:$0x3FB0]  }
0x31: {  	[smem:$0x3FB9] =	sst s10  }
0x32: {  	s10 =	sld [smem:$0x3FB7];
	_ =	sdelay $0x3  }
0x33: {  	p0 =	seq.s32 s10, $0x1;
	s10 =	sld [smem:$0x3FB9];
	_ =	sdelay $0x3  }
0x34: {  	[smem:$0x3FB9] =	sst s10  }
0x35: {  	s10 =	sld [smem:$0x3FB8];
	_ =	sdelay $0x3  }
0x36: {  	p1 =	seq.s32 s10, $0x1;
	s10 =	sld [smem:$0x3FB9];
	_ =	sdelay $0x3  }
0x37: {  	[smem:$0x3FB9] =	sst s10  }
0x38: {  	s10 =	sld [smem:$0x3FBA]  }
0x39: {  	_ = 	snop;
	(pc) =	sbr.ind lr, $3  }
0x3a: {  	_ = 	snop  }
0x3b: {  	_ = 	snop  }
0x3c: {  	p2 =	seq.s32 s10, $0x1;
	s10 =	sld [smem:$0x3FB9]  }
0x3d: {  	_ =	shalt  }
0x3e: {  	_ =	shalt  }
0x3f: {  	_ =	shalt  }
0x40: {  	_ =	shalt  }
0x41: {  	_ =	shalt  }
0x42: {  	_ =	shalt  }
0x43: {  	_ =	shalt  }
0x44: {  	_ =	shalt  }
0x45: {  	_ =	shalt  }
0x46: {  	_ =	shalt  }
0x47: {  	_ =	shalt  }
0x48: {  	_ =	shalt  }
0x49: {  	_ =	shalt  }
0x4a: {  	_ =	shalt  }
0x4b: {  	_ =	shalt  }
0x4c: {  	_ =	shalt  }
0x4d: {  	_ =	shalt  }
0x4e: {  	_ =	shalt  }
0x4f: {  	_ =	shalt  }
0x50: {  	_ =	shalt  }
0x51: {  	_ =	shalt  }
0x52: {  	_ =	shalt  }
0x53: {  	_ =	shalt  }
0x54: {  	_ =	shalt  }
0x55: {  	_ =	shalt  }
0x56: {  	_ =	shalt  }
0x57: {  	_ =	shalt  }
0x58: {  	_ =	shalt  }
0x59: {  	_ =	shalt  }
0x5a: {  	_ =	shalt  }
0x5b: {  	_ =	shalt  }
0x5c: {  	_ =	shalt  }
0x5d: {  	_ =	shalt  }
0x5e: {  	_ =	shalt  }
0x5f: {  	_ =	shalt  }
0x60: {  	_ =	shalt  }
0x61: {  	_ =	shalt  }
0x62: {  	_ =	shalt  }
0x63: {  	_ =	shalt  }
0x64: {  	_ =	shalt  }
0x65: {  	_ =	shalt  }
0x66: {  	_ =	shalt  }
0x67: {  	_ =	shalt  }
0x68: {  	_ =	shalt  }
0x69: {  	_ =	shalt  }
0x6a: {  	_ =	shalt  }
0x6b: {  	_ =	shalt  }
0x6c: {  	_ =	shalt  }
0x6d: {  	_ =	shalt  }
0x6e: {  	_ =	shalt  }
0x6f: {  	_ =	shalt  }
0x70: {  	_ =	shalt  }
0x71: {  	_ =	shalt  }
0x72: {  	_ =	shalt  }
0x73: {  	_ =	shalt  }
0x74: {  	_ =	shalt  }
0x75: {  	_ =	shalt  }
0x76: {  	_ =	shalt  }
0x77: {  	_ =	shalt  }
0x78: {  	_ =	shalt  }
0x79: {  	_ =	shalt  }
0x7a: {  	_ =	shalt  }
0x7b: {  	_ =	shalt  }
0x7c: {  	_ =	shalt  }
0x7d: {  	_ =	shalt  }
0x7e: {  	_ =	shalt  }
0x7f: {  	_ =	shalt  }
0x80: {  	_ =	shalt  }
0x81: {  	_ =	shalt  }
0x82: {  	_ =	shalt  }
0x83: {  	_ =	shalt  }
0x84: {  	_ =	shalt  }
0x85: {  	_ =	shalt  }
0x86: {  	_ =	shalt  }
0x87: {  	_ =	shalt  }
.Lfunc_end0:
.L_simem_size_0:
called_computation.3_lowered:
.L_overlay_start_0:
0x88: {  	s2 =	sld [smem:$0x3FD9]  }
0x89: {  	s3 =	sld [smem:$0x3FFE];
	_ =	sdelay $0x1  }
0x8a: {  	s1 =	srdreg.scid  }
0x8b: {  	s0 =	sand.u32 $0x1, s1  }
0x8c: {  	s17 =	sshll.u32 s0, $0xA;
	s2 =	sadd.s32 s3, s2  }
0x8d: {  	s2 =	sadd.s32 s2, s17  }
0x8e: {  	[smem:$0x3FC5] =	sst s2  }
0x8f: {  	_ = 	snop  }
0x90: {  	s2 =	sld [smem:$0x3FD0];
	(tm) =	ssettm $0x1  }
0x91: {  	s18 =	sld [smem:$0x3FFB];
	_ =	sdelay $0x3  }
0x92: {  	_ =	strace s18  }
0x93: {  	s3 =	sld [smem:$0x3FFC];
	_ =	sdelay $0x3  }
0x94: {  	_ =	strace s3  }
0x95: {  	s3 =	sld [smem:$0x3FFD];
	_ =	sdelay $0x3  }
0x96: {  	_ =	strace s3  }
0x97: {  	_ =	strace $0x8FFFFFFF  }
0x98: {  	s19 =	sld [smem:$0x3FDB];
	_ =	sdelay $0x1  }
0x99: {  	s4 =	simm.s32 $_scs_section_size  }
0x9a: {  	s5 =	simm.s32 $_size__tile_overlayer_lowered;
	s6 =	simm.s32 $_tile_overlayer_lowered  }
0x9b: {  	s22 =	simm.s32 $0x1BFF;
	s21 =	sshll.u32 s6, $0x1;
	s3 =	sadd.s32 s4, s19  }
0x9c: {  	s7 =	simm.s32 $0x0;
	s20 =	sshll.u32 s5, $0x1;
	s5 =	sadd.s32 s21, s3  }
0x9d: {  	[timem:s7], [sflag:s22] =	dma.local [hbm:s5], s20  }
0x9e: {  	_ =	swait.ge [sflag:s22], s20  }
0x9f: {  	s4 =	ssub.s32 $0x0, s20;
	[sflag:s22] =	ssyncset.done $0x0  }
0xa0: {  	[sflag:s22] =	ssyncadd.s32 s4;
	_ =	sdelay $0x1  }
0xa1: {  	s23 =	simm.s32 $0x1B8B  }
0xa2: {  	_ =	swait.ge [sflag:s23], $0x1  }
0xa3: {  	[sflag:s23] =	ssyncset.done $0x0  }
0xa4: {  	s25 =	simm.s32 $0x1B8E;
	s24 =	sld [smem:$0x3FFE];
	[sflag:s23] =	ssyncadd.s32 $0xFFFFFFFF  }
0xa5: {  	s26 =	simm.s32 $execute0_lowered;
	[smem:$0x3FD2] =	sst s25  }
0xa6: {  	s5 =	sshll.u32 s26, $0x1;
	_ =	strace $0x8000004F;
	[dreg:$0x1] =	wrdreg $0xFFFFFFFF  }
0xa7: {  	s28 =	simm.s32 $_size_execute0_lowered;
	s3 =	sadd.s32 s3, s5;
	[dreg:$0x0] =	wrdreg $0x0  }
0xa8: {  	s5 =	sshll.u32 s28, $0x1;
	[dreg:$0x2] =	wrdreg s3  }
0xa9: {  	[dreg:$0x3] =	wrdreg s5  }
0xaa: {  	[dreg:$0x4] =	wrdreg $0xC0  }
0xab: {  	_ =	task [dreg:s7], $0x5FFFF  }
0xac: {  	[dreg:$0x1] =	wrdreg $0xFFFFFFFF  }
0xad: {  	[dreg:$0x0] =	wrdreg $0x60  }
0xae: {  	[dreg:$0x2] =	wrdreg s24  }
0xaf: {  	[dreg:$0x3] =	wrdreg s2  }
0xb0: {  	[dreg:$0x4] =	wrdreg $0x9  }
0xb1: {  	_ =	task.clear_ibuf [dreg:s7], $0x5FFFF;
	_ =	strace $0x9000004F  }
0xb2: {  	s29 =	simm.s32 $0x9;
	_ =	strace $0x80000051  }
0xb3: {  	_ =	swait.ge [sflag:s29], $0x1  }
0xb4: {  	[sflag:s29] =	ssyncadd.s32 $0xFFFFFFFF  }
0xb5: {  	_ =	strace $0x90000051  }
0xb6: {  	_ =	sfence  }
0xb7: {  	s30 =	sld [smem:$0x0];
	_ =	sdelay $0x2  }
0xb8: {  	s31 =	sshll.u32 s1, $0xD;
	s1 =	sshrl.u32 s1, $0x2  }
0xb9: {  	s3 =	sand.u32 $0x4000, s31;
	s1 =	sadd.s32 s1, s30  }
0xba: {  	s0 =	sor.u32 s3, s0;
	s1 =	sshll.u32 s1, $0x11  }
0xbb: {  	s0 =	sor.u32 s1, s0  }
0xbc: {  	s0 =	sadd.s32 $0x8F2B, s0  }
0xbd: {  	[sflag:s0] =	ssyncadd.remote.s32 $0x1  }
0xbe: {  	_ =	sfence.sel $0xFFFF  }
0xbf: {  	[dreg:$0x0] =	wrdreg $0xFFFFFFFF;
	(pc) =	sbr.abs _section_cstart, $3  }
0xc0: {  	[dreg:$0x1] =	wrdreg $0xFFFFFFFF  }
0xc1: {  	_ =	task.clear_ibuf [dreg:s7], $0x2FFFF;
	_ =	strace $0x9FFFFFFF  }
0xc2: {  	(tm) =	ssettm $0x7FFFFFFF  }
0xc3: {  	_ =	shalt  }
tec
execute0_lowered:
.L_overlay_start_1:
0x0: {  	(tag) =	ssettag $0x1  }
0x1: {  	s7 =	rddreg [dreg:$0x0]  }
0x2: {  	s1 =	rddreg [dreg:$0x1]  }
0x3: {  	s0 =	rddreg [dreg:$0x2]  }
0x4: {  	s2 =	simm.s32 $0x0;
	s3 =	srdreg.scid;
	v0 =	vimm.s32 $0xFFEDCBA9;
	v1 =	vimm.s32 $0x87654321;
	s11 =	simm.s32 $0x6  }
0x5: {  	s12 =	simm.s32 $0x1;
	s13 =	simm.s32 $0x2;
	s14 =	simm.s32 $0x3;
	v0 =	vunpack.c.l.s4.s8 v0;
	v1 =	vunpack.c.l.s4.s8 v1  }
0x6: {  	s15 =	simm.s32 $0x0;
	[smem:$0x7FF] =	sst s2;
	s8 =	sand.u32 $0x1, s3  }
.Ltmp0:
0x7: {  	s4 =	sadd.s32 $0x800E00, s7;
	s5 =	sadd.s32 $0xC01000, s7;
	v0 =	vunpack.c.0.s8.s32 v0;
	v1 =	vunpack.c.0.s8.s32 v1;
	(pc) =	sbr.rel .LBB2_1-.Ltmp0, $4  }
0x8: {  	s6 =	sadd.s32 $0xE00, s7;
	s3 =	stileid.u32;
	s9 =	ssub.s32 $0x2, s8  }
0x9: {  	s31 =	sshll.u32 s3, $0x5;
	s8 =	sshll.u32 s8, $0x4;
	s10 =	sshrl.u32 s9, $0x1;
	v0 =	vcombine.low v1, v0  }
0xa: {  	s7 =	sadd.s32 $0x1000, s7;
	s8 =	sor.u32 s8, s31;
	s9 =	ssub.s32 s9, s10  }
0xb: {  	vm0 =	vcmask $0x3F3C;
	_ =	strace $0x80000050;
	s10 =	simm.s32 $0x18000;
	s9 =	smax.u32 s9, $0x1;
	v1 =	vmov s8;
	v0 =	vand.u32 $0xF, v0  }
.LBB2_12:
0xc: {  	s15 =	sadd.s32 $0x1, s15  }
0xd: {  	p0 =	sne.s32 s15, s9  }
.Ltmp1:
0xe: {  	_ = 	snop;
	(pc) =	sbr.rel @!p0 .LBB2_13-.Ltmp1, $1  }
0xf: {  	_ =	sdelay $0x3  }
.LBB2_1:
.Ltmp2:
0x10: {  	(pc) =	sbr.rel .LBB2_2-.Ltmp2, $4  }
0x11: {  	[tilespmem:s10], [sflag:$0x6] =	stream.linear.gather [hbm4b:s6+s2], $0x208, $0x38;
	[tilespmem:$0x18208] =	vst v63  }
0x12: {  	_ =	swait.ge [sflag:s11], $0x208  }
0x13: {  	[sflag:s11] =	ssyncset.done $0x0  }
0x14: {  	s16 =	simm.s32 $0x0;
	[sflag:s11] =	ssyncadd.s32 $0xFFFFFDF8  }
.LBB2_11:
0x15: {  	s16 =	sadd.s32 $0x1, s16  }
0x16: {  	p0 =	sne.s32 s16, $0x10  }
.Ltmp3:
0x17: {  	s17 =	sadd.s32 s7, s17;
	(pc) =	sbr.rel @!p0 .LBB2_12-.Ltmp3, $4  }
0x18: {  	[hbm4b:s17+s2] =	stream.linear.scatter [tilespmem:s2], [sflag:$0x6], $0x10000, $0x38;
	[tilespmem:$0x18208] =	vst v63  }
0x19: {  	_ =	swait.ge [sflag:s11], $0x10000  }
0x1a: {  	[sflag:s11] =	ssyncset.done $0x0  }
0x1b: {  	[sflag:s11] =	ssyncadd.s32 $0xFFFF0000  }
.LBB2_2:
0x1c: {  	s22 =	sadd.s32 s8, s16  }
0x1d: {  	s17 =	sshll.u32 s22, $0xD  }
0x1e: {  	s18 =	sadd.s32 s4, s17  }
0x1f: {  	[tilespmem:s2], [sflag:$0x1] =	stream.linear.gather [hbm4b:s18+s2], $0x10000, $0x38;
	[tilespmem:$0x18208] =	vst v63  }
0x20: {  	v2 =	vld.idx.msk [tilespmem:v1+s16+$0x18000 ss:$0x1], $0xffff;
	_ =	sdelay $0x4  }
0x21: {  	(v2sf) =	vpush v2, $0x0  }
0x22: {  	(v2sf) =	vpush v2, $0x1;
	_ =	sdelay $0xd  }
0x23: {  	s30 =	spop (v2sf)  }
0x24: {  	s18 =	sand.u32 $0xFFFFFFF8, s30;
	s19 =	spop (v2sf)  }
0x25: {  	s20 =	ssub.s32 s19, s18  }
0x26: {  	s20 =	sadd.s32 $0x1FFF, s20  }
0x27: {  	s20 =	sshra.s32 s20, $0xD  }
0x28: {  	p0 =	slt.s32 s20, $0x1  }
0x29: {  	p1 =	slt.s32 @!p0 s18, $0x1FFE000  }
0x2a: {  	s21 =	smov.u32 s18;
	p1 =	por !p1, p0  }
0x2b: {  	s21 =	simm.s32 @p1 $0x1FFE000  }
0x2c: {  	s21 =	sshrl.u32 @!p0 s21, $0x3  }
0x2d: {  	s24 =	simm.s32 @!p0 $0x0;
	s25 =	simm.s32 @!p0 $0x10000;
	s23 =	sadd.s32 @!p0 s1, s21  }
0x2e: {  	[tilespmem:s25], [sflag:$0x2] =	stream.linear.gather @!p0 [hbm4b:s23+s24], $0x2000, $0x38;
	[tilespmem:$0x18208] =	vst v63  }
0x2f: {  	s31 =	sadd.s32 $0x1, s20;
	s21 =	sadd.s32 @!p0 s5, s21;
	s23 =	simm.s32 @!p0 $0x14000  }
0x30: {  	[tilespmem:s23], [sflag:$0x3] =	stream.linear.gather @!p0 [hbm4b:s21+s24], $0x2000, $0x38;
	[tilespmem:$0x18208] =	vst v63  }
0x31: {  	s21 =	sshra.s32 s31, $0x1  }
0x32: {  	p0 =	slt.s32 s21, $0x1  }
.Ltmp4:
0x33: {  	_ = 	snop;
	(pc) =	sbr.rel @p0 .LBB2_11-.Ltmp4, $4  }
0x34: {  	_ = 	snop  }
0x35: {  	_ =	swait.ge [sflag:s12], $0x10000  }
0x36: {  	[sflag:s12] =	ssyncset.done $0x0  }
0x37: {  	[sflag:s12] =	ssyncadd.s32 $0xFFFF0000  }
.Ltmp5:
0x38: {  	(pc) =	sbr.rel .LBB2_4-.Ltmp5, $4  }
0x39: {  	_ = 	snop  }
0x3a: {  	s22 =	sshll.u32 s22, $0x10  }
0x3b: {  	s23 =	sadd.s32 $0x10000, s22  }
0x3c: {  	v2 =	vmov s22;
	s22 =	simm.s32 $0x0;
	v3 =	vmov s23  }
.LBB2_10:
0x3d: {  	s22 =	sadd.s32 $0x1, s22  }
0x3e: {  	p0 =	sne.s32 s22, s21  }
.Ltmp6:
0x3f: {  	_ = 	snop;
	(pc) =	sbr.rel @!p0 .LBB2_11-.Ltmp6, $1  }
0x40: {  	_ =	sdelay $0x3  }
.LBB2_4:
0x41: {  	s23 =	sshllo.u32 s22, $0x1  }
0x42: {  	p0 =	sge.s32 s23, s20  }
0x43: {  	s23 =	sshll.u32 @!p0 s23, $0xD  }
0x44: {  	s23 =	sadd.s32 @!p0 s18, s23  }
0x45: {  	s24 =	sshll.u32 s22, $0xE;
	p1 =	slt.s32 @!p0 s23, $0x1FFE000  }
0x46: {  	s24 =	sadd.s32 s18, s24;
	p1 =	por !p1, p0  }
0x47: {  	s23 =	simm.s32 @p1 $0x1FFE000;
	p1 =	slt.s32 s24, $0x1FFE000  }
0x48: {  	s24 =	simm.s32 @!p1 $0x1FFE000  }
0x49: {  	s24 =	ssub.s32 s19, s24  }
0x4a: {  	p1 =	slt.s32 s24, $0x2000  }
0x4b: {  	_ =	swait.ge [sflag:s13], $0x2000;
	s24 =	simm.s32 @!p1 $0x2000  }
0x4c: {  	[sflag:s13] =	ssyncset.done $0x0;
	s24 =	sadd.s32 $0x7F, s24  }
0x4d: {  	[sflag:s13] =	ssyncadd.s32 $0xFFFFE000;
	s24 =	sshra.s32 s24, $0x7  }
0x4e: {  	s28 =	simm.s32 @!p0 $0x0;
	_ =	swait.ge [sflag:s14], $0x2000;
	p1 =	slt.s32 s24, $0x1  }
.Ltmp7:
0x4f: {  	[sflag:s14] =	ssyncset.done $0x0;
	s25 =	sshrl.u32 @!p0 s23, $0x3;
	(pc) =	sbr.rel @p1 .LBB2_7-.Ltmp7, $4  }
0x50: {  	s29 =	simm.s32 @!p0 $0x12000;
	[sflag:s14] =	ssyncadd.s32 $0xFFFFE000;
	s26 =	sadd.s32 @!p0 s1, s25  }
0x51: {  	[tilespmem:s29], [sflag:$0x4] =	stream.linear.gather @!p0 [hbm4b:s26+s28], $0x2000, $0x38;
	[tilespmem:$0x18208] =	vst v63  }
0x52: {  	s25 =	sadd.s32 @!p0 s5, s25;
	s26 =	simm.s32 @!p0 $0x16000  }
0x53: {  	[tilespmem:s26], [sflag:$0x5] =	stream.linear.gather @!p0 [hbm4b:s25+s28], $0x2000, $0x38;
	[tilespmem:$0x18208] =	vst v63  }
0x54: {  	s25 =	simm.s32 $0x10040;
	s26 =	simm.s32 $0x14040  }
.LBB2_6:
0x55: {  	v4 =	vld [tilespmem:s25+$0xFFFFFFC0];
	_ =	sdelay $0x4  }
0x56: {  	v5 =	vperm.xlane v4, v0;
	_ =	sdelay $0x1  }
0x57: {  	vm1 =	vge.s32 v4, v2;
	vm2 =	vlt.s32 v4, v3;
	vm3 =	vne.s32 v4, v5  }
0x58: {  	vm1 =	vmand vm1, vm2;
	v5 =	vsub.s32 v4, v2;
	vm2 =	vmor vm3, vm0  }
0x59: {  	v4 =	vand.u32 $0x7, v4;
	v5 =	vand.u32 $0xFFFFFFF8, v5;
	vm1 =	vmand vm1, vm2  }
0x5a: {  	v6 =	vld [tilespmem:s26+$0xFFFFFFC0];
	v4 =	vor.u32 v4, v5;
	_ =	sdelay $0x4  }
0x5b: {  	[tilespmem:v4+s2+$0x0] =	vst.idx.msk vm1, v6  }
0x5c: {  	v4 =	vld [tilespmem:s25+$0xFFFFFFD0];
	_ =	sdelay $0x4  }
0x5d: {  	v5 =	vperm.xlane v4, v0;
	_ =	sdelay $0x1  }
0x5e: {  	vm1 =	vge.s32 v4, v2;
	vm2 =	vlt.s32 v4, v3;
	vm3 =	vne.s32 v4, v5  }
0x5f: {  	vm1 =	vmand vm1, vm2;
	v5 =	vsub.s32 v4, v2;
	vm2 =	vmor vm3, vm0  }
0x60: {  	v4 =	vand.u32 $0x7, v4;
	v5 =	vand.u32 $0xFFFFFFF8, v5;
	vm1 =	vmand vm1, vm2  }
0x61: {  	v6 =	vld [tilespmem:s26+$0xFFFFFFD0];
	v4 =	vor.u32 v4, v5;
	_ =	sdelay $0x4  }
0x62: {  	[tilespmem:v4+s2+$0x0] =	vst.idx.msk vm1, v6  }
0x63: {  	v4 =	vld [tilespmem:s25+$0xFFFFFFE0];
	_ =	sdelay $0x4  }
0x64: {  	v5 =	vperm.xlane v4, v0;
	_ =	sdelay $0x1  }
0x65: {  	vm1 =	vge.s32 v4, v2;
	vm2 =	vlt.s32 v4, v3;
	vm3 =	vne.s32 v4, v5  }
0x66: {  	vm1 =	vmand vm1, vm2;
	v5 =	vsub.s32 v4, v2;
	vm2 =	vmor vm3, vm0  }
0x67: {  	v4 =	vand.u32 $0x7, v4;
	v5 =	vand.u32 $0xFFFFFFF8, v5;
	vm1 =	vmand vm1, vm2  }
0x68: {  	v6 =	vld [tilespmem:s26+$0xFFFFFFE0];
	v4 =	vor.u32 v4, v5;
	_ =	sdelay $0x4  }
0x69: {  	[tilespmem:v4+s2+$0x0] =	vst.idx.msk vm1, v6  }
0x6a: {  	v4 =	vld [tilespmem:s25+$0xFFFFFFF0];
	_ =	sdelay $0x4  }
0x6b: {  	v5 =	vperm.xlane v4, v0;
	_ =	sdelay $0x1  }
0x6c: {  	vm1 =	vge.s32 v4, v2;
	vm2 =	vlt.s32 v4, v3;
	vm3 =	vne.s32 v4, v5  }
0x6d: {  	vm1 =	vmand vm1, vm2;
	v5 =	vsub.s32 v4, v2;
	vm2 =	vmor vm3, vm0  }
0x6e: {  	v4 =	vand.u32 $0x7, v4;
	v5 =	vand.u32 $0xFFFFFFF8, v5;
	vm1 =	vmand vm1, vm2  }
0x6f: {  	v6 =	vld [tilespmem:s26+$0xFFFFFFF0];
	v4 =	vor.u32 v4, v5;
	_ =	sdelay $0x4  }
0x70: {  	[tilespmem:v4+s2+$0x0] =	vst.idx.msk vm1, v6  }
0x71: {  	v4 =	vld [tilespmem:s25+$0x0];
	_ =	sdelay $0x4  }
0x72: {  	v5 =	vperm.xlane v4, v0;
	_ =	sdelay $0x1  }
0x73: {  	vm1 =	vge.s32 v4, v2;
	vm2 =	vlt.s32 v4, v3;
	vm3 =	vne.s32 v4, v5  }
0x74: {  	vm1 =	vmand vm1, vm2;
	v5 =	vsub.s32 v4, v2;
	vm2 =	vmor vm3, vm0  }
0x75: {  	v4 =	vand.u32 $0x7, v4;
	v5 =	vand.u32 $0xFFFFFFF8, v5;
	vm1 =	vmand vm1, vm2  }
0x76: {  	v6 =	vld [tilespmem:s26+$0x0];
	v4 =	vor.u32 v4, v5;
	_ =	sdelay $0x4  }
0x77: {  	[tilespmem:v4+s2+$0x0] =	vst.idx.msk vm1, v6  }
0x78: {  	v4 =	vld [tilespmem:s25+$0x10];
	_ =	sdelay $0x4  }
0x79: {  	v5 =	vperm.xlane v4, v0;
	_ =	sdelay $0x1  }
0x7a: {  	vm1 =	vge.s32 v4, v2;
	vm2 =	vlt.s32 v4, v3;
	vm3 =	vne.s32 v4, v5  }
0x7b: {  	vm1 =	vmand vm1, vm2;
	v5 =	vsub.s32 v4, v2;
	vm2 =	vmor vm3, vm0  }
0x7c: {  	v4 =	vand.u32 $0x7, v4;
	v5 =	vand.u32 $0xFFFFFFF8, v5;
	vm1 =	vmand vm1, vm2  }
0x7d: {  	v6 =	vld [tilespmem:s26+$0x10];
	v4 =	vor.u32 v4, v5;
	_ =	sdelay $0x4  }
0x7e: {  	[tilespmem:v4+s2+$0x0] =	vst.idx.msk vm1, v6  }
0x7f: {  	v4 =	vld [tilespmem:s25+$0x20];
	_ =	sdelay $0x4  }
0x80: {  	v5 =	vperm.xlane v4, v0;
	_ =	sdelay $0x1  }
0x81: {  	vm1 =	vge.s32 v4, v2;
	vm2 =	vlt.s32 v4, v3;
	vm3 =	vne.s32 v4, v5  }
0x82: {  	vm1 =	vmand vm1, vm2;
	v5 =	vsub.s32 v4, v2;
	vm2 =	vmor vm3, vm0  }
0x83: {  	v4 =	vand.u32 $0x7, v4;
	v5 =	vand.u32 $0xFFFFFFF8, v5;
	vm1 =	vmand vm1, vm2  }
0x84: {  	v6 =	vld [tilespmem:s26+$0x20];
	v4 =	vor.u32 v4, v5;
	_ =	sdelay $0x4  }
0x85: {  	[tilespmem:v4+s2+$0x0] =	vst.idx.msk vm1, v6  }
0x86: {  	v4 =	vld [tilespmem:s25+$0x30];
	_ =	sdelay $0x4  }
0x87: {  	v5 =	vperm.xlane v4, v0;
	_ =	sdelay $0x1  }
0x88: {  	vm1 =	vge.s32 v4, v2;
	vm2 =	vlt.s32 v4, v3;
	vm3 =	vne.s32 v4, v5  }
0x89: {  	vm1 =	vmand vm1, vm2;
	v5 =	vsub.s32 v4, v2;
	vm2 =	vmor vm3, vm0  }
0x8a: {  	v4 =	vand.u32 $0x7, v4;
	v5 =	vand.u32 $0xFFFFFFF8, v5;
	vm1 =	vmand vm1, vm2  }
0x8b: {  	p1 =	sne.s32 s24, $0x1;
	v6 =	vld [tilespmem:s26+$0x30];
	v4 =	vor.u32 v4, v5  }
.Ltmp8:
0x8c: {  	_ = 	snop;
	(pc) =	sbr.rel @p1 .LBB2_6-.Ltmp8, $2  }
0x8d: {  	_ =	sdelay $0x2  }
0x8e: {  	s24 =	sadd.s32 $0xFFFFFFFF, s24;
	s25 =	sadd.s32 $0x80, s25;
	s26 =	sadd.s32 $0x80, s26;
	[tilespmem:v4+s2+$0x0] =	vst.idx.msk vm1, v6  }
.LBB2_7:
0x8f: {  	s24 =	sshll.u32 s22, $0x1  }
0x90: {  	s24 =	sadd.s32 @!p0 $0x2, s24  }
0x91: {  	p2 =	sge.s32 @!p0 s24, s20  }
0x92: {  	p1 =	por p2, p0  }
0x93: {  	s24 =	sshll.u32 @!p1 s24, $0xD  }
0x94: {  	s25 =	simm.s32 @!p0 $0x4;
	s24 =	sadd.s32 @!p1 s18, s24  }
0x95: {  	_ =	swait.ge @!p0 [sflag:s25], $0x2000;
	p3 =	slt.s32 @!p1 s24, $0x1FFE000  }
0x96: {  	[sflag:s25] =	ssyncset.done @!p0 $0x0;
	p2 =	por @!p0 !p3, p2  }
0x97: {  	[sflag:s25] =	ssyncadd.s32 @!p0 $0xFFFFE000;
	s25 =	simm.s32 @!p0 $0x5;
	p2 =	por !p2, p0  }
0x98: {  	_ =	swait.ge @!p0 [sflag:s25], $0x2000;
	s24 =	simm.s32 @!p2 $0x1FFE000  }
0x99: {  	s26 =	simm.s32 @!p1 $0x0;
	[sflag:s25] =	ssyncset.done @!p0 $0x0;
	s24 =	sshrl.u32 @!p1 s24, $0x3  }
0x9a: {  	s28 =	simm.s32 @!p1 $0x10000;
	[sflag:s25] =	ssyncadd.s32 @!p0 $0xFFFFE000;
	s25 =	sadd.s32 @!p1 s1, s24  }
0x9b: {  	[tilespmem:s28], [sflag:$0x2] =	stream.linear.gather @!p1 [hbm4b:s25+s26], $0x2000, $0x38;
	[tilespmem:$0x18208] =	vst v63  }
0x9c: {  	s23 =	ssub.s32 @!p0 s19, s23;
	s24 =	sadd.s32 @!p1 s5, s24;
	s25 =	simm.s32 @!p1 $0x14000  }
0x9d: {  	[tilespmem:s25], [sflag:$0x3] =	stream.linear.gather @!p1 [hbm4b:s24+s26], $0x2000, $0x38;
	[tilespmem:$0x18208] =	vst v63  }
0x9e: {  	p1 =	slt.s32 @!p0 s23, $0x2000  }
0x9f: {  	p1 =	por !p1, p0  }
0xa0: {  	s23 =	simm.s32 @p1 $0x2000  }
0xa1: {  	s23 =	sadd.s32 @!p0 $0x7F, s23  }
0xa2: {  	s23 =	sshra.s32 @!p0 s23, $0x7  }
0xa3: {  	p1 =	slt.s32 @!p0 s23, $0x1  }
0xa4: {  	p1 =	por p0, p1  }
.Ltmp9:
0xa5: {  	_ = 	snop;
	(pc) =	sbr.rel @p1 .LBB2_10-.Ltmp9, $1  }
0xa6: {  	_ =	sdelay $0x3  }
0xa7: {  	s24 =	simm.s32 @!p0 $0x12070;
	s25 =	simm.s32 @!p0 $0x16070  }
.LBB2_9:
0xa8: {  	v4 =	vld [tilespmem:s24+$0xFFFFFF90];
	_ =	sdelay $0x4  }
0xa9: {  	v5 =	vperm.xlane v4, v0;
	_ =	sdelay $0x1  }
0xaa: {  	vm1 =	vge.s32 v4, v2;
	vm2 =	vlt.s32 v4, v3;
	vm3 =	vne.s32 v4, v5  }
0xab: {  	vm1 =	vmand vm1, vm2;
	v5 =	vsub.s32 v4, v2;
	vm2 =	vmor vm3, vm0  }
0xac: {  	v4 =	vand.u32 $0x7, v4;
	v5 =	vand.u32 $0xFFFFFFF8, v5;
	vm1 =	vmand vm1, vm2  }
0xad: {  	v6 =	vld [tilespmem:s25+$0xFFFFFF90];
	v4 =	vor.u32 v4, v5;
	_ =	sdelay $0x4  }
0xae: {  	[tilespmem:v4+s2+$0x0] =	vst.idx.msk vm1, v6  }
0xaf: {  	v4 =	vld [tilespmem:s24+$0xFFFFFFA0];
	_ =	sdelay $0x4  }
0xb0: {  	v5 =	vperm.xlane v4, v0;
	_ =	sdelay $0x1  }
0xb1: {  	vm1 =	vge.s32 v4, v2;
	vm2 =	vlt.s32 v4, v3;
	vm3 =	vne.s32 v4, v5  }
0xb2: {  	vm1 =	vmand vm1, vm2;
	v5 =	vsub.s32 v4, v2;
	vm2 =	vmor vm3, vm0  }
0xb3: {  	v4 =	vand.u32 $0x7, v4;
	v5 =	vand.u32 $0xFFFFFFF8, v5;
	vm1 =	vmand vm1, vm2  }
0xb4: {  	v6 =	vld [tilespmem:s25+$0xFFFFFFA0];
	v4 =	vor.u32 v4, v5;
	_ =	sdelay $0x4  }
0xb5: {  	[tilespmem:v4+s2+$0x0] =	vst.idx.msk vm1, v6  }
0xb6: {  	v4 =	vld [tilespmem:s24+$0xFFFFFFB0];
	_ =	sdelay $0x4  }
0xb7: {  	v5 =	vperm.xlane v4, v0;
	_ =	sdelay $0x1  }
0xb8: {  	vm1 =	vge.s32 v4, v2;
	vm2 =	vlt.s32 v4, v3;
	vm3 =	vne.s32 v4, v5  }
0xb9: {  	vm1 =	vmand vm1, vm2;
	v5 =	vsub.s32 v4, v2;
	vm2 =	vmor vm3, vm0  }
0xba: {  	v4 =	vand.u32 $0x7, v4;
	v5 =	vand.u32 $0xFFFFFFF8, v5;
	vm1 =	vmand vm1, vm2  }
0xbb: {  	v6 =	vld [tilespmem:s25+$0xFFFFFFB0];
	v4 =	vor.u32 v4, v5;
	_ =	sdelay $0x4  }
0xbc: {  	[tilespmem:v4+s2+$0x0] =	vst.idx.msk vm1, v6  }
0xbd: {  	v4 =	vld [tilespmem:s24+$0xFFFFFFC0];
	_ =	sdelay $0x4  }
0xbe: {  	v5 =	vperm.xlane v4, v0;
	_ =	sdelay $0x1  }
0xbf: {  	vm1 =	vge.s32 v4, v2;
	vm2 =	vlt.s32 v4, v3;
	vm3 =	vne.s32 v4, v5  }
0xc0: {  	vm1 =	vmand vm1, vm2;
	v5 =	vsub.s32 v4, v2;
	vm2 =	vmor vm3, vm0  }
0xc1: {  	v4 =	vand.u32 $0x7, v4;
	v5 =	vand.u32 $0xFFFFFFF8, v5;
	vm1 =	vmand vm1, vm2  }
0xc2: {  	v6 =	vld [tilespmem:s25+$0xFFFFFFC0];
	v4 =	vor.u32 v4, v5;
	_ =	sdelay $0x4  }
0xc3: {  	[tilespmem:v4+s2+$0x0] =	vst.idx.msk vm1, v6  }
0xc4: {  	v4 =	vld [tilespmem:s24+$0xFFFFFFD0];
	_ =	sdelay $0x4  }
0xc5: {  	v5 =	vperm.xlane v4, v0;
	_ =	sdelay $0x1  }
0xc6: {  	vm1 =	vge.s32 v4, v2;
	vm2 =	vlt.s32 v4, v3;
	vm3 =	vne.s32 v4, v5  }
0xc7: {  	vm1 =	vmand vm1, vm2;
	v5 =	vsub.s32 v4, v2;
	vm2 =	vmor vm3, vm0  }
0xc8: {  	v4 =	vand.u32 $0x7, v4;
	v5 =	vand.u32 $0xFFFFFFF8, v5;
	vm1 =	vmand vm1, vm2  }
0xc9: {  	v6 =	vld [tilespmem:s25+$0xFFFFFFD0];
	v4 =	vor.u32 v4, v5;
	_ =	sdelay $0x4  }
0xca: {  	[tilespmem:v4+s2+$0x0] =	vst.idx.msk vm1, v6  }
0xcb: {  	v4 =	vld [tilespmem:s24+$0xFFFFFFE0];
	_ =	sdelay $0x4  }
0xcc: {  	v5 =	vperm.xlane v4, v0;
	_ =	sdelay $0x1  }
0xcd: {  	vm1 =	vge.s32 v4, v2;
	vm2 =	vlt.s32 v4, v3;
	vm3 =	vne.s32 v4, v5  }
0xce: {  	vm1 =	vmand vm1, vm2;
	v5 =	vsub.s32 v4, v2;
	vm2 =	vmor vm3, vm0  }
0xcf: {  	v4 =	vand.u32 $0x7, v4;
	v5 =	vand.u32 $0xFFFFFFF8, v5;
	vm1 =	vmand vm1, vm2  }
0xd0: {  	v6 =	vld [tilespmem:s25+$0xFFFFFFE0];
	v4 =	vor.u32 v4, v5;
	_ =	sdelay $0x4  }
0xd1: {  	[tilespmem:v4+s2+$0x0] =	vst.idx.msk vm1, v6  }
0xd2: {  	v4 =	vld [tilespmem:s24+$0xFFFFFFF0];
	_ =	sdelay $0x4  }
0xd3: {  	v5 =	vperm.xlane v4, v0;
	_ =	sdelay $0x1  }
0xd4: {  	vm1 =	vge.s32 v4, v2;
	vm2 =	vlt.s32 v4, v3;
	vm3 =	vne.s32 v4, v5  }
0xd5: {  	vm1 =	vmand vm1, vm2;
	v5 =	vsub.s32 v4, v2;
	vm2 =	vmor vm3, vm0  }
0xd6: {  	v4 =	vand.u32 $0x7, v4;
	v5 =	vand.u32 $0xFFFFFFF8, v5;
	vm1 =	vmand vm1, vm2  }
0xd7: {  	v6 =	vld [tilespmem:s25+$0xFFFFFFF0];
	v4 =	vor.u32 v4, v5;
	_ =	sdelay $0x4  }
0xd8: {  	[tilespmem:v4+s2+$0x0] =	vst.idx.msk vm1, v6  }
0xd9: {  	v4 =	vld [tilespmem:s24+$0x0];
	_ =	sdelay $0x4  }
0xda: {  	v5 =	vperm.xlane v4, v0;
	_ =	sdelay $0x1  }
0xdb: {  	vm1 =	vge.s32 v4, v2;
	vm2 =	vlt.s32 v4, v3;
	vm3 =	vne.s32 v4, v5  }
0xdc: {  	vm1 =	vmand vm1, vm2;
	v5 =	vsub.s32 v4, v2;
	vm2 =	vmor vm3, vm0  }
0xdd: {  	v4 =	vand.u32 $0x7, v4;
	v5 =	vand.u32 $0xFFFFFFF8, v5;
	vm1 =	vmand vm1, vm2  }
0xde: {  	p0 =	sne.s32 s23, $0x1;
	v6 =	vld [tilespmem:s25+$0x0];
	v4 =	vor.u32 v4, v5  }
.Ltmp10:
0xdf: {  	_ = 	snop;
	(pc) =	sbr.rel @p0 .LBB2_9-.Ltmp10, $2  }
0xe0: {  	_ =	sdelay $0x2  }
0xe1: {  	s23 =	sadd.s32 $0xFFFFFFFF, s23;
	s24 =	sadd.s32 $0x80, s24;
	s25 =	sadd.s32 $0x80, s25;
	[tilespmem:v4+s2+$0x0] =	vst.idx.msk vm1, v6  }
.Ltmp11:
0xe2: {  	_ = 	snop;
	(pc) =	sbr.rel .LBB2_10-.Ltmp11, $1  }
0xe3: {  	_ =	sdelay $0x3  }
.LBB2_13:
0xe4: {  	_ =	sfence.sel $0x180000  }
0xe5: {  	[bflag:$0x0] =	sbarrier.arrive $0xFFFF  }
0xe6: {  	p0 =	sne.s32 s3, $0x0;
	_ =	strace $0x90000050  }
0xe7: {  	s0 =	sadd.s32 @!p0 $0x100000, s0;
	[bflag:$0x2] =	sbarrier.arrive $0xFFFF  }
0xe8: {  	[sflag:s0] =	ssyncadd.tile.s32 @!p0 $0x1;
	_ =	shalt  }
.Lfunc_end2:
_tile_overlayer_lowered:
.L_overlay_start_2:
0xe9: {  	(tag) =	ssettag $0x2  }
0xea: {  	s0 =	rddreg [dreg:$0x0];
	s2 =	stileid.u32  }
0xeb: {  	s1 =	rddreg [dreg:$0x1];
	p0 =	sne.s32 s2, $0x0  }
0xec: {  	s3 =	rddreg [dreg:$0x2];
	[bflag:$0x3] =	sbarrier.arrive $0xFFFF;
	s2 =	simm.s32 @!p0 $0x1C06  }
0xed: {  	[timem:s3], [sflag:s2] =	dma.local @!p0 [hbm:s0], s1  }
0xee: {  	s0 =	simm.s32 @!p0 $0x6  }
0xef: {  	_ =	swait.ge @!p0 [sflag:s0], s1  }
0xf0: {  	s1 =	ssub.s32 @!p0 $0x0, s1;
	[sflag:s0] =	ssyncset.done @!p0 $0x0  }
0xf1: {  	[sflag:s0] =	ssyncadd.s32 @!p0 s1  }
0xf2: {  	[bflag:$0x3] =	sbarrier.arrive $0xFFFF  }
0xf3: {  	_ =	shalt  }

// kernel: sparse-core-data-format-call.1.cloned.1.call-start
scs
called_computation.1_lowered:
.L_overlay_start_0:
0x0: {  	s2 =	sld [smem:$0x3FD9]  }
0x1: {  	s3 =	sld [smem:$0x3FFE];
	_ =	sdelay $0x1  }
0x2: {  	s1 =	srdreg.scid  }
0x3: {  	s0 =	sand.u32 $0x1, s1  }
0x4: {  	s18 =	sshll.u32 s0, $0xA;
	s2 =	sadd.s32 s3, s2  }
0x5: {  	s2 =	sadd.s32 s2, s18  }
0x6: {  	[smem:$0x3FC5] =	sst s2  }
0x7: {  	_ = 	snop  }
0x8: {  	s2 =	sld [smem:$0x3FD0];
	(tm) =	ssettm $0x1  }
0x9: {  	s19 =	sld [smem:$0x3FFB];
	_ =	sdelay $0x3  }
0xa: {  	_ =	strace s19  }
0xb: {  	s3 =	sld [smem:$0x3FFC];
	_ =	sdelay $0x3  }
0xc: {  	_ =	strace s3  }
0xd: {  	s3 =	sld [smem:$0x3FFD];
	_ =	sdelay $0x3  }
0xe: {  	_ =	strace s3  }
0xf: {  	_ =	strace $0x8FFFFFFF  }
0x10: {  	s20 =	sld [smem:$0x3FDB];
	_ =	sdelay $0x1  }
0x11: {  	s4 =	simm.s32 $_scs_section_size  }
0x12: {  	s5 =	simm.s32 $_size__tile_overlayer_lowered;
	s6 =	simm.s32 $_tile_overlayer_lowered  }
0x13: {  	s23 =	simm.s32 $0x1BFF;
	s22 =	sshll.u32 s6, $0x1;
	s3 =	sadd.s32 s4, s20  }
0x14: {  	s7 =	simm.s32 $0x0;
	s21 =	sshll.u32 s5, $0x1;
	s5 =	sadd.s32 s22, s3  }
0x15: {  	[timem:s7], [sflag:s23] =	dma.local [hbm:s5], s21  }
0x16: {  	_ =	swait.ge [sflag:s23], s21  }
0x17: {  	s4 =	ssub.s32 $0x0, s21;
	[sflag:s23] =	ssyncset.done $0x0  }
0x18: {  	[sflag:s23] =	ssyncadd.s32 s4;
	_ =	sdelay $0x1  }
0x19: {  	s24 =	simm.s32 $0x1B8B  }
0x1a: {  	_ =	swait.ge [sflag:s24], $0x1  }
0x1b: {  	[sflag:s24] =	ssyncset.done $0x0  }
0x1c: {  	s26 =	simm.s32 $0x1B8E;
	s25 =	sld [smem:$0x3FFE];
	[sflag:s24] =	ssyncadd.s32 $0xFFFFFFFF  }
0x1d: {  	s27 =	simm.s32 $execute0_lowered;
	[smem:$0x3FD2] =	sst s26  }
0x1e: {  	s5 =	sshll.u32 s27, $0x1;
	_ =	strace $0x80000046;
	[dreg:$0x1] =	wrdreg $0xFFFFFFFF  }
0x1f: {  	s28 =	simm.s32 $_size_execute0_lowered;
	s3 =	sadd.s32 s3, s5;
	[dreg:$0x0] =	wrdreg $0x0  }
0x20: {  	s5 =	sshll.u32 s28, $0x1;
	[dreg:$0x2] =	wrdreg s3  }
0x21: {  	[dreg:$0x3] =	wrdreg s5  }
0x22: {  	[dreg:$0x4] =	wrdreg $0xC0  }
0x23: {  	_ =	task [dreg:s7], $0x5FFFF  }
0x24: {  	[dreg:$0x1] =	wrdreg $0xFFFFFFFF  }
0x25: {  	[dreg:$0x0] =	wrdreg $0x60  }
0x26: {  	[dreg:$0x2] =	wrdreg s2  }
0x27: {  	[dreg:$0x3] =	wrdreg s25  }
0x28: {  	[dreg:$0x4] =	wrdreg $0xA  }
0x29: {  	_ =	task.clear_ibuf [dreg:s7], $0x5FFFF;
	_ =	strace $0x90000046  }
0x2a: {  	s29 =	simm.s32 $0xA;
	_ =	strace $0x80000048  }
0x2b: {  	_ =	swait.ge [sflag:s29], $0x1  }
0x2c: {  	[sflag:s29] =	ssyncadd.s32 $0xFFFFFFFF  }
0x2d: {  	_ =	strace $0x90000048  }
0x2e: {  	_ =	sfence  }
0x2f: {  	s30 =	sld [smem:$0x0];
	_ =	sdelay $0x2  }
0x30: {  	s31 =	sshll.u32 s1, $0xD;
	s1 =	sshrl.u32 s1, $0x2  }
0x31: {  	s3 =	sand.u32 $0x4000, s31;
	s1 =	sadd.s32 s1, s30  }
0x32: {  	s0 =	sor.u32 s3, s0;
	s1 =	sshll.u32 s1, $0x11  }
0x33: {  	s0 =	sor.u32 s1, s0  }
0x34: {  	s0 =	sadd.s32 $0x8F2B, s0  }
0x35: {  	[sflag:s0] =	ssyncadd.remote.s32 $0x1  }
0x36: {  	_ =	sfence.sel $0xFFFF  }
0x37: {  	[dreg:$0x0] =	wrdreg $0xFFFFFFFF;
	(pc) =	sbr.abs _section_cstart, $3  }
0x38: {  	[dreg:$0x1] =	wrdreg $0xFFFFFFFF  }
0x39: {  	_ =	task.clear_ibuf [dreg:s7], $0x2FFFF;
	_ =	strace $0x9FFFFFFF  }
0x3a: {  	(tm) =	ssettm $0x7FFFFFFF  }
0x3b: {  	_ =	shalt  }
tec
execute0_lowered:
.L_overlay_start_1:
0x0: {  	(tag) =	ssettag $0x1  }
0x1: {  	s2 =	rddreg [dreg:$0x0]  }
0x2: {  	s1 =	rddreg [dreg:$0x1]  }
0x3: {  	s0 =	rddreg [dreg:$0x2];
	_ =	strace $0x80000047;
	s4 =	srdreg.scid  }
0x4: {  	s6 =	simm.s32 $0x2;
	s11 =	simm.s32 $0x0;
	p0 =	por $0x0, $0x0  }
.Ltmp0:
0x5: {  	s7 =	simm.s32 $0x1000;
	s12 =	simm.s32 $0x0;
	(pc) =	sbr.rel .LBB1_1-.Ltmp0, $4  }
0x6: {  	s9 =	simm.s32 $0x0;
	s3 =	sadd.s32 $0xE00, s1;
	s5 =	sshll.u32 s4, $0x4  }
0x7: {  	s1 =	stileid.u32;
	s4 =	simm.s32 $0x1;
	s5 =	sand.u32 $0x10, s5  }
0x8: {  	s8 =	simm.s32 $0x0;
	[sflag:s4] =	ssyncpa.u1 $0x0;
	s5 =	sor.u32 s1, s5  }
0x9: {  	[sflag:s6] =	ssyncpa.u1 $0x0;
	s6 =	simm.s32 $0x800;
	s10 =	smov.u32 s5  }
.LBB1_7:
0xa: {  	s13 =	sadd.s32 $0x10, s9  }
0xb: {  	s11 =	sadd.s32 $0x20, s10;
	s15 =	smov.u32 s10;
	p2 =	sgt.s32 s13, $0x1F  }
0xc: {  	p1 =	slt.u32 s8, $0x2;
	s15 =	smov.u32 @p2 s11  }
0xd: {  	s8 =	sadd.s32 $0x1, s8;
	s13 =	simm.s32 @p2 $0x0;
	p2 =	sgt.s32 s15, $0x3FF  }
0xe: {  	s15 =	smov.u32 @p2 s5;
	p2 =	sne.s32 s8, $0x42  }
.Ltmp1:
0xf: {  	_ = 	snop;
	(pc) =	sbr.rel @!p2 .LBB1_8-.Ltmp1, $4  }
0x10: {  	s14 =	simm.s32 @!p1 $0x2  }
0x11: {  	s12 =	smov.u32 s10;
	_ =	swait.ge @!p1 [sflag:s14], $0x4000  }
0x12: {  	p0 =	por !p0, !p0;
	s11 =	smov.u32 s9;
	[sflag:s14] =	ssyncset.done @!p1 $0x0  }
0x13: {  	s9 =	smov.u32 s13;
	[sflag:s14] =	ssyncadd.s32 @!p1 $0xFFFFC000;
	s10 =	smov.u32 s15  }
.LBB1_1:
0x14: {  	p1 =	sgt.u32 s8, $0x3F  }
0x15: {  	s13 =	sxor.u32 @!p1 $0xFFFFFFFF, s8;
	s14 =	sshll.u32 @!p1 s10, $0xC  }
0x16: {  	s15 =	sshll.u32 @!p1 s9, $0x7;
	s13 =	sshll.u32 @!p1 s13, $0xE;
	s14 =	sadd.s32 @!p1 s2, s14  }
0x17: {  	s13 =	sand.u32 @!p1 $0x4000, s13;
	s14 =	sadd.s32 @!p1 s15, s14;
	s15 =	simm.s32 @!p1 $0x0  }
0x18: {  	[tilespmem:s13], [sflag:$0x1] =	stream.linear.gather @!p1 [hbm4b:s14+s15], $0x4000, $0x38;
	[tilespmem:$0x10000] =	vst v63  }
0x19: {  	p1 =	seq.s32 s8, $0x0  }
0x1a: {  	p2 =	seq.s32 @!p1 s8, $0x41  }
0x1b: {  	p1 =	por p1, p2  }
.Ltmp2:
0x1c: {  	_ = 	snop;
	(pc) =	sbr.rel @p1 .LBB1_7-.Ltmp2, $1  }
0x1d: {  	_ =	sdelay $0x3  }
0x1e: {  	s13 =	simm.s32 $0x1;
	_ =	swait.ge [sflag:s4], $0x4000;
	s16 =	sshll.u32 s8, $0xE  }
0x1f: {  	s13 =	simm.s32 @!p0 $0x0;
	[sflag:s4] =	ssyncset.done $0x0;
	s31 =	sand.u32 $0x4000, s16  }
0x20: {  	s16 =	simm.s32 $0x0;
	s14 =	sshll.u32 s13, $0xE;
	[sflag:s4] =	ssyncadd.s32 $0xFFFFC000  }
0x21: {  	s13 =	sor.u32 $0x8040, s14;
	s15 =	sor.u32 $0x40, s14;
	s14 =	sor.u32 $0x8000, s31  }
.LBB1_3:
0x22: {  	v0 =	vmov s15;
	_ =	sdelay $0x3  }
0x23: {  	s18 =	simm.s32 $0x0  }
0x24: {  	v6 =	vld.idx.msk [tilespmem:v0+s18+$0x30 ss:$0x1], $0xffff  }
0x25: {  	v7 =	vld.idx.msk [tilespmem:v0+s18+$0xFFFFFFC0 ss:$0x1], $0xffff  }
0x26: {  	v5 =	vld.idx.msk [tilespmem:v0+s18+$0xFFFFFFD0 ss:$0x1], $0xffff  }
0x27: {  	v4 =	vld.idx.msk [tilespmem:v0+s18+$0xFFFFFFE0 ss:$0x1], $0xffff  }
0x28: {  	v3 =	vld.idx.msk [tilespmem:v0+s18+$0xFFFFFFF0 ss:$0x1], $0xffff  }
0x29: {  	v1 =	vld.idx.msk [tilespmem:v0+s18+$0x0 ss:$0x1], $0xffff  }
0x2a: {  	v2 =	vld.idx.msk [tilespmem:v0+s18+$0x10 ss:$0x1], $0xffff;
	[tilespmem:s13+$0x30] =	vst v6  }
0x2b: {  	s17 =	simm.s32 $0x80;
	s19 =	simm.s32 $0x400;
	[tilespmem:s13+$0xFFFFFFC0] =	vst v7;
	v6 =	vld.idx.msk [tilespmem:v0+s18+$0x20 ss:$0x1], $0xffff;
	s18 =	smov.u32 s13  }
.LBB1_4:
0x2c: {  	p1 =	sne.s32 s19, $0xE00;
	v7 =	vld.idx.msk [tilespmem:v0+s17+$0x30 ss:$0x1], $0xffff;
	[tilespmem:s18+$0xFFFFFFD0] =	vst v5  }
0x2d: {  	v8 =	vld.idx.msk [tilespmem:v0+s17+$0xFFFFFFC0 ss:$0x1], $0xffff;
	[tilespmem:s18+$0xFFFFFFE0] =	vst v4  }
0x2e: {  	v5 =	vld.idx.msk [tilespmem:v0+s17+$0xFFFFFFD0 ss:$0x1], $0xffff;
	[tilespmem:s18+$0xFFFFFFF0] =	vst v3  }
.Ltmp3:
0x2f: {  	v4 =	vld.idx.msk [tilespmem:v0+s17+$0xFFFFFFE0 ss:$0x1], $0xffff;
	[tilespmem:s18+$0x0] =	vst v1;
	(pc) =	sbr.rel @p1 .LBB1_4-.Ltmp3, $4  }
0x30: {  	v3 =	vld.idx.msk [tilespmem:v0+s17+$0xFFFFFFF0 ss:$0x1], $0xffff;
	[tilespmem:s18+$0x10] =	vst v2  }
0x31: {  	v1 =	vld.idx.msk [tilespmem:v0+s17+$0x0 ss:$0x1], $0xffff;
	[tilespmem:s18+$0x20] =	vst v6;
	s18 =	sadd.s32 $0x800, s18  }
0x32: {  	v2 =	vld.idx.msk [tilespmem:v0+s17+$0x10 ss:$0x1], $0xffff;
	[tilespmem:s18+$0x30] =	vst v7  }
0x33: {  	[tilespmem:s18+$0xFFFFFFC0] =	vst v8;
	v6 =	vld.idx.msk [tilespmem:v0+s17+$0x20 ss:$0x1], $0xffff;
	s17 =	sshra.s32 s19, $0x2;
	s19 =	sadd.s32 $0x200, s19  }
0x34: {  	_ =	sdelay $0x2  }
0x35: {  	[tilespmem:s18+$0xFFFFFFD0] =	vst v5  }
0x36: {  	v56 =	vld.idx.msk [tilespmem:v0+s17+$0x30 ss:$0x1], $0xffff;
	[tilespmem:s18+$0xFFFFFFE0] =	vst v4  }
0x37: {  	v57 =	vld.idx.msk [tilespmem:v0+s17+$0xFFFFFFC0 ss:$0x1], $0xffff;
	[tilespmem:s18+$0xFFFFFFF0] =	vst v3  }
0x38: {  	v58 =	vld.idx.msk [tilespmem:v0+s17+$0xFFFFFFD0 ss:$0x1], $0xffff;
	[tilespmem:s18+$0x0] =	vst v1  }
0x39: {  	v59 =	vld.idx.msk [tilespmem:v0+s17+$0xFFFFFFE0 ss:$0x1], $0xffff;
	[tilespmem:s18+$0x10] =	vst v2  }
0x3a: {  	v60 =	vld.idx.msk [tilespmem:v0+s17+$0xFFFFFFF0 ss:$0x1], $0xffff;
	s31 =	sadd.s32 $0x800, s18;
	[tilespmem:s18+$0x20] =	vst v6  }
0x3b: {  	v61 =	vld.idx.msk [tilespmem:v0+s17+$0x0 ss:$0x1], $0xffff;
	[tilespmem:s31+$0x30] =	vst v56  }
0x3c: {  	v62 =	vld.idx.msk [tilespmem:v0+s17+$0x10 ss:$0x1], $0xffff;
	s16 =	sadd.s32 $0x1, s16;
	[tilespmem:s31+$0xFFFFFFC0] =	vst v57  }
0x3d: {  	v63 =	vld.idx.msk [tilespmem:v0+s17+$0x20 ss:$0x1], $0xffff;
	p1 =	sne.s32 s16, $0x10;
	[tilespmem:s31+$0xFFFFFFD0] =	vst v58  }
.Ltmp4:
0x3e: {  	[tilespmem:s31+$0xFFFFFFE0] =	vst v59;
	(pc) =	sbr.rel @p1 .LBB1_3-.Ltmp4, $4  }
0x3f: {  	[tilespmem:s31+$0xFFFFFFF0] =	vst v60  }
0x40: {  	[tilespmem:s31+$0x0] =	vst v61  }
0x41: {  	[tilespmem:s31+$0x10] =	vst v62  }
0x42: {  	s13 =	sadd.s32 $0x80, s13;
	s15 =	sadd.s32 $0x400, s15;
	[tilespmem:s31+$0x20] =	vst v63  }
.Ltmp5:
0x43: {  	(pc) =	sbr.rel .LBB1_7-.Ltmp5, $4  }
0x44: {  	s12 =	sshll.u32 s12, $0xC;
	s11 =	sshll.u32 s11, $0x4  }
0x45: {  	s11 =	sand.u32 $0x1F0, s11;
	s12 =	sadd.s32 s3, s12  }
0x46: {  	s11 =	sadd.s32 s11, s12  }
0x47: {  	[hbm4b:s11+s6] =	stream.strided.scatter [tilespmem:s14], [sflag:$0x2], $0x4000, s7, s6, $0x38;
	[tilespmem:$0x10000] =	vst v63  }
.LBB1_8:
0x48: {  	_ =	sfence.sel $0x180000  }
0x49: {  	s2 =	simm.s32 $0x1;
	[bflag:$0x0] =	sbarrier.arrive $0xFFFF  }
0x4a: {  	s31 =	simm.s32 $0x2;
	[sflag:s2] =	ssyncpa.u1 $0x1  }
0x4b: {  	[sflag:s31] =	ssyncpa.u1 $0x1  }
0x4c: {  	p0 =	sne.s32 s1, $0x0;
	_ =	strace $0x90000047  }
0x4d: {  	s0 =	sadd.s32 @!p0 $0x100000, s0;
	[bflag:$0x2] =	sbarrier.arrive $0xFFFF  }
0x4e: {  	[sflag:s0] =	ssyncadd.tile.s32 @!p0 $0x1;
	_ =	shalt  }
.Lfunc_end1:
_tile_overlayer_lowered:
.L_overlay_start_2:
0x4f: {  	(tag) =	ssettag $0x2  }
0x50: {  	s0 =	rddreg [dreg:$0x0];
	s2 =	stileid.u32  }
0x51: {  	s1 =	rddreg [dreg:$0x1];
	p0 =	sne.s32 s2, $0x0  }
0x52: {  	s3 =	rddreg [dreg:$0x2];
	[bflag:$0x3] =	sbarrier.arrive $0xFFFF;
	s2 =	simm.s32 @!p0 $0x1C01  }
0x53: {  	[timem:s3], [sflag:s2] =	dma.local @!p0 [hbm:s0], s1  }
0x54: {  	s0 =	simm.s32 @!p0 $0x1  }
0x55: {  	_ =	swait.ge @!p0 [sflag:s0], s1  }
0x56: {  	s1 =	ssub.s32 @!p0 $0x0, s1;
	[sflag:s0] =	ssyncset.done @!p0 $0x0  }
0x57: {  	[sflag:s0] =	ssyncadd.s32 @!p0 s1  }
0x58: {  	[bflag:$0x3] =	sbarrier.arrive $0xFFFF  }
0x59: {  	_ =	shalt  }

// kernel: sparse-core-data-format-call.2.cloned.1.call-start
scs
called_computation.2_lowered:
.L_overlay_start_0:
0x0: {  	s2 =	sld [smem:$0x3FD9]  }
0x1: {  	s3 =	sld [smem:$0x3FFE];
	_ =	sdelay $0x1  }
0x2: {  	s1 =	srdreg.scid  }
0x3: {  	s0 =	sand.u32 $0x1, s1  }
0x4: {  	s18 =	sshll.u32 s0, $0xA;
	s2 =	sadd.s32 s3, s2  }
0x5: {  	s2 =	sadd.s32 s2, s18  }
0x6: {  	[smem:$0x3FC5] =	sst s2  }
0x7: {  	_ = 	snop  }
0x8: {  	s19 =	sld [smem:$0x3FC9];
	(tm) =	ssettm $0x1  }
0x9: {  	s20 =	sld [smem:$0x3FFB];
	_ =	sdelay $0x3  }
0xa: {  	_ =	strace s20  }
0xb: {  	s2 =	sld [smem:$0x3FFC];
	_ =	sdelay $0x3  }
0xc: {  	_ =	strace s2  }
0xd: {  	s2 =	sld [smem:$0x3FFD];
	_ =	sdelay $0x3  }
0xe: {  	_ =	strace s2  }
0xf: {  	_ =	strace $0x8FFFFFFF  }
0x10: {  	s21 =	sld [smem:$0x3FDB];
	_ =	sdelay $0x1  }
0x11: {  	s4 =	simm.s32 $_scs_section_size  }
0x12: {  	s5 =	simm.s32 $_size__tile_overlayer_lowered;
	s6 =	simm.s32 $_tile_overlayer_lowered  }
0x13: {  	s7 =	simm.s32 $0x1BFF;
	s22 =	sshll.u32 s6, $0x1;
	s4 =	sadd.s32 s4, s21  }
0x14: {  	s23 =	simm.s32 $0x0;
	s5 =	sshll.u32 s5, $0x1;
	s6 =	sadd.s32 s22, s4  }
0x15: {  	[timem:s23], [sflag:s7] =	dma.local [hbm:s6], s5  }
0x16: {  	_ =	swait.ge [sflag:s7], s5  }
0x17: {  	s5 =	ssub.s32 $0x0, s5;
	[sflag:s7] =	ssyncset.done $0x0  }
0x18: {  	[sflag:s7] =	ssyncadd.s32 s5;
	_ =	sdelay $0x1  }
0x19: {  	s24 =	simm.s32 $0x1B8B  }
0x1a: {  	_ =	swait.ge [sflag:s24], $0x1  }
0x1b: {  	[sflag:s24] =	ssyncset.done $0x0  }
0x1c: {  	[sflag:s24] =	ssyncadd.s32 $0xFFFFFFFF  }
0x1d: {  	s5 =	sld [smem:$0x0]  }
0x1e: {  	s6 =	sand.u32 $0xFFFFFFFE, s1  }
0x1f: {  	p0 =	sne.s32 s1, s6  }
0x20: {  	s6 =	sshll.u32 @p0 s6, $0xE  }
0x21: {  	s6 =	sadd.s32 @p0 $0x11B8D, s6;
	s7 =	sshll.u32 @p0 s5, $0x11  }
0x22: {  	s6 =	sor.u32 @p0 s7, s6  }
0x23: {  	[sflag:s6] =	ssyncadd.remote.s32 @p0 $0x1;
	_ =	sdelay $0x1  }
0x24: {  	s6 =	simm.s32 @p0 $0x1B8D  }
0x25: {  	_ =	swait.eq @p0 [sflag:s6], $0x1  }
0x26: {  	[sflag:s6] =	ssyncadd.s32 @p0 $0xFFFFFFFF  }
0x27: {  	s7 =	sshll.u32 @!p0 s1, $0xE  }
0x28: {  	s7 =	sor.u32 @!p0 $0x4000, s7;
	s6 =	simm.s32 @!p0 $0x1B8D  }
0x29: {  	s5 =	sshll.u32 @!p0 s5, $0x11;
	s7 =	sadd.s32 @!p0 $0x11B8D, s7;
	_ =	swait.eq @!p0 [sflag:s6], $0x1  }
0x2a: {  	s5 =	sor.u32 @!p0 s5, s7;
	[sflag:s6] =	ssyncadd.s32 @!p0 $0xFFFFFFFF  }
0x2b: {  	s26 =	simm.s32 $0x1B8E;
	s25 =	sld [smem:$0x3FFE];
	[sflag:s5] =	ssyncadd.remote.s32 @!p0 $0x1  }
0x2c: {  	s27 =	simm.s32 $execute0_lowered;
	[smem:$0x3FD2] =	sst s26  }
0x2d: {  	s6 =	sshll.u32 s27, $0x1;
	_ =	strace $0x8000004C;
	[dreg:$0x1] =	wrdreg $0xFFFFFFFF  }
0x2e: {  	s28 =	simm.s32 $_size_execute0_lowered;
	s4 =	sadd.s32 s4, s6;
	[dreg:$0x0] =	wrdreg $0x0  }
0x2f: {  	s6 =	sshll.u32 s28, $0x1;
	[dreg:$0x2] =	wrdreg s4  }
0x30: {  	[dreg:$0x3] =	wrdreg s6  }
0x31: {  	[dreg:$0x4] =	wrdreg $0xC0  }
0x32: {  	_ =	task [dreg:s23], $0x5FFFF  }
0x33: {  	[dreg:$0x1] =	wrdreg $0xFFFFFFFF  }
0x34: {  	[dreg:$0x0] =	wrdreg $0x60  }
0x35: {  	[dreg:$0x2] =	wrdreg s19  }
0x36: {  	[dreg:$0x3] =	wrdreg s25  }
0x37: {  	[dreg:$0x4] =	wrdreg $0xB  }
0x38: {  	_ =	task.clear_ibuf [dreg:s23], $0x5FFFF;
	_ =	strace $0x9000004C  }
0x39: {  	s29 =	simm.s32 $0xB;
	_ =	strace $0x8000004E  }
0x3a: {  	_ =	swait.ge [sflag:s29], $0x1  }
0x3b: {  	[sflag:s29] =	ssyncadd.s32 $0xFFFFFFFF  }
0x3c: {  	_ =	strace $0x9000004E  }
0x3d: {  	_ =	sfence  }
0x3e: {  	s30 =	sld [smem:$0x0];
	_ =	sdelay $0x2  }
0x3f: {  	s31 =	sshll.u32 s1, $0xD;
	s1 =	sshrl.u32 s1, $0x2  }
0x40: {  	s4 =	sand.u32 $0x4000, s31;
	s1 =	sadd.s32 s1, s30  }
0x41: {  	s0 =	sor.u32 s4, s0;
	s1 =	sshll.u32 s1, $0x11  }
0x42: {  	s0 =	sor.u32 s1, s0  }
0x43: {  	s0 =	sadd.s32 $0x8F2B, s0  }
0x44: {  	[sflag:s0] =	ssyncadd.remote.s32 $0x1  }
0x45: {  	_ =	sfence.sel $0xFFFF  }
0x46: {  	[dreg:$0x0] =	wrdreg $0xFFFFFFFF;
	(pc) =	sbr.abs _section_cstart, $3  }
0x47: {  	[dreg:$0x1] =	wrdreg $0xFFFFFFFF  }
0x48: {  	_ =	task.clear_ibuf [dreg:s23], $0x2FFFF;
	_ =	strace $0x9FFFFFFF  }
0x49: {  	(tm) =	ssettm $0x7FFFFFFF  }
tec
execute0_lowered:
.L_overlay_start_1:
0x0: {  	(tag) =	ssettag $0x1  }
0x1: {  	s2 =	rddreg [dreg:$0x0]  }
0x2: {  	s1 =	rddreg [dreg:$0x1]  }
0x3: {  	s0 =	rddreg [dreg:$0x2];
	_ =	strace $0x8000004D;
	s4 =	srdreg.scid  }
0x4: {  	s6 =	simm.s32 $0x2;
	s11 =	simm.s32 $0x0;
	p0 =	por $0x0, $0x0  }
.Ltmp0:
0x5: {  	s7 =	simm.s32 $0x1000;
	s12 =	simm.s32 $0x0;
	(pc) =	sbr.rel .LBB1_1-.Ltmp0, $4  }
0x6: {  	s9 =	simm.s32 $0x0;
	s3 =	sadd.s32 $0x800E00, s1;
	s5 =	sshll.u32 s4, $0x4  }
0x7: {  	s1 =	stileid.u32;
	s4 =	simm.s32 $0x1;
	s5 =	sand.u32 $0x10, s5  }
0x8: {  	s8 =	simm.s32 $0x0;
	[sflag:s4] =	ssyncpa.u1 $0x0;
	s5 =	sor.u32 s1, s5  }
0x9: {  	[sflag:s6] =	ssyncpa.u1 $0x0;
	s6 =	simm.s32 $0x800;
	s10 =	smov.u32 s5  }
.LBB1_7:
0xa: {  	s13 =	sadd.s32 $0x10, s9  }
0xb: {  	s11 =	sadd.s32 $0x20, s10;
	s15 =	smov.u32 s10;
	p2 =	sgt.s32 s13, $0x1F  }
0xc: {  	p1 =	slt.u32 s8, $0x2;
	s15 =	smov.u32 @p2 s11  }
0xd: {  	s8 =	sadd.s32 $0x1, s8;
	s13 =	simm.s32 @p2 $0x0;
	p2 =	sgt.s32 s15, $0x3FF  }
0xe: {  	s15 =	smov.u32 @p2 s5;
	p2 =	sne.s32 s8, $0x42  }
.Ltmp1:
0xf: {  	_ = 	snop;
	(pc) =	sbr.rel @!p2 .LBB1_8-.Ltmp1, $4  }
0x10: {  	s14 =	simm.s32 @!p1 $0x2  }
0x11: {  	s12 =	smov.u32 s10;
	_ =	swait.ge @!p1 [sflag:s14], $0x4000  }
0x12: {  	p0 =	por !p0, !p0;
	s11 =	smov.u32 s9;
	[sflag:s14] =	ssyncset.done @!p1 $0x0  }
0x13: {  	s9 =	smov.u32 s13;
	[sflag:s14] =	ssyncadd.s32 @!p1 $0xFFFFC000;
	s10 =	smov.u32 s15  }
.LBB1_1:
0x14: {  	p1 =	sgt.u32 s8, $0x3F  }
0x15: {  	s13 =	sxor.u32 @!p1 $0xFFFFFFFF, s8;
	s14 =	sshll.u32 @!p1 s10, $0xC  }
0x16: {  	s15 =	sshll.u32 @!p1 s9, $0x7;
	s13 =	sshll.u32 @!p1 s13, $0xE;
	s14 =	sadd.s32 @!p1 s2, s14  }
0x17: {  	s13 =	sand.u32 @!p1 $0x4000, s13;
	s14 =	sadd.s32 @!p1 s15, s14;
	s15 =	simm.s32 @!p1 $0x0  }
0x18: {  	[tilespmem:s13], [sflag:$0x1] =	stream.linear.gather @!p1 [hbm4b:s14+s15], $0x4000, $0x38;
	[tilespmem:$0x10000] =	vst v63  }
0x19: {  	p1 =	seq.s32 s8, $0x0  }
0x1a: {  	p2 =	seq.s32 @!p1 s8, $0x41  }
0x1b: {  	p1 =	por p1, p2  }
.Ltmp2:
0x1c: {  	_ = 	snop;
	(pc) =	sbr.rel @p1 .LBB1_7-.Ltmp2, $1  }
0x1d: {  	_ =	sdelay $0x3  }
0x1e: {  	s13 =	simm.s32 $0x1;
	_ =	swait.ge [sflag:s4], $0x4000;
	s16 =	sshll.u32 s8, $0xE  }
0x1f: {  	s13 =	simm.s32 @!p0 $0x0;
	[sflag:s4] =	ssyncset.done $0x0;
	s31 =	sand.u32 $0x4000, s16  }
0x20: {  	s16 =	simm.s32 $0x0;
	s14 =	sshll.u32 s13, $0xE;
	[sflag:s4] =	ssyncadd.s32 $0xFFFFC000  }
0x21: {  	s13 =	sor.u32 $0x8040, s14;
	s15 =	sor.u32 $0x40, s14;
	s14 =	sor.u32 $0x8000, s31  }
.LBB1_3:
0x22: {  	v0 =	vmov s15;
	_ =	sdelay $0x3  }
0x23: {  	s18 =	simm.s32 $0x0  }
0x24: {  	v6 =	vld.idx.msk [tilespmem:v0+s18+$0x30 ss:$0x1], $0xffff  }
0x25: {  	v7 =	vld.idx.msk [tilespmem:v0+s18+$0xFFFFFFC0 ss:$0x1], $0xffff  }
0x26: {  	v5 =	vld.idx.msk [tilespmem:v0+s18+$0xFFFFFFD0 ss:$0x1], $0xffff  }
0x27: {  	v4 =	vld.idx.msk [tilespmem:v0+s18+$0xFFFFFFE0 ss:$0x1], $0xffff  }
0x28: {  	v3 =	vld.idx.msk [tilespmem:v0+s18+$0xFFFFFFF0 ss:$0x1], $0xffff  }
0x29: {  	v1 =	vld.idx.msk [tilespmem:v0+s18+$0x0 ss:$0x1], $0xffff  }
0x2a: {  	v2 =	vld.idx.msk [tilespmem:v0+s18+$0x10 ss:$0x1], $0xffff;
	[tilespmem:s13+$0x30] =	vst v6  }
0x2b: {  	s17 =	simm.s32 $0x80;
	s19 =	simm.s32 $0x400;
	[tilespmem:s13+$0xFFFFFFC0] =	vst v7;
	v6 =	vld.idx.msk [tilespmem:v0+s18+$0x20 ss:$0x1], $0xffff;
	s18 =	smov.u32 s13  }
.LBB1_4:
0x2c: {  	p1 =	sne.s32 s19, $0xE00;
	v7 =	vld.idx.msk [tilespmem:v0+s17+$0x30 ss:$0x1], $0xffff;
	[tilespmem:s18+$0xFFFFFFD0] =	vst v5  }
0x2d: {  	v8 =	vld.idx.msk [tilespmem:v0+s17+$0xFFFFFFC0 ss:$0x1], $0xffff;
	[tilespmem:s18+$0xFFFFFFE0] =	vst v4  }
0x2e: {  	v5 =	vld.idx.msk [tilespmem:v0+s17+$0xFFFFFFD0 ss:$0x1], $0xffff;
	[tilespmem:s18+$0xFFFFFFF0] =	vst v3  }
.Ltmp3:
0x2f: {  	v4 =	vld.idx.msk [tilespmem:v0+s17+$0xFFFFFFE0 ss:$0x1], $0xffff;
	[tilespmem:s18+$0x0] =	vst v1;
	(pc) =	sbr.rel @p1 .LBB1_4-.Ltmp3, $4  }
0x30: {  	v3 =	vld.idx.msk [tilespmem:v0+s17+$0xFFFFFFF0 ss:$0x1], $0xffff;
	[tilespmem:s18+$0x10] =	vst v2  }
0x31: {  	v1 =	vld.idx.msk [tilespmem:v0+s17+$0x0 ss:$0x1], $0xffff;
	[tilespmem:s18+$0x20] =	vst v6;
	s18 =	sadd.s32 $0x800, s18  }
0x32: {  	v2 =	vld.idx.msk [tilespmem:v0+s17+$0x10 ss:$0x1], $0xffff;
	[tilespmem:s18+$0x30] =	vst v7  }
0x33: {  	[tilespmem:s18+$0xFFFFFFC0] =	vst v8;
	v6 =	vld.idx.msk [tilespmem:v0+s17+$0x20 ss:$0x1], $0xffff;
	s17 =	sshra.s32 s19, $0x2;
	s19 =	sadd.s32 $0x200, s19  }
0x34: {  	_ =	sdelay $0x2  }
0x35: {  	[tilespmem:s18+$0xFFFFFFD0] =	vst v5  }
0x36: {  	v56 =	vld.idx.msk [tilespmem:v0+s17+$0x30 ss:$0x1], $0xffff;
	[tilespmem:s18+$0xFFFFFFE0] =	vst v4  }
0x37: {  	v57 =	vld.idx.msk [tilespmem:v0+s17+$0xFFFFFFC0 ss:$0x1], $0xffff;
	[tilespmem:s18+$0xFFFFFFF0] =	vst v3  }
0x38: {  	v58 =	vld.idx.msk [tilespmem:v0+s17+$0xFFFFFFD0 ss:$0x1], $0xffff;
	[tilespmem:s18+$0x0] =	vst v1  }
0x39: {  	v59 =	vld.idx.msk [tilespmem:v0+s17+$0xFFFFFFE0 ss:$0x1], $0xffff;
	[tilespmem:s18+$0x10] =	vst v2  }
0x3a: {  	v60 =	vld.idx.msk [tilespmem:v0+s17+$0xFFFFFFF0 ss:$0x1], $0xffff;
	s31 =	sadd.s32 $0x800, s18;
	[tilespmem:s18+$0x20] =	vst v6  }
0x3b: {  	v61 =	vld.idx.msk [tilespmem:v0+s17+$0x0 ss:$0x1], $0xffff;
	[tilespmem:s31+$0x30] =	vst v56  }
0x3c: {  	v62 =	vld.idx.msk [tilespmem:v0+s17+$0x10 ss:$0x1], $0xffff;
	s16 =	sadd.s32 $0x1, s16;
	[tilespmem:s31+$0xFFFFFFC0] =	vst v57  }
0x3d: {  	v63 =	vld.idx.msk [tilespmem:v0+s17+$0x20 ss:$0x1], $0xffff;
	p1 =	sne.s32 s16, $0x10;
	[tilespmem:s31+$0xFFFFFFD0] =	vst v58  }
.Ltmp4:
0x3e: {  	[tilespmem:s31+$0xFFFFFFE0] =	vst v59;
	(pc) =	sbr.rel @p1 .LBB1_3-.Ltmp4, $4  }
0x3f: {  	[tilespmem:s31+$0xFFFFFFF0] =	vst v60  }
0x40: {  	[tilespmem:s31+$0x0] =	vst v61  }
0x41: {  	[tilespmem:s31+$0x10] =	vst v62  }
0x42: {  	s13 =	sadd.s32 $0x80, s13;
	s15 =	sadd.s32 $0x400, s15;
	[tilespmem:s31+$0x20] =	vst v63  }
.Ltmp5:
0x43: {  	(pc) =	sbr.rel .LBB1_7-.Ltmp5, $4  }
0x44: {  	s12 =	sshll.u32 s12, $0xC;
	s11 =	sshll.u32 s11, $0x4  }
0x45: {  	s11 =	sand.u32 $0x1F0, s11;
	s12 =	sadd.s32 s3, s12  }
0x46: {  	s11 =	sadd.s32 s11, s12  }
0x47: {  	[hbm4b:s11+s6] =	stream.strided.scatter [tilespmem:s14], [sflag:$0x2], $0x4000, s7, s6, $0x38;
	[tilespmem:$0x10000] =	vst v63  }
.LBB1_8:
0x48: {  	_ =	sfence.sel $0x180000  }
0x49: {  	s2 =	simm.s32 $0x1;
	[bflag:$0x0] =	sbarrier.arrive $0xFFFF  }
0x4a: {  	s31 =	simm.s32 $0x2;
	[sflag:s2] =	ssyncpa.u1 $0x1  }
0x4b: {  	[sflag:s31] =	ssyncpa.u1 $0x1  }
0x4c: {  	p0 =	sne.s32 s1, $0x0;
	_ =	strace $0x9000004D  }
0x4d: {  	s0 =	sadd.s32 @!p0 $0x100000, s0;
	[bflag:$0x2] =	sbarrier.arrive $0xFFFF  }
0x4e: {  	[sflag:s0] =	ssyncadd.tile.s32 @!p0 $0x1;
	_ =	shalt  }
.Lfunc_end1:
_tile_overlayer_lowered:
.L_overlay_start_2:
0x4f: {  	(tag) =	ssettag $0x2  }
0x50: {  	s0 =	rddreg [dreg:$0x0];
	s2 =	stileid.u32  }
0x51: {  	s1 =	rddreg [dreg:$0x1];
	p0 =	sne.s32 s2, $0x0  }
0x52: {  	s3 =	rddreg [dreg:$0x2];
	[bflag:$0x3] =	sbarrier.arrive $0xFFFF;
	s2 =	simm.s32 @!p0 $0x1C01  }
0x53: {  	[timem:s3], [sflag:s2] =	dma.local @!p0 [hbm:s0], s1  }
0x54: {  	s0 =	simm.s32 @!p0 $0x1  }
0x55: {  	_ =	swait.ge @!p0 [sflag:s0], s1  }
0x56: {  	s1 =	ssub.s32 @!p0 $0x0, s1;
	[sflag:s0] =	ssyncset.done @!p0 $0x0  }
0x57: {  	[sflag:s0] =	ssyncadd.s32 @!p0 s1  }
0x58: {  	[bflag:$0x3] =	sbarrier.arrive $0xFFFF  }
0x59: {  	_ =	shalt  }

// kernel: sparse-core-data-format-call.cloned.1.call-start
scs
called_computation_lowered:
.L_overlay_start_0:
0x0: {  	s2 =	sld [smem:$0x3FD9]  }
0x1: {  	s3 =	sld [smem:$0x3FFE];
	_ =	sdelay $0x1  }
0x2: {  	s1 =	srdreg.scid  }
0x3: {  	s0 =	sand.u32 $0x1, s1  }
0x4: {  	s18 =	sshll.u32 s0, $0xA;
	s2 =	sadd.s32 s3, s2  }
0x5: {  	s2 =	sadd.s32 s2, s18  }
0x6: {  	[smem:$0x3FC5] =	sst s2  }
0x7: {  	_ = 	snop  }
0x8: {  	s19 =	sld [smem:$0x3FC7];
	(tm) =	ssettm $0x1  }
0x9: {  	s20 =	sld [smem:$0x3FFB];
	_ =	sdelay $0x3  }
0xa: {  	_ =	strace s20  }
0xb: {  	s2 =	sld [smem:$0x3FFC];
	_ =	sdelay $0x3  }
0xc: {  	_ =	strace s2  }
0xd: {  	s2 =	sld [smem:$0x3FFD];
	_ =	sdelay $0x3  }
0xe: {  	_ =	strace s2  }
0xf: {  	_ =	strace $0x8FFFFFFF  }
0x10: {  	s21 =	sld [smem:$0x3FDB];
	_ =	sdelay $0x1  }
0x11: {  	s4 =	simm.s32 $_scs_section_size  }
0x12: {  	s5 =	simm.s32 $_size__tile_overlayer_lowered;
	s6 =	simm.s32 $_tile_overlayer_lowered  }
0x13: {  	s7 =	simm.s32 $0x1BFF;
	s22 =	sshll.u32 s6, $0x1;
	s4 =	sadd.s32 s4, s21  }
0x14: {  	s23 =	simm.s32 $0x0;
	s5 =	sshll.u32 s5, $0x1;
	s6 =	sadd.s32 s22, s4  }
0x15: {  	[timem:s23], [sflag:s7] =	dma.local [hbm:s6], s5  }
0x16: {  	_ =	swait.ge [sflag:s7], s5  }
0x17: {  	s5 =	ssub.s32 $0x0, s5;
	[sflag:s7] =	ssyncset.done $0x0  }
0x18: {  	[sflag:s7] =	ssyncadd.s32 s5;
	_ =	sdelay $0x1  }
0x19: {  	s24 =	simm.s32 $0x1B8B  }
0x1a: {  	_ =	swait.ge [sflag:s24], $0x1  }
0x1b: {  	[sflag:s24] =	ssyncset.done $0x0  }
0x1c: {  	[sflag:s24] =	ssyncadd.s32 $0xFFFFFFFF  }
0x1d: {  	s5 =	sld [smem:$0x0]  }
0x1e: {  	s6 =	sand.u32 $0xFFFFFFFE, s1  }
0x1f: {  	p0 =	sne.s32 s1, s6  }
0x20: {  	s6 =	sshll.u32 @p0 s6, $0xE  }
0x21: {  	s6 =	sadd.s32 @p0 $0x11B8D, s6;
	s7 =	sshll.u32 @p0 s5, $0x11  }
0x22: {  	s6 =	sor.u32 @p0 s7, s6  }
0x23: {  	[sflag:s6] =	ssyncadd.remote.s32 @p0 $0x1;
	_ =	sdelay $0x1  }
0x24: {  	s6 =	simm.s32 @p0 $0x1B8D  }
0x25: {  	_ =	swait.eq @p0 [sflag:s6], $0x1  }
0x26: {  	[sflag:s6] =	ssyncadd.s32 @p0 $0xFFFFFFFF  }
0x27: {  	s7 =	sshll.u32 @!p0 s1, $0xE  }
0x28: {  	s7 =	sor.u32 @!p0 $0x4000, s7;
	s6 =	simm.s32 @!p0 $0x1B8D  }
0x29: {  	s5 =	sshll.u32 @!p0 s5, $0x11;
	s7 =	sadd.s32 @!p0 $0x11B8D, s7;
	_ =	swait.eq @!p0 [sflag:s6], $0x1  }
0x2a: {  	s5 =	sor.u32 @!p0 s5, s7;
	[sflag:s6] =	ssyncadd.s32 @!p0 $0xFFFFFFFF  }
0x2b: {  	s26 =	simm.s32 $0x1B8E;
	s25 =	sld [smem:$0x3FFE];
	[sflag:s5] =	ssyncadd.remote.s32 @!p0 $0x1  }
0x2c: {  	s27 =	simm.s32 $execute0_lowered;
	[smem:$0x3FD2] =	sst s26  }
0x2d: {  	s6 =	sshll.u32 s27, $0x1;
	_ =	strace $0x80000049;
	[dreg:$0x1] =	wrdreg $0xFFFFFFFF  }
0x2e: {  	s28 =	simm.s32 $_size_execute0_lowered;
	s4 =	sadd.s32 s4, s6;
	[dreg:$0x0] =	wrdreg $0x0  }
0x2f: {  	s6 =	sshll.u32 s28, $0x1;
	[dreg:$0x2] =	wrdreg s4  }
0x30: {  	[dreg:$0x3] =	wrdreg s6  }
0x31: {  	[dreg:$0x4] =	wrdreg $0xC0  }
0x32: {  	_ =	task [dreg:s23], $0x5FFFF  }
0x33: {  	[dreg:$0x1] =	wrdreg $0xFFFFFFFF  }
0x34: {  	[dreg:$0x0] =	wrdreg $0x60  }
0x35: {  	[dreg:$0x2] =	wrdreg s19  }
0x36: {  	[dreg:$0x3] =	wrdreg s25  }
0x37: {  	[dreg:$0x4] =	wrdreg $0x9  }
0x38: {  	_ =	task.clear_ibuf [dreg:s23], $0x5FFFF;
	_ =	strace $0x90000049  }
0x39: {  	s29 =	simm.s32 $0x9;
	_ =	strace $0x8000004B  }
0x3a: {  	_ =	swait.ge [sflag:s29], $0x1  }
0x3b: {  	[sflag:s29] =	ssyncadd.s32 $0xFFFFFFFF  }
0x3c: {  	_ =	strace $0x9000004B  }
0x3d: {  	_ =	sfence  }
0x3e: {  	s30 =	sld [smem:$0x0];
	_ =	sdelay $0x2  }
0x3f: {  	s31 =	sshll.u32 s1, $0xD;
	s1 =	sshrl.u32 s1, $0x2  }
0x40: {  	s4 =	sand.u32 $0x4000, s31;
	s1 =	sadd.s32 s1, s30  }
0x41: {  	s0 =	sor.u32 s4, s0;
	s1 =	sshll.u32 s1, $0x11  }
0x42: {  	s0 =	sor.u32 s1, s0  }
0x43: {  	s0 =	sadd.s32 $0x8F2B, s0  }
0x44: {  	[sflag:s0] =	ssyncadd.remote.s32 $0x1  }
0x45: {  	_ =	sfence.sel $0xFFFF  }
0x46: {  	[dreg:$0x0] =	wrdreg $0xFFFFFFFF;
	(pc) =	sbr.abs _section_cstart, $3  }
0x47: {  	[dreg:$0x1] =	wrdreg $0xFFFFFFFF  }
0x48: {  	_ =	task.clear_ibuf [dreg:s23], $0x2FFFF;
	_ =	strace $0x9FFFFFFF  }
0x49: {  	(tm) =	ssettm $0x7FFFFFFF  }
tec
execute0_lowered:
.L_overlay_start_1:
0x0: {  	(tag) =	ssettag $0x1  }
0x1: {  	s2 =	rddreg [dreg:$0x0]  }
0x2: {  	s1 =	rddreg [dreg:$0x1]  }
0x3: {  	s0 =	rddreg [dreg:$0x2];
	_ =	strace $0x8000004A;
	s4 =	srdreg.scid  }
0x4: {  	s6 =	simm.s32 $0x2;
	s11 =	simm.s32 $0x0;
	p0 =	por $0x0, $0x0  }
.Ltmp0:
0x5: {  	s7 =	simm.s32 $0x1000;
	s12 =	simm.s32 $0x0;
	(pc) =	sbr.rel .LBB1_1-.Ltmp0, $4  }
0x6: {  	s9 =	simm.s32 $0x0;
	s3 =	sadd.s32 $0x400E00, s1;
	s5 =	sshll.u32 s4, $0x4  }
0x7: {  	s1 =	stileid.u32;
	s4 =	simm.s32 $0x1;
	s5 =	sand.u32 $0x10, s5  }
0x8: {  	s8 =	simm.s32 $0x0;
	[sflag:s4] =	ssyncpa.u1 $0x0;
	s5 =	sor.u32 s1, s5  }
0x9: {  	[sflag:s6] =	ssyncpa.u1 $0x0;
	s6 =	simm.s32 $0x800;
	s10 =	smov.u32 s5  }
.LBB1_7:
0xa: {  	s13 =	sadd.s32 $0x10, s9  }
0xb: {  	s11 =	sadd.s32 $0x20, s10;
	s15 =	smov.u32 s10;
	p2 =	sgt.s32 s13, $0x1F  }
0xc: {  	p1 =	slt.u32 s8, $0x2;
	s15 =	smov.u32 @p2 s11  }
0xd: {  	s8 =	sadd.s32 $0x1, s8;
	s13 =	simm.s32 @p2 $0x0;
	p2 =	sgt.s32 s15, $0x3FF  }
0xe: {  	s15 =	smov.u32 @p2 s5;
	p2 =	sne.s32 s8, $0x42  }
.Ltmp1:
0xf: {  	_ = 	snop;
	(pc) =	sbr.rel @!p2 .LBB1_8-.Ltmp1, $4  }
0x10: {  	s14 =	simm.s32 @!p1 $0x2  }
0x11: {  	s12 =	smov.u32 s10;
	_ =	swait.ge @!p1 [sflag:s14], $0x4000  }
0x12: {  	p0 =	por !p0, !p0;
	s11 =	smov.u32 s9;
	[sflag:s14] =	ssyncset.done @!p1 $0x0  }
0x13: {  	s9 =	smov.u32 s13;
	[sflag:s14] =	ssyncadd.s32 @!p1 $0xFFFFC000;
	s10 =	smov.u32 s15  }
.LBB1_1:
0x14: {  	p1 =	sgt.u32 s8, $0x3F  }
0x15: {  	s13 =	sxor.u32 @!p1 $0xFFFFFFFF, s8;
	s14 =	sshll.u32 @!p1 s10, $0xC  }
0x16: {  	s15 =	sshll.u32 @!p1 s9, $0x7;
	s13 =	sshll.u32 @!p1 s13, $0xE;
	s14 =	sadd.s32 @!p1 s2, s14  }
0x17: {  	s13 =	sand.u32 @!p1 $0x4000, s13;
	s14 =	sadd.s32 @!p1 s15, s14;
	s15 =	simm.s32 @!p1 $0x0  }
0x18: {  	[tilespmem:s13], [sflag:$0x1] =	stream.linear.gather @!p1 [hbm4b:s14+s15], $0x4000, $0x38;
	[tilespmem:$0x10000] =	vst v63  }
0x19: {  	p1 =	seq.s32 s8, $0x0  }
0x1a: {  	p2 =	seq.s32 @!p1 s8, $0x41  }
0x1b: {  	p1 =	por p1, p2  }
.Ltmp2:
0x1c: {  	_ = 	snop;
	(pc) =	sbr.rel @p1 .LBB1_7-.Ltmp2, $1  }
0x1d: {  	_ =	sdelay $0x3  }
0x1e: {  	s13 =	simm.s32 $0x1;
	_ =	swait.ge [sflag:s4], $0x4000;
	s16 =	sshll.u32 s8, $0xE  }
0x1f: {  	s13 =	simm.s32 @!p0 $0x0;
	[sflag:s4] =	ssyncset.done $0x0;
	s31 =	sand.u32 $0x4000, s16  }
0x20: {  	s16 =	simm.s32 $0x0;
	s14 =	sshll.u32 s13, $0xE;
	[sflag:s4] =	ssyncadd.s32 $0xFFFFC000  }
0x21: {  	s13 =	sor.u32 $0x8040, s14;
	s15 =	sor.u32 $0x40, s14;
	s14 =	sor.u32 $0x8000, s31  }
.LBB1_3:
0x22: {  	v0 =	vmov s15;
	_ =	sdelay $0x3  }
0x23: {  	s18 =	simm.s32 $0x0  }
0x24: {  	v6 =	vld.idx.msk [tilespmem:v0+s18+$0x30 ss:$0x1], $0xffff  }
0x25: {  	v7 =	vld.idx.msk [tilespmem:v0+s18+$0xFFFFFFC0 ss:$0x1], $0xffff  }
0x26: {  	v5 =	vld.idx.msk [tilespmem:v0+s18+$0xFFFFFFD0 ss:$0x1], $0xffff  }
0x27: {  	v4 =	vld.idx.msk [tilespmem:v0+s18+$0xFFFFFFE0 ss:$0x1], $0xffff  }
0x28: {  	v3 =	vld.idx.msk [tilespmem:v0+s18+$0xFFFFFFF0 ss:$0x1], $0xffff  }
0x29: {  	v1 =	vld.idx.msk [tilespmem:v0+s18+$0x0 ss:$0x1], $0xffff  }
0x2a: {  	v2 =	vld.idx.msk [tilespmem:v0+s18+$0x10 ss:$0x1], $0xffff;
	[tilespmem:s13+$0x30] =	vst v6  }
0x2b: {  	s17 =	simm.s32 $0x80;
	s19 =	simm.s32 $0x400;
	[tilespmem:s13+$0xFFFFFFC0] =	vst v7;
	v6 =	vld.idx.msk [tilespmem:v0+s18+$0x20 ss:$0x1], $0xffff;
	s18 =	smov.u32 s13  }
.LBB1_4:
0x2c: {  	p1 =	sne.s32 s19, $0xE00;
	v7 =	vld.idx.msk [tilespmem:v0+s17+$0x30 ss:$0x1], $0xffff;
	[tilespmem:s18+$0xFFFFFFD0] =	vst v5  }
0x2d: {  	v8 =	vld.idx.msk [tilespmem:v0+s17+$0xFFFFFFC0 ss:$0x1], $0xffff;
	[tilespmem:s18+$0xFFFFFFE0] =	vst v4  }
0x2e: {  	v5 =	vld.idx.msk [tilespmem:v0+s17+$0xFFFFFFD0 ss:$0x1], $0xffff;
	[tilespmem:s18+$0xFFFFFFF0] =	vst v3  }
.Ltmp3:
0x2f: {  	v4 =	vld.idx.msk [tilespmem:v0+s17+$0xFFFFFFE0 ss:$0x1], $0xffff;
	[tilespmem:s18+$0x0] =	vst v1;
	(pc) =	sbr.rel @p1 .LBB1_4-.Ltmp3, $4  }
0x30: {  	v3 =	vld.idx.msk [tilespmem:v0+s17+$0xFFFFFFF0 ss:$0x1], $0xffff;
	[tilespmem:s18+$0x10] =	vst v2  }
0x31: {  	v1 =	vld.idx.msk [tilespmem:v0+s17+$0x0 ss:$0x1], $0xffff;
	[tilespmem:s18+$0x20] =	vst v6;
	s18 =	sadd.s32 $0x800, s18  }
0x32: {  	v2 =	vld.idx.msk [tilespmem:v0+s17+$0x10 ss:$0x1], $0xffff;
	[tilespmem:s18+$0x30] =	vst v7  }
0x33: {  	[tilespmem:s18+$0xFFFFFFC0] =	vst v8;
	v6 =	vld.idx.msk [tilespmem:v0+s17+$0x20 ss:$0x1], $0xffff;
	s17 =	sshra.s32 s19, $0x2;
	s19 =	sadd.s32 $0x200, s19  }
0x34: {  	_ =	sdelay $0x2  }
0x35: {  	[tilespmem:s18+$0xFFFFFFD0] =	vst v5  }
0x36: {  	v56 =	vld.idx.msk [tilespmem:v0+s17+$0x30 ss:$0x1], $0xffff;
	[tilespmem:s18+$0xFFFFFFE0] =	vst v4  }
0x37: {  	v57 =	vld.idx.msk [tilespmem:v0+s17+$0xFFFFFFC0 ss:$0x1], $0xffff;
	[tilespmem:s18+$0xFFFFFFF0] =	vst v3  }
0x38: {  	v58 =	vld.idx.msk [tilespmem:v0+s17+$0xFFFFFFD0 ss:$0x1], $0xffff;
	[tilespmem:s18+$0x0] =	vst v1  }
0x39: {  	v59 =	vld.idx.msk [tilespmem:v0+s17+$0xFFFFFFE0 ss:$0x1], $0xffff;
	[tilespmem:s18+$0x10] =	vst v2  }
0x3a: {  	v60 =	vld.idx.msk [tilespmem:v0+s17+$0xFFFFFFF0 ss:$0x1], $0xffff;
	s31 =	sadd.s32 $0x800, s18;
	[tilespmem:s18+$0x20] =	vst v6  }
0x3b: {  	v61 =	vld.idx.msk [tilespmem:v0+s17+$0x0 ss:$0x1], $0xffff;
	[tilespmem:s31+$0x30] =	vst v56  }
0x3c: {  	v62 =	vld.idx.msk [tilespmem:v0+s17+$0x10 ss:$0x1], $0xffff;
	s16 =	sadd.s32 $0x1, s16;
	[tilespmem:s31+$0xFFFFFFC0] =	vst v57  }
0x3d: {  	v63 =	vld.idx.msk [tilespmem:v0+s17+$0x20 ss:$0x1], $0xffff;
	p1 =	sne.s32 s16, $0x10;
	[tilespmem:s31+$0xFFFFFFD0] =	vst v58  }
.Ltmp4:
0x3e: {  	[tilespmem:s31+$0xFFFFFFE0] =	vst v59;
	(pc) =	sbr.rel @p1 .LBB1_3-.Ltmp4, $4  }
0x3f: {  	[tilespmem:s31+$0xFFFFFFF0] =	vst v60  }
0x40: {  	[tilespmem:s31+$0x0] =	vst v61  }
0x41: {  	[tilespmem:s31+$0x10] =	vst v62  }
0x42: {  	s13 =	sadd.s32 $0x80, s13;
	s15 =	sadd.s32 $0x400, s15;
	[tilespmem:s31+$0x20] =	vst v63  }
.Ltmp5:
0x43: {  	(pc) =	sbr.rel .LBB1_7-.Ltmp5, $4  }
0x44: {  	s12 =	sshll.u32 s12, $0xC;
	s11 =	sshll.u32 s11, $0x4  }
0x45: {  	s11 =	sand.u32 $0x1F0, s11;
	s12 =	sadd.s32 s3, s12  }
0x46: {  	s11 =	sadd.s32 s11, s12  }
0x47: {  	[hbm4b:s11+s6] =	stream.strided.scatter [tilespmem:s14], [sflag:$0x2], $0x4000, s7, s6, $0x38;
	[tilespmem:$0x10000] =	vst v63  }
.LBB1_8:
0x48: {  	_ =	sfence.sel $0x180000  }
0x49: {  	s2 =	simm.s32 $0x1;
	[bflag:$0x0] =	sbarrier.arrive $0xFFFF  }
0x4a: {  	s31 =	simm.s32 $0x2;
	[sflag:s2] =	ssyncpa.u1 $0x1  }
0x4b: {  	[sflag:s31] =	ssyncpa.u1 $0x1  }
0x4c: {  	p0 =	sne.s32 s1, $0x0;
	_ =	strace $0x9000004A  }
0x4d: {  	s0 =	sadd.s32 @!p0 $0x100000, s0;
	[bflag:$0x2] =	sbarrier.arrive $0xFFFF  }
0x4e: {  	[sflag:s0] =	ssyncadd.tile.s32 @!p0 $0x1;
	_ =	shalt  }
.Lfunc_end1:
_tile_overlayer_lowered:
.L_overlay_start_2:
0x4f: {  	(tag) =	ssettag $0x2  }
0x50: {  	s0 =	rddreg [dreg:$0x0];
	s2 =	stileid.u32  }
0x51: {  	s1 =	rddreg [dreg:$0x1];
	p0 =	sne.s32 s2, $0x0  }
0x52: {  	s3 =	rddreg [dreg:$0x2];
	[bflag:$0x3] =	sbarrier.arrive $0xFFFF;
	s2 =	simm.s32 @!p0 $0x1C01  }
0x53: {  	[timem:s3], [sflag:s2] =	dma.local @!p0 [hbm:s0], s1  }
0x54: {  	s0 =	simm.s32 @!p0 $0x1  }
0x55: {  	_ =	swait.ge @!p0 [sflag:s0], s1  }
0x56: {  	s1 =	ssub.s32 @!p0 $0x0, s1;
	[sflag:s0] =	ssyncset.done @!p0 $0x0  }
0x57: {  	[sflag:s0] =	ssyncadd.s32 @!p0 s1  }
0x58: {  	[bflag:$0x3] =	sbarrier.arrive $0xFFFF  }
0x59: {  	_ =	shalt  }

</sc_bundles>
